<compile_context>
chip_gen: v7x
topology: tpu7x:2x2x1
jax: 0.10.2.dev20260603
libtpu: 0.0.44.dev20260713+nightly
codegen_flags: <defaults>
</compile_context>

<pallas_src>
import functools

import jax
import jax.numpy as jnp
from jax import lax
from jax.experimental import pallas as pl
from jax.experimental.pallas import tpu as pltpu
from jax.experimental.pallas import tpu_sc as plsc

N = 10000
E = 160000
D_IN = 256
D_HID = 512

NP_ = 10240
EP = 163840
NC = 2
NS = 16
ROWS_PER_TILE = NP_ // NS
RB = 1024
GRID_R = NP_ // RB


def _sc_degree(dstp):
    ept = EP // (NC * NS)
    nbatch = ept // 128

    @functools.partial(
        pl.kernel,
        out_type=jax.ShapeDtypeStruct((NC * NP_, 16), jnp.float32),
        mesh=plsc.VectorSubcoreMesh(core_axis_name="c", subcore_axis_name="s"),
        scratch_types=[
            pltpu.VMEM_SHARED((NP_, 16), jnp.float32),
            pltpu.VMEM((128,), jnp.int32),
            pltpu.VMEM((128, 16), jnp.float32),
            pltpu.VMEM((128, 16), jnp.float32),
        ],
    )
    def k(dst_hbm, out_hbm, acc_sh, idx_v, ones_v, zb_v):
        c = lax.axis_index("c")
        s = lax.axis_index("s")
        wid = s * NC + c
        zero16 = jnp.zeros((16,), jnp.float32)
        ones16 = jnp.ones((16,), jnp.float32)

        def init_loop(i, carry):
            ones_v[i, :] = ones16
            zb_v[i, :] = zero16
            return carry

        lax.fori_loop(0, 128, init_loop, 0)
        for kk in range(ROWS_PER_TILE // 128):
            pltpu.sync_copy(
                zb_v, acc_sh.at[pl.ds(s * ROWS_PER_TILE + kk * 128, 128)])
        plsc.subcore_barrier()

        base = wid * ept

        def body(b, carry):
            pltpu.sync_copy(dst_hbm.at[pl.ds(base + b * 128, 128)], idx_v)
            pltpu.sync_copy(ones_v, acc_sh.at[idx_v], add=True)
            return carry

        lax.fori_loop(0, nbatch, body, 0)
        plsc.subcore_barrier()
        for kk in range(ROWS_PER_TILE // 128):
            r0 = s * ROWS_PER_TILE + kk * 128
            pltpu.sync_copy(acc_sh.at[pl.ds(r0, 128)],
                            out_hbm.at[pl.ds(c * NP_ + r0, 128)])

    return k(dstp)


def _sc_aggregate(g_tab, srcp, dstp, nb):
    ept = EP // NS
    nbatch = ept // 128
    passes = nb // NC

    @functools.partial(
        pl.kernel,
        out_type=jax.ShapeDtypeStruct((nb * NP_, 128), jnp.float32),
        mesh=plsc.VectorSubcoreMesh(core_axis_name="c", subcore_axis_name="s"),
        scratch_types=[
            pltpu.VMEM_SHARED((NP_, 128), jnp.float32),
            pltpu.VMEM((128,), jnp.int32),
            pltpu.VMEM((128,), jnp.int32),
            pltpu.VMEM((128, 128), jnp.float32),
            pltpu.VMEM((128, 128), jnp.float32),
            pltpu.SemaphoreType.DMA,
        ],
    )
    def k(g_hbm, src_hbm, dst_hbm, out_hbm, acc_sh, idxs_v, idxd_v, rows_v,
          zb_v, sem):
        c = lax.axis_index("c")
        s = lax.axis_index("s")
        zero16 = jnp.zeros((16,), jnp.float32)

        def zb_loop(i, carry):
            for g in range(8):
                zb_v[i, pl.ds(g * 16, 16)] = zero16
            return carry

        lax.fori_loop(0, 128, zb_loop, 0)

        def zero_acc_slice():
            for kk in range(ROWS_PER_TILE // 128):
                pltpu.sync_copy(
                    zb_v, acc_sh.at[pl.ds(s * ROWS_PER_TILE + kk * 128, 128)])

        zero_acc_slice()
        plsc.subcore_barrier()

        for p in range(passes):
            blk = c * passes + p
            row_off = blk * NP_

            def body(b, carry):
                ebase = s * ept + b * 128
                pltpu.sync_copy(src_hbm.at[pl.ds(ebase, 128)], idxs_v)
                pltpu.sync_copy(dst_hbm.at[pl.ds(ebase, 128)], idxd_v)
                for g in range(8):
                    idxs_v[pl.ds(g * 16, 16)] = idxs_v[pl.ds(g * 16, 16)] + row_off
                pltpu.async_copy(g_hbm.at[idxs_v], rows_v, sem).wait()
                pltpu.sync_copy(rows_v, acc_sh.at[idxd_v], add=True)
                return carry

            lax.fori_loop(0, nbatch, body, 0)
            plsc.subcore_barrier()
            for kk in range(ROWS_PER_TILE // 128):
                r0 = s * ROWS_PER_TILE + kk * 128
                pltpu.sync_copy(acc_sh.at[pl.ds(r0, 128)],
                                out_hbm.at[pl.ds(row_off + r0, 128)])
            if p + 1 < passes:
                zero_acc_slice()
                plsc.subcore_barrier()

    return k(g_tab, srcp, dstp)


def _tc_prescale(xp, hist):
    nb = D_IN // 128

    def body(x_ref, hist_ref, g0_ref, dinv_ref):
        h = hist_ref[...]
        deg = 1.0 + h[0, :, 0] + h[1, :, 0]
        dinv = lax.rsqrt(deg)[:, None]
        g0_ref[...] = x_ref[...] * dinv
        dinv_ref[...] = dinv

    return pl.pallas_call(
        body,
        grid=(nb, GRID_R),
        in_specs=[
            pl.BlockSpec((RB, 128), lambda j, i: (i, j)),
            pl.BlockSpec((NC, RB, 16), lambda j, i: (0, i, 0)),
        ],
        out_specs=[
            pl.BlockSpec((RB, 128), lambda j, i: (j * GRID_R + i, 0)),
            pl.BlockSpec((RB, 1), lambda j, i: (i, 0)),
        ],
        out_shape=[
            jax.ShapeDtypeStruct((nb * NP_, 128), jnp.float32),
            jax.ShapeDtypeStruct((NP_, 1), jnp.float32),
        ],
    )(xp, hist.reshape(NC, NP_, 16))


def _tc_layer1(acc0, xp, dinv, W1, b1):
    nb_out = D_HID // 128

    def body(acc_ref, x_ref, dinv_ref, w_ref, b_ref, h1_ref, g1_ref):
        cat = jnp.concatenate([acc_ref[0], acc_ref[1]], axis=1)
        dv = dinv_ref[...]
        s0 = dv * cat + (dv * dv) * x_ref[...]
        h = lax.dot_general(s0, w_ref[...], (((1,), (1,)), ((), ())),
                            preferred_element_type=jnp.float32)
        h = jnp.maximum(h + b_ref[...], 0.0)
        h1_ref[...] = h
        g = dv * h
        for j in range(nb_out):
            g1_ref[j] = g[:, j * 128:(j + 1) * 128]

    return pl.pallas_call(
        body,
        grid=(GRID_R,),
        in_specs=[
            pl.BlockSpec((2, RB, 128), lambda i: (0, i, 0)),
            pl.BlockSpec((RB, D_IN), lambda i: (i, 0)),
            pl.BlockSpec((RB, 1), lambda i: (i, 0)),
            pl.BlockSpec((D_HID, D_IN), lambda i: (0, 0)),
            pl.BlockSpec((1, D_HID), lambda i: (0, 0)),
        ],
        out_specs=[
            pl.BlockSpec((RB, D_HID), lambda i: (i, 0)),
            pl.BlockSpec((nb_out, RB, 128), lambda i: (0, i, 0)),
        ],
        out_shape=[
            jax.ShapeDtypeStruct((NP_, D_HID), jnp.float32),
            jax.ShapeDtypeStruct((nb_out, NP_, 128), jnp.float32),
        ],
    )(acc0.reshape(2, NP_, 128), xp, dinv, W1, b1.reshape(1, D_HID))


def _tc_head(acc1, h1, dinv, W2, b2, Wp1a, Wp1b, bp1, Wp2, bp2):

    def body(acc_ref, h1_ref, dinv_ref, w2_ref, b2_ref, wa_ref, wb_ref,
             bp1_ref, wp2_ref, bp2_ref, out_ref):
        cat = jnp.concatenate([acc_ref[j] for j in range(4)], axis=1)
        dv = dinv_ref[...]
        h1b = h1_ref[...]
        s1 = dv * cat + (dv * dv) * h1b
        h2 = lax.dot_general(s1, w2_ref[...], (((1,), (1,)), ((), ())),
                             preferred_element_type=jnp.float32)
        h2 = jnp.maximum(h2 + b2_ref[...], 0.0)
        p = (lax.dot_general(h1b, wa_ref[...], (((1,), (1,)), ((), ())),
                             preferred_element_type=jnp.float32)
             + lax.dot_general(h2, wb_ref[...], (((1,), (1,)), ((), ())),
                               preferred_element_type=jnp.float32))
        p = jnp.maximum(p + bp1_ref[...], 0.0)
        pred = jnp.sum(p * wp2_ref[...], axis=1, keepdims=True)
        out_ref[...] = pred + bp2_ref[0, 0]

    return pl.pallas_call(
        body,
        grid=(GRID_R,),
        in_specs=[
            pl.BlockSpec((4, RB, 128), lambda i: (0, i, 0)),
            pl.BlockSpec((RB, D_HID), lambda i: (i, 0)),
            pl.BlockSpec((RB, 1), lambda i: (i, 0)),
            pl.BlockSpec((D_HID, D_HID), lambda i: (0, 0)),
            pl.BlockSpec((1, D_HID), lambda i: (0, 0)),
            pl.BlockSpec((128, D_HID), lambda i: (0, 0)),
            pl.BlockSpec((128, D_HID), lambda i: (0, 0)),
            pl.BlockSpec((1, 128), lambda i: (0, 0)),
            pl.BlockSpec((1, 128), lambda i: (0, 0)),
            pl.BlockSpec((1, 1), lambda i: (0, 0)),
        ],
        out_specs=pl.BlockSpec((RB, 1), lambda i: (i, 0)),
        out_shape=jax.ShapeDtypeStruct((NP_, 1), jnp.float32),
    )(acc1.reshape(4, NP_, 128), h1, dinv, W2, b2.reshape(1, D_HID),
      Wp1a, Wp1b, bp1.reshape(1, 128), Wp2, bp2.reshape(1, 1))


@jax.jit
def kernel(x, edge_index, W1, b1, W2, b2, Wp1, bp1, Wp2, bp2):
    pad = EP - E
    srcp = jnp.concatenate(
        [edge_index[0], jnp.full((pad,), N, jnp.int32)])
    dstp = jnp.concatenate(
        [edge_index[1], jnp.full((pad,), N, jnp.int32)])
    xp = jnp.pad(x, ((0, NP_ - N), (0, 0)))

    hist = _sc_degree(dstp)
    g0, dinv = _tc_prescale(xp, hist)
    acc0 = _sc_aggregate(g0, srcp, dstp, 2)
    h1, g1 = _tc_layer1(acc0, xp, dinv, W1, b1)
    acc1 = _sc_aggregate(g1.reshape(-1, 128), srcp, dstp, 4)
    pred = _tc_head(acc1, h1, dinv, W2, b2, Wp1[:, :D_HID], Wp1[:, D_HID:],
                    bp1, Wp2, bp2)
    return pred[:N]

# --- scband reference (transcript-rebuilt; emitter-appended) ---
"""Pipeline reference for scband-sim-gcn-57870389346736 (READ-ONLY COPY).

The authoritative reference and input builder live on the scoring server;
editing this copy changes nothing except your own understanding.
"""

import jax, jax.numpy as jnp
import numpy as np

N = 10000
E = 160000
D_IN = 256
D_HID = 512
D_PRED = 128
N_TASKS = 1


def setup_inputs(seed: int = 0) -> dict:
    key = jax.random.key(seed)
    ks = jax.random.split(key, 12)
    x = jax.random.normal(ks[0], (N, D_IN), dtype=jnp.float32)
    edge_index = jax.random.randint(ks[1], (2, E), 0, N, dtype=jnp.int32)
    # GCNConv layer 1: lin weight [hid, in], bias [hid]
    W1 = jax.random.normal(ks[2], (D_HID, D_IN), dtype=jnp.float32) * (1.0 / np.sqrt(D_IN))
    b1 = jnp.zeros((D_HID,), dtype=jnp.float32)
    # GCNConv layer 2: lin weight [hid, hid], bias [hid]
    W2 = jax.random.normal(ks[3], (D_HID, D_HID), dtype=jnp.float32) * (1.0 / np.sqrt(D_HID))
    b2 = jnp.zeros((D_HID,), dtype=jnp.float32)
    # Predictor MLP: cat-JK emb dim = 2*hid -> pred_hidden -> n_tasks
    Wp1 = jax.random.normal(ks[4], (D_PRED, 2 * D_HID), dtype=jnp.float32) * (1.0 / np.sqrt(2 * D_HID))
    bp1 = jnp.zeros((D_PRED,), dtype=jnp.float32)
    Wp2 = jax.random.normal(ks[5], (N_TASKS, D_PRED), dtype=jnp.float32) * (1.0 / np.sqrt(D_PRED))
    bp2 = jnp.zeros((N_TASKS,), dtype=jnp.float32)
    return {"x": x, "edge_index": edge_index, "W1": W1, "b1": b1, "W2": W2, "b2": b2,
            "Wp1": Wp1, "bp1": bp1, "Wp2": Wp2, "bp2": bp2}


def _gcn_conv(h, src, dst, W, b):
    # GCNConv: linear transform first, then normalized sum aggregation, then bias
    h = h @ W.T
    deg = jax.ops.segment_sum(jnp.ones_like(dst, dtype=h.dtype), dst, num_segments=N)
    dinv = jnp.where(deg > 0, jax.lax.rsqrt(jnp.maximum(deg, 1e-12)), 0.0)
    norm = dinv[src] * dinv[dst]
    msg = h[src] * norm[:, None]
    out = jax.ops.segment_sum(msg, dst, num_segments=N)
    return out + b


def reference(x, edge_index, W1, b1, W2, b2, Wp1, bp1, Wp2, bp2):
    # add self loops (GCNConv default add_self_loops=True)
    loops = jnp.arange(N, dtype=edge_index.dtype)
    src = jnp.concatenate([edge_index[0], loops])
    dst = jnp.concatenate([edge_index[1], loops])
    # BasicGNN with jk='cat': act applied after every layer, outputs concatenated
    h1 = jax.nn.relu(_gcn_conv(x, src, dst, W1, b1))
    h2 = jax.nn.relu(_gcn_conv(h1, src, dst, W2, b2))
    emb = jnp.concatenate([h1, h2], axis=-1)
    # Predictor MLP
    p = jax.nn.relu(emb @ Wp1.T + bp1)
    pred = p @ Wp2.T + bp2
    # module is in training mode by default -> returns pred only
    return pred

if __name__ == "__main__":
    import jax
    _d = setup_inputs()
    print(jax.jit(kernel)(*tuple(_d.values())))

</pallas_src>

<mosaic_0001>
#map = affine_map<(d0, d1) -> (0, 0)>
#map1 = affine_map<(d0, d1) -> (0)>
module attributes {stable_mosaic.version = 14 : i64} {
  func.func @k(%arg0: i32, %arg1: i32, %arg2: memref<40960x128xf32, #tpu.memory_space<hbm>>, %arg3: memref<163840xi32, #tpu.memory_space<hbm>>, %arg4: memref<163840xi32, #tpu.memory_space<hbm>>, %arg5: memref<40960x128xf32, #tpu.memory_space<hbm>>, %arg6: memref<10240x128xf32, #tpu.memory_space<vmem_shared>>, %arg7: memref<128xi32, #tpu.memory_space<vmem>>, %arg8: memref<128xi32, #tpu.memory_space<vmem>>, %arg9: memref<128x128xf32, #tpu.memory_space<vmem>>, %arg10: memref<128x128xf32, #tpu.memory_space<vmem>>, %arg11: memref<!tpu.dma_semaphore, #tpu.memory_space<semaphore_mem>>) attributes {dimension_semantics = [#tpu.dimension_semantics<core_parallel>, #tpu.dimension_semantics<subcore_parallel>], iteration_bounds = array<i64: 2, 16>, scalar_prefetch = 0 : i64, scratch_operands = 6 : i64, tpu.core_type = #tpu.core_type<sc_vector_subcore>, window_params = [{transform_indices = #map}, {transform_indices = #map1}, {transform_indices = #map1}, {transform_indices = #map}]} {
    %broadcast_in_dim3A = arith.constant 0.000000e+00 : f32
    %broadcast_in_dim3A_0 = vector.broadcast %broadcast_in_dim3A : f32 to vector<16xf32>
    %scan3A = arith.constant 0 : i32
    %scan3A_1 = arith.constant 0 : i32
    %scan3A_2 = arith.constant 128 : i32
    %scan3A_3 = arith.addi %scan3A_1, %scan3A_2 : i32
    %scan3A_4 = arith.constant 1 : i32
    scf.for %scan3A_121 = %scan3A_1 to %scan3A_3 step %scan3A_4  : i32 {
      %swap3A = arith.index_cast %scan3A_121 : i32 to index
      %swap3A_122 = arith.constant 0 : index
      %swap3A_123 = tpu.vector_load %arg10[%swap3A, %swap3A_122] {strides = array<i32>} : memref<128x128xf32, #tpu.memory_space<vmem>>, vector<1x16xf32>,
      %swap3A_124 = vector.shape_cast %swap3A_123 : vector<1x16xf32> to vector<16xf32>
      %swap3A_125 = vector.shape_cast %broadcast_in_dim3A_0 : vector<16xf32> to vector<1x16xf32>
      tpu.vector_store %arg10[%swap3A, %swap3A_122], %swap3A_125 {strides = array<i32>} : memref<128x128xf32, #tpu.memory_space<vmem>>, vector<1x16xf32>,
      %swap3A_126 = arith.index_cast %scan3A_121 : i32 to index
      %swap3A_127 = arith.constant 16 : index
      %swap3A_128 = tpu.vector_load %arg10[%swap3A_126, %swap3A_127] {strides = array<i32>} : memref<128x128xf32, #tpu.memory_space<vmem>>, vector<1x16xf32>,
      %swap3A_129 = vector.shape_cast %swap3A_128 : vector<1x16xf32> to vector<16xf32>
      %swap3A_130 = vector.shape_cast %broadcast_in_dim3A_0 : vector<16xf32> to vector<1x16xf32>
      tpu.vector_store %arg10[%swap3A_126, %swap3A_127], %swap3A_130 {strides = array<i32>} : memref<128x128xf32, #tpu.memory_space<vmem>>, vector<1x16xf32>,
      %swap3A_131 = arith.index_cast %scan3A_121 : i32 to index
      %swap3A_132 = arith.constant 32 : index
      %swap3A_133 = tpu.vector_load %arg10[%swap3A_131, %swap3A_132] {strides = array<i32>} : memref<128x128xf32, #tpu.memory_space<vmem>>, vector<1x16xf32>,
      %swap3A_134 = vector.shape_cast %swap3A_133 : vector<1x16xf32> to vector<16xf32>
      %swap3A_135 = vector.shape_cast %broadcast_in_dim3A_0 : vector<16xf32> to vector<1x16xf32>
      tpu.vector_store %arg10[%swap3A_131, %swap3A_132], %swap3A_135 {strides = array<i32>} : memref<128x128xf32, #tpu.memory_space<vmem>>, vector<1x16xf32>,
      %swap3A_136 = arith.index_cast %scan3A_121 : i32 to index
      %swap3A_137 = arith.constant 48 : index
      %swap3A_138 = tpu.vector_load %arg10[%swap3A_136, %swap3A_137] {strides = array<i32>} : memref<128x128xf32, #tpu.memory_space<vmem>>, vector<1x16xf32>,
      %swap3A_139 = vector.shape_cast %swap3A_138 : vector<1x16xf32> to vector<16xf32>
      %swap3A_140 = vector.shape_cast %broadcast_in_dim3A_0 : vector<16xf32> to vector<1x16xf32>
      tpu.vector_store %arg10[%swap3A_136, %swap3A_137], %swap3A_140 {strides = array<i32>} : memref<128x128xf32, #tpu.memory_space<vmem>>, vector<1x16xf32>,
      %swap3A_141 = arith.index_cast %scan3A_121 : i32 to index
      %swap3A_142 = arith.constant 64 : index
      %swap3A_143 = tpu.vector_load %arg10[%swap3A_141, %swap3A_142] {strides = array<i32>} : memref<128x128xf32, #tpu.memory_space<vmem>>, vector<1x16xf32>,
      %swap3A_144 = vector.shape_cast %swap3A_143 : vector<1x16xf32> to vector<16xf32>
      %swap3A_145 = vector.shape_cast %broadcast_in_dim3A_0 : vector<16xf32> to vector<1x16xf32>
      tpu.vector_store %arg10[%swap3A_141, %swap3A_142], %swap3A_145 {strides = array<i32>} : memref<128x128xf32, #tpu.memory_space<vmem>>, vector<1x16xf32>,
      %swap3A_146 = arith.index_cast %scan3A_121 : i32 to index
      %swap3A_147 = arith.constant 80 : index
      %swap3A_148 = tpu.vector_load %arg10[%swap3A_146, %swap3A_147] {strides = array<i32>} : memref<128x128xf32, #tpu.memory_space<vmem>>, vector<1x16xf32>,
      %swap3A_149 = vector.shape_cast %swap3A_148 : vector<1x16xf32> to vector<16xf32>
      %swap3A_150 = vector.shape_cast %broadcast_in_dim3A_0 : vector<16xf32> to vector<1x16xf32>
      tpu.vector_store %arg10[%swap3A_146, %swap3A_147], %swap3A_150 {strides = array<i32>} : memref<128x128xf32, #tpu.memory_space<vmem>>, vector<1x16xf32>,
      %swap3A_151 = arith.index_cast %scan3A_121 : i32 to index
      %swap3A_152 = arith.constant 96 : index
      %swap3A_153 = tpu.vector_load %arg10[%swap3A_151, %swap3A_152] {strides = array<i32>} : memref<128x128xf32, #tpu.memory_space<vmem>>, vector<1x16xf32>,
      %swap3A_154 = vector.shape_cast %swap3A_153 : vector<1x16xf32> to vector<16xf32>
      %swap3A_155 = vector.shape_cast %broadcast_in_dim3A_0 : vector<16xf32> to vector<1x16xf32>
      tpu.vector_store %arg10[%swap3A_151, %swap3A_152], %swap3A_155 {strides = array<i32>} : memref<128x128xf32, #tpu.memory_space<vmem>>, vector<1x16xf32>,
      %swap3A_156 = arith.index_cast %scan3A_121 : i32 to index
      %swap3A_157 = arith.constant 112 : index
      %swap3A_158 = tpu.vector_load %arg10[%swap3A_156, %swap3A_157] {strides = array<i32>} : memref<128x128xf32, #tpu.memory_space<vmem>>, vector<1x16xf32>,
      %swap3A_159 = vector.shape_cast %swap3A_158 : vector<1x16xf32> to vector<16xf32>
      %swap3A_160 = vector.shape_cast %broadcast_in_dim3A_0 : vector<16xf32> to vector<1x16xf32>
      tpu.vector_store %arg10[%swap3A_156, %swap3A_157], %swap3A_160 {strides = array<i32>} : memref<128x128xf32, #tpu.memory_space<vmem>>, vector<1x16xf32>,
    }
    %scan3A_5 = arith.constant 128 : i32
    %mul3A = arith.constant 640 : i32
    %mul3A_6 = arith.muli %arg1, %mul3A : i32
    %add3A = arith.constant 0 : i32
    %add3A_7 = arith.addi %mul3A_6, %add3A : i32
    "tpu.region"() ({
      %run_scoped3A = tpu.sem_alloc : memref<!tpu.dma_semaphore, #tpu.memory_space<semaphore_mem>>
      %dma_start3A = arith.constant 0 : i32
      %dma_start3A_121 = tpu.memref_slice %arg6[%add3A_7, %dma_start3A] : memref<10240x128xf32, #tpu.memory_space<vmem_shared>> -> memref<128x128xf32, #tpu.memory_space<vmem_shared>>
      %dma_start3A_122 = arith.constant 0 : i32
      %dma_start3A_123 = tpu.memref_slice %arg6[%add3A_7, %dma_start3A_122] : memref<10240x128xf32, #tpu.memory_space<vmem_shared>> -> memref<128x128xf32, #tpu.memory_space<vmem_shared>>
      tpu.enqueue_dma source(%arg10 : memref<128x128xf32, #tpu.memory_space<vmem>>) target(%dma_start3A_123 : memref<128x128xf32, #tpu.memory_space<vmem_shared>>) target_semaphore(%run_scoped3A : memref<!tpu.dma_semaphore, #tpu.memory_space<semaphore_mem>>)
      %dma_wait3A = arith.constant 0 : i32
      %dma_wait3A_124 = tpu.memref_slice %arg6[%add3A_7, %dma_wait3A] : memref<10240x128xf32, #tpu.memory_space<vmem_shared>> -> memref<128x128xf32, #tpu.memory_space<vmem_shared>>
      %dma_wait3A_125 = arith.constant 0 : i32
      %dma_wait3A_126 = tpu.memref_slice %arg6[%add3A_7, %dma_wait3A_125] : memref<10240x128xf32, #tpu.memory_space<vmem_shared>> -> memref<128x128xf32, #tpu.memory_space<vmem_shared>>
      tpu.wait_dma2 semaphore(%run_scoped3A : memref<!tpu.dma_semaphore, #tpu.memory_space<semaphore_mem>>) src(%arg10 : memref<128x128xf32, #tpu.memory_space<vmem>>) dst(%dma_wait3A_126 : memref<128x128xf32, #tpu.memory_space<vmem_shared>>)
      tpu.yield
    }) : () -> ()
    %mul3A_8 = arith.constant 640 : i32
    %mul3A_9 = arith.muli %arg1, %mul3A_8 : i32
    %add3A_10 = arith.constant 128 : i32
    %add3A_11 = arith.addi %mul3A_9, %add3A_10 : i32
    "tpu.region"() ({
      %run_scoped3A = tpu.sem_alloc : memref<!tpu.dma_semaphore, #tpu.memory_space<semaphore_mem>>
      %dma_start3A = arith.constant 0 : i32
      %dma_start3A_121 = tpu.memref_slice %arg6[%add3A_11, %dma_start3A] : memref<10240x128xf32, #tpu.memory_space<vmem_shared>> -> memref<128x128xf32, #tpu.memory_space<vmem_shared>>
      %dma_start3A_122 = arith.constant 0 : i32
      %dma_start3A_123 = tpu.memref_slice %arg6[%add3A_11, %dma_start3A_122] : memref<10240x128xf32, #tpu.memory_space<vmem_shared>> -> memref<128x128xf32, #tpu.memory_space<vmem_shared>>
      tpu.enqueue_dma source(%arg10 : memref<128x128xf32, #tpu.memory_space<vmem>>) target(%dma_start3A_123 : memref<128x128xf32, #tpu.memory_space<vmem_shared>>) target_semaphore(%run_scoped3A : memref<!tpu.dma_semaphore, #tpu.memory_space<semaphore_mem>>)
      %dma_wait3A = arith.constant 0 : i32
      %dma_wait3A_124 = tpu.memref_slice %arg6[%add3A_11, %dma_wait3A] : memref<10240x128xf32, #tpu.memory_space<vmem_shared>> -> memref<128x128xf32, #tpu.memory_space<vmem_shared>>
      %dma_wait3A_125 = arith.constant 0 : i32
      %dma_wait3A_126 = tpu.memref_slice %arg6[%add3A_11, %dma_wait3A_125] : memref<10240x128xf32, #tpu.memory_space<vmem_shared>> -> memref<128x128xf32, #tpu.memory_space<vmem_shared>>
      tpu.wait_dma2 semaphore(%run_scoped3A : memref<!tpu.dma_semaphore, #tpu.memory_space<semaphore_mem>>) src(%arg10 : memref<128x128xf32, #tpu.memory_space<vmem>>) dst(%dma_wait3A_126 : memref<128x128xf32, #tpu.memory_space<vmem_shared>>)
      tpu.yield
    }) : () -> ()
    %mul3A_12 = arith.constant 640 : i32
    %mul3A_13 = arith.muli %arg1, %mul3A_12 : i32
    %add3A_14 = arith.constant 256 : i32
    %add3A_15 = arith.addi %mul3A_13, %add3A_14 : i32
    "tpu.region"() ({
      %run_scoped3A = tpu.sem_alloc : memref<!tpu.dma_semaphore, #tpu.memory_space<semaphore_mem>>
      %dma_start3A = arith.constant 0 : i32
      %dma_start3A_121 = tpu.memref_slice %arg6[%add3A_15, %dma_start3A] : memref<10240x128xf32, #tpu.memory_space<vmem_shared>> -> memref<128x128xf32, #tpu.memory_space<vmem_shared>>
      %dma_start3A_122 = arith.constant 0 : i32
      %dma_start3A_123 = tpu.memref_slice %arg6[%add3A_15, %dma_start3A_122] : memref<10240x128xf32, #tpu.memory_space<vmem_shared>> -> memref<128x128xf32, #tpu.memory_space<vmem_shared>>
      tpu.enqueue_dma source(%arg10 : memref<128x128xf32, #tpu.memory_space<vmem>>) target(%dma_start3A_123 : memref<128x128xf32, #tpu.memory_space<vmem_shared>>) target_semaphore(%run_scoped3A : memref<!tpu.dma_semaphore, #tpu.memory_space<semaphore_mem>>)
      %dma_wait3A = arith.constant 0 : i32
      %dma_wait3A_124 = tpu.memref_slice %arg6[%add3A_15, %dma_wait3A] : memref<10240x128xf32, #tpu.memory_space<vmem_shared>> -> memref<128x128xf32, #tpu.memory_space<vmem_shared>>
      %dma_wait3A_125 = arith.constant 0 : i32
      %dma_wait3A_126 = tpu.memref_slice %arg6[%add3A_15, %dma_wait3A_125] : memref<10240x128xf32, #tpu.memory_space<vmem_shared>> -> memref<128x128xf32, #tpu.memory_space<vmem_shared>>
      tpu.wait_dma2 semaphore(%run_scoped3A : memref<!tpu.dma_semaphore, #tpu.memory_space<semaphore_mem>>) src(%arg10 : memref<128x128xf32, #tpu.memory_space<vmem>>) dst(%dma_wait3A_126 : memref<128x128xf32, #tpu.memory_space<vmem_shared>>)
      tpu.yield
    }) : () -> ()
    %mul3A_16 = arith.constant 640 : i32
    %mul3A_17 = arith.muli %arg1, %mul3A_16 : i32
    %add3A_18 = arith.constant 384 : i32
    %add3A_19 = arith.addi %mul3A_17, %add3A_18 : i32
    "tpu.region"() ({
      %run_scoped3A = tpu.sem_alloc : memref<!tpu.dma_semaphore, #tpu.memory_space<semaphore_mem>>
      %dma_start3A = arith.constant 0 : i32
      %dma_start3A_121 = tpu.memref_slice %arg6[%add3A_19, %dma_start3A] : memref<10240x128xf32, #tpu.memory_space<vmem_shared>> -> memref<128x128xf32, #tpu.memory_space<vmem_shared>>
      %dma_start3A_122 = arith.constant 0 : i32
      %dma_start3A_123 = tpu.memref_slice %arg6[%add3A_19, %dma_start3A_122] : memref<10240x128xf32, #tpu.memory_space<vmem_shared>> -> memref<128x128xf32, #tpu.memory_space<vmem_shared>>
      tpu.enqueue_dma source(%arg10 : memref<128x128xf32, #tpu.memory_space<vmem>>) target(%dma_start3A_123 : memref<128x128xf32, #tpu.memory_space<vmem_shared>>) target_semaphore(%run_scoped3A : memref<!tpu.dma_semaphore, #tpu.memory_space<semaphore_mem>>)
      %dma_wait3A = arith.constant 0 : i32
      %dma_wait3A_124 = tpu.memref_slice %arg6[%add3A_19, %dma_wait3A] : memref<10240x128xf32, #tpu.memory_space<vmem_shared>> -> memref<128x128xf32, #tpu.memory_space<vmem_shared>>
      %dma_wait3A_125 = arith.constant 0 : i32
      %dma_wait3A_126 = tpu.memref_slice %arg6[%add3A_19, %dma_wait3A_125] : memref<10240x128xf32, #tpu.memory_space<vmem_shared>> -> memref<128x128xf32, #tpu.memory_space<vmem_shared>>
      tpu.wait_dma2 semaphore(%run_scoped3A : memref<!tpu.dma_semaphore, #tpu.memory_space<semaphore_mem>>) src(%arg10 : memref<128x128xf32, #tpu.memory_space<vmem>>) dst(%dma_wait3A_126 : memref<128x128xf32, #tpu.memory_space<vmem_shared>>)
      tpu.yield
    }) : () -> ()
    %mul3A_20 = arith.constant 640 : i32
    %mul3A_21 = arith.muli %arg1, %mul3A_20 : i32
    %add3A_22 = arith.constant 512 : i32
    %add3A_23 = arith.addi %mul3A_21, %add3A_22 : i32
    "tpu.region"() ({
      %run_scoped3A = tpu.sem_alloc : memref<!tpu.dma_semaphore, #tpu.memory_space<semaphore_mem>>
      %dma_start3A = arith.constant 0 : i32
      %dma_start3A_121 = tpu.memref_slice %arg6[%add3A_23, %dma_start3A] : memref<10240x128xf32, #tpu.memory_space<vmem_shared>> -> memref<128x128xf32, #tpu.memory_space<vmem_shared>>
      %dma_start3A_122 = arith.constant 0 : i32
      %dma_start3A_123 = tpu.memref_slice %arg6[%add3A_23, %dma_start3A_122] : memref<10240x128xf32, #tpu.memory_space<vmem_shared>> -> memref<128x128xf32, #tpu.memory_space<vmem_shared>>
      tpu.enqueue_dma source(%arg10 : memref<128x128xf32, #tpu.memory_space<vmem>>) target(%dma_start3A_123 : memref<128x128xf32, #tpu.memory_space<vmem_shared>>) target_semaphore(%run_scoped3A : memref<!tpu.dma_semaphore, #tpu.memory_space<semaphore_mem>>)
      %dma_wait3A = arith.constant 0 : i32
      %dma_wait3A_124 = tpu.memref_slice %arg6[%add3A_23, %dma_wait3A] : memref<10240x128xf32, #tpu.memory_space<vmem_shared>> -> memref<128x128xf32, #tpu.memory_space<vmem_shared>>
      %dma_wait3A_125 = arith.constant 0 : i32
      %dma_wait3A_126 = tpu.memref_slice %arg6[%add3A_23, %dma_wait3A_125] : memref<10240x128xf32, #tpu.memory_space<vmem_shared>> -> memref<128x128xf32, #tpu.memory_space<vmem_shared>>
      tpu.wait_dma2 semaphore(%run_scoped3A : memref<!tpu.dma_semaphore, #tpu.memory_space<semaphore_mem>>) src(%arg10 : memref<128x128xf32, #tpu.memory_space<vmem>>) dst(%dma_wait3A_126 : memref<128x128xf32, #tpu.memory_space<vmem_shared>>)
      tpu.yield
    }) : () -> ()
    %barrier3A = arith.constant 0 : index
    tpu.barrier barrier_id(%barrier3A)
    %mul3A_24 = arith.constant 2 : i32
    %mul3A_25 = arith.muli %arg0, %mul3A_24 : i32
    %add3A_26 = arith.constant 0 : i32
    %add3A_27 = arith.addi %mul3A_25, %add3A_26 : i32
    %mul3A_28 = arith.constant 10240 : i32
    %mul3A_29 = arith.muli %add3A_27, %mul3A_28 : i32
    %scan3A_30 = arith.constant 0 : i32
    %scan3A_31 = arith.constant 0 : i32
    %scan3A_32 = arith.constant 80 : i32
    %scan3A_33 = arith.addi %scan3A_31, %scan3A_32 : i32
    %scan3A_34 = arith.constant 1 : i32
    scf.for %scan3A_121 = %scan3A_31 to %scan3A_33 step %scan3A_34  : i32 {
      %mul3A_122 = arith.constant 10240 : i32
      %mul3A_123 = arith.muli %arg1, %mul3A_122 : i32
      %mul3A_124 = arith.constant 128 : i32
      %mul3A_125 = arith.muli %scan3A_121, %mul3A_124 : i32
      %add3A_126 = arith.addi %mul3A_123, %mul3A_125 : i32
      "tpu.region"() ({
        %run_scoped3A = tpu.sem_alloc : memref<!tpu.dma_semaphore, #tpu.memory_space<semaphore_mem>>
        %dma_start3A_201 = tpu.memref_slice %arg3[%add3A_126] : memref<163840xi32, #tpu.memory_space<hbm>> -> memref<128xi32, #tpu.memory_space<hbm>>
        %dma_start3A_202 = tpu.memref_slice %arg3[%add3A_126] : memref<163840xi32, #tpu.memory_space<hbm>> -> memref<128xi32, #tpu.memory_space<hbm>>
        tpu.enqueue_dma source(%dma_start3A_202 : memref<128xi32, #tpu.memory_space<hbm>>) target(%arg7 : memref<128xi32, #tpu.memory_space<vmem>>) target_semaphore(%run_scoped3A : memref<!tpu.dma_semaphore, #tpu.memory_space<semaphore_mem>>)
        %dma_wait3A_203 = tpu.memref_slice %arg3[%add3A_126] : memref<163840xi32, #tpu.memory_space<hbm>> -> memref<128xi32, #tpu.memory_space<hbm>>
        %dma_wait3A_204 = tpu.memref_slice %arg3[%add3A_126] : memref<163840xi32, #tpu.memory_space<hbm>> -> memref<128xi32, #tpu.memory_space<hbm>>
        tpu.wait_dma2 semaphore(%run_scoped3A : memref<!tpu.dma_semaphore, #tpu.memory_space<semaphore_mem>>) src(%dma_wait3A_204 : memref<128xi32, #tpu.memory_space<hbm>>) dst(%arg7 : memref<128xi32, #tpu.memory_space<vmem>>)
        tpu.yield
      }) : () -> ()
      "tpu.region"() ({
        %run_scoped3A = tpu.sem_alloc : memref<!tpu.dma_semaphore, #tpu.memory_space<semaphore_mem>>
        %dma_start3A_201 = tpu.memref_slice %arg4[%add3A_126] : memref<163840xi32, #tpu.memory_space<hbm>> -> memref<128xi32, #tpu.memory_space<hbm>>
        %dma_start3A_202 = tpu.memref_slice %arg4[%add3A_126] : memref<163840xi32, #tpu.memory_space<hbm>> -> memref<128xi32, #tpu.memory_space<hbm>>
        tpu.enqueue_dma source(%dma_start3A_202 : memref<128xi32, #tpu.memory_space<hbm>>) target(%arg8 : memref<128xi32, #tpu.memory_space<vmem>>) target_semaphore(%run_scoped3A : memref<!tpu.dma_semaphore, #tpu.memory_space<semaphore_mem>>)
        %dma_wait3A_203 = tpu.memref_slice %arg4[%add3A_126] : memref<163840xi32, #tpu.memory_space<hbm>> -> memref<128xi32, #tpu.memory_space<hbm>>
        %dma_wait3A_204 = tpu.memref_slice %arg4[%add3A_126] : memref<163840xi32, #tpu.memory_space<hbm>> -> memref<128xi32, #tpu.memory_space<hbm>>
        tpu.wait_dma2 semaphore(%run_scoped3A : memref<!tpu.dma_semaphore, #tpu.memory_space<semaphore_mem>>) src(%dma_wait3A_204 : memref<128xi32, #tpu.memory_space<hbm>>) dst(%arg8 : memref<128xi32, #tpu.memory_space<vmem>>)
        tpu.yield
      }) : () -> ()
      %get3A = arith.constant 0 : index
      %get3A_127 = tpu.vector_load %arg7[%get3A] {strides = array<i32>} : memref<128xi32, #tpu.memory_space<vmem>>, vector<16xi32>,
      %get3A_128 = vector.shape_cast %get3A_127 : vector<16xi32> to vector<16xi32>
      %add3A_129 = vector.broadcast %mul3A_29 : i32 to vector<16xi32>
      %add3A_130 = arith.addi %get3A_128, %add3A_129 : vector<16xi32>
      %swap3A = arith.constant 0 : index
      %swap3A_131 = tpu.vector_load %arg7[%swap3A] {strides = array<i32>} : memref<128xi32, #tpu.memory_space<vmem>>, vector<16xi32>,
      %swap3A_132 = vector.shape_cast %swap3A_131 : vector<16xi32> to vector<16xi32>
      %swap3A_133 = vector.shape_cast %add3A_130 : vector<16xi32> to vector<16xi32>
      tpu.vector_store %arg7[%swap3A], %swap3A_133 {strides = array<i32>} : memref<128xi32, #tpu.memory_space<vmem>>, vector<16xi32>,
      %get3A_134 = arith.constant 16 : index
      %get3A_135 = tpu.vector_load %arg7[%get3A_134] {strides = array<i32>} : memref<128xi32, #tpu.memory_space<vmem>>, vector<16xi32>,
      %get3A_136 = vector.shape_cast %get3A_135 : vector<16xi32> to vector<16xi32>
      %add3A_137 = vector.broadcast %mul3A_29 : i32 to vector<16xi32>
      %add3A_138 = arith.addi %get3A_136, %add3A_137 : vector<16xi32>
      %swap3A_139 = arith.constant 16 : index
      %swap3A_140 = tpu.vector_load %arg7[%swap3A_139] {strides = array<i32>} : memref<128xi32, #tpu.memory_space<vmem>>, vector<16xi32>,
      %swap3A_141 = vector.shape_cast %swap3A_140 : vector<16xi32> to vector<16xi32>
      %swap3A_142 = vector.shape_cast %add3A_138 : vector<16xi32> to vector<16xi32>
      tpu.vector_store %arg7[%swap3A_139], %swap3A_142 {strides = array<i32>} : memref<128xi32, #tpu.memory_space<vmem>>, vector<16xi32>,
      %get3A_143 = arith.constant 32 : index
      %get3A_144 = tpu.vector_load %arg7[%get3A_143] {strides = array<i32>} : memref<128xi32, #tpu.memory_space<vmem>>, vector<16xi32>,
      %get3A_145 = vector.shape_cast %get3A_144 : vector<16xi32> to vector<16xi32>
      %add3A_146 = vector.broadcast %mul3A_29 : i32 to vector<16xi32>
      %add3A_147 = arith.addi %get3A_145, %add3A_146 : vector<16xi32>
      %swap3A_148 = arith.constant 32 : index
      %swap3A_149 = tpu.vector_load %arg7[%swap3A_148] {strides = array<i32>} : memref<128xi32, #tpu.memory_space<vmem>>, vector<16xi32>,
      %swap3A_150 = vector.shape_cast %swap3A_149 : vector<16xi32> to vector<16xi32>
      %swap3A_151 = vector.shape_cast %add3A_147 : vector<16xi32> to vector<16xi32>
      tpu.vector_store %arg7[%swap3A_148], %swap3A_151 {strides = array<i32>} : memref<128xi32, #tpu.memory_space<vmem>>, vector<16xi32>,
      %get3A_152 = arith.constant 48 : index
      %get3A_153 = tpu.vector_load %arg7[%get3A_152] {strides = array<i32>} : memref<128xi32, #tpu.memory_space<vmem>>, vector<16xi32>,
      %get3A_154 = vector.shape_cast %get3A_153 : vector<16xi32> to vector<16xi32>
      %add3A_155 = vector.broadcast %mul3A_29 : i32 to vector<16xi32>
      %add3A_156 = arith.addi %get3A_154, %add3A_155 : vector<16xi32>
      %swap3A_157 = arith.constant 48 : index
      %swap3A_158 = tpu.vector_load %arg7[%swap3A_157] {strides = array<i32>} : memref<128xi32, #tpu.memory_space<vmem>>, vector<16xi32>,
      %swap3A_159 = vector.shape_cast %swap3A_158 : vector<16xi32> to vector<16xi32>
      %swap3A_160 = vector.shape_cast %add3A_156 : vector<16xi32> to vector<16xi32>
      tpu.vector_store %arg7[%swap3A_157], %swap3A_160 {strides = array<i32>} : memref<128xi32, #tpu.memory_space<vmem>>, vector<16xi32>,
      %get3A_161 = arith.constant 64 : index
      %get3A_162 = tpu.vector_load %arg7[%get3A_161] {strides = array<i32>} : memref<128xi32, #tpu.memory_space<vmem>>, vector<16xi32>,
      %get3A_163 = vector.shape_cast %get3A_162 : vector<16xi32> to vector<16xi32>
      %add3A_164 = vector.broadcast %mul3A_29 : i32 to vector<16xi32>
      %add3A_165 = arith.addi %get3A_163, %add3A_164 : vector<16xi32>
      %swap3A_166 = arith.constant 64 : index
      %swap3A_167 = tpu.vector_load %arg7[%swap3A_166] {strides = array<i32>} : memref<128xi32, #tpu.memory_space<vmem>>, vector<16xi32>,
      %swap3A_168 = vector.shape_cast %swap3A_167 : vector<16xi32> to vector<16xi32>
      %swap3A_169 = vector.shape_cast %add3A_165 : vector<16xi32> to vector<16xi32>
      tpu.vector_store %arg7[%swap3A_166], %swap3A_169 {strides = array<i32>} : memref<128xi32, #tpu.memory_space<vmem>>, vector<16xi32>,
      %get3A_170 = arith.constant 80 : index
      %get3A_171 = tpu.vector_load %arg7[%get3A_170] {strides = array<i32>} : memref<128xi32, #tpu.memory_space<vmem>>, vector<16xi32>,
      %get3A_172 = vector.shape_cast %get3A_171 : vector<16xi32> to vector<16xi32>
      %add3A_173 = vector.broadcast %mul3A_29 : i32 to vector<16xi32>
      %add3A_174 = arith.addi %get3A_172, %add3A_173 : vector<16xi32>
      %swap3A_175 = arith.constant 80 : index
      %swap3A_176 = tpu.vector_load %arg7[%swap3A_175] {strides = array<i32>} : memref<128xi32, #tpu.memory_space<vmem>>, vector<16xi32>,
      %swap3A_177 = vector.shape_cast %swap3A_176 : vector<16xi32> to vector<16xi32>
      %swap3A_178 = vector.shape_cast %add3A_174 : vector<16xi32> to vector<16xi32>
      tpu.vector_store %arg7[%swap3A_175], %swap3A_178 {strides = array<i32>} : memref<128xi32, #tpu.memory_space<vmem>>, vector<16xi32>,
      %get3A_179 = arith.constant 96 : index
      %get3A_180 = tpu.vector_load %arg7[%get3A_179] {strides = array<i32>} : memref<128xi32, #tpu.memory_space<vmem>>, vector<16xi32>,
      %get3A_181 = vector.shape_cast %get3A_180 : vector<16xi32> to vector<16xi32>
      %add3A_182 = vector.broadcast %mul3A_29 : i32 to vector<16xi32>
      %add3A_183 = arith.addi %get3A_181, %add3A_182 : vector<16xi32>
      %swap3A_184 = arith.constant 96 : index
      %swap3A_185 = tpu.vector_load %arg7[%swap3A_184] {strides = array<i32>} : memref<128xi32, #tpu.memory_space<vmem>>, vector<16xi32>,
      %swap3A_186 = vector.shape_cast %swap3A_185 : vector<16xi32> to vector<16xi32>
      %swap3A_187 = vector.shape_cast %add3A_183 : vector<16xi32> to vector<16xi32>
      tpu.vector_store %arg7[%swap3A_184], %swap3A_187 {strides = array<i32>} : memref<128xi32, #tpu.memory_space<vmem>>, vector<16xi32>,
      %get3A_188 = arith.constant 112 : index
      %get3A_189 = tpu.vector_load %arg7[%get3A_188] {strides = array<i32>} : memref<128xi32, #tpu.memory_space<vmem>>, vector<16xi32>,
      %get3A_190 = vector.shape_cast %get3A_189 : vector<16xi32> to vector<16xi32>
      %add3A_191 = vector.broadcast %mul3A_29 : i32 to vector<16xi32>
      %add3A_192 = arith.addi %get3A_190, %add3A_191 : vector<16xi32>
      %swap3A_193 = arith.constant 112 : index
      %swap3A_194 = tpu.vector_load %arg7[%swap3A_193] {strides = array<i32>} : memref<128xi32, #tpu.memory_space<vmem>>, vector<16xi32>,
      %swap3A_195 = vector.shape_cast %swap3A_194 : vector<16xi32> to vector<16xi32>
      %swap3A_196 = vector.shape_cast %add3A_192 : vector<16xi32> to vector<16xi32>
      tpu.vector_store %arg7[%swap3A_193], %swap3A_196 {strides = array<i32>} : memref<128xi32, #tpu.memory_space<vmem>>, vector<16xi32>,
      %dma_start3A = arith.constant 0 : i32
      %dma_start3A_197 = arith.constant 0 : i32
      %dma_start3A_198 = tpu.memref_slice %arg2[%dma_start3A, %dma_start3A_197] : memref<40960x128xf32, #tpu.memory_space<hbm>> -> memref<40960x128xf32, #tpu.memory_space<hbm>>
      tpu.enqueue_indirect_dma source(%dma_start3A_198 : memref<40960x128xf32, #tpu.memory_space<hbm>>) target(%arg9 : memref<128x128xf32, #tpu.memory_space<vmem>>) offsets(%arg7 : memref<128xi32, #tpu.memory_space<vmem>>) semaphore(%arg11 : memref<!tpu.dma_semaphore, #tpu.memory_space<semaphore_mem>>)
      %dma_wait3A = arith.constant 0 : i32
      %dma_wait3A_199 = arith.constant 0 : i32
      %dma_wait3A_200 = tpu.memref_slice %arg2[%dma_wait3A, %dma_wait3A_199] : memref<40960x128xf32, #tpu.memory_space<hbm>> -> memref<40960x128xf32, #tpu.memory_space<hbm>>
      tpu.wait_indirect_dma semaphore(%arg11 : memref<!tpu.dma_semaphore, #tpu.memory_space<semaphore_mem>>) src(%dma_wait3A_200 : memref<40960x128xf32, #tpu.memory_space<hbm>>) dst(%arg9 : memref<128x128xf32, #tpu.memory_space<vmem>>)
      "tpu.region"() ({
        %run_scoped3A = tpu.sem_alloc : memref<!tpu.dma_semaphore, #tpu.memory_space<semaphore_mem>>
        %dma_start3A_201 = arith.constant 0 : i32
        %dma_start3A_202 = arith.constant 0 : i32
        %dma_start3A_203 = tpu.memref_slice %arg6[%dma_start3A_201, %dma_start3A_202] : memref<10240x128xf32, #tpu.memory_space<vmem_shared>> -> memref<10240x128xf32, #tpu.memory_space<vmem_shared>>
        tpu.enqueue_indirect_dma source(%arg9 : memref<128x128xf32, #tpu.memory_space<vmem>>) target(%dma_start3A_203 : memref<10240x128xf32, #tpu.memory_space<vmem_shared>>) offsets(%arg8 : memref<128xi32, #tpu.memory_space<vmem>>) semaphore(%run_scoped3A : memref<!tpu.dma_semaphore, #tpu.memory_space<semaphore_mem>>) {add = true}
        %dma_wait3A_204 = arith.constant 0 : i32
        %dma_wait3A_205 = arith.constant 0 : i32
        %dma_wait3A_206 = tpu.memref_slice %arg6[%dma_wait3A_204, %dma_wait3A_205] : memref<10240x128xf32, #tpu.memory_space<vmem_shared>> -> memref<10240x128xf32, #tpu.memory_space<vmem_shared>>
        tpu.wait_indirect_dma semaphore(%run_scoped3A : memref<!tpu.dma_semaphore, #tpu.memory_space<semaphore_mem>>) src(%arg9 : memref<128x128xf32, #tpu.memory_space<vmem>>) dst(%dma_wait3A_206 : memref<10240x128xf32, #tpu.memory_space<vmem_shared>>)
        tpu.yield
      }) : () -> ()
    }
    %scan3A_35 = arith.constant 80 : i32
    %barrier3A_36 = arith.constant 0 : index
    tpu.barrier barrier_id(%barrier3A_36)
    %mul3A_37 = arith.constant 640 : i32
    %mul3A_38 = arith.muli %arg1, %mul3A_37 : i32
    %add3A_39 = arith.constant 0 : i32
    %add3A_40 = arith.addi %mul3A_38, %add3A_39 : i32
    %add3A_41 = arith.addi %mul3A_29, %add3A_40 : i32
    "tpu.region"() ({
      %run_scoped3A = tpu.sem_alloc : memref<!tpu.dma_semaphore, #tpu.memory_space<semaphore_mem>>
      %dma_start3A = arith.constant 0 : i32
      %dma_start3A_121 = tpu.memref_slice %arg5[%add3A_41, %dma_start3A] : memref<40960x128xf32, #tpu.memory_space<hbm>> -> memref<128x128xf32, #tpu.memory_space<hbm>>
      %dma_start3A_122 = arith.constant 0 : i32
      %dma_start3A_123 = tpu.memref_slice %arg6[%add3A_40, %dma_start3A_122] : memref<10240x128xf32, #tpu.memory_space<vmem_shared>> -> memref<128x128xf32, #tpu.memory_space<vmem_shared>>
      tpu.enqueue_dma source(%dma_start3A_123 : memref<128x128xf32, #tpu.memory_space<vmem_shared>>) target(%dma_start3A_121 : memref<128x128xf32, #tpu.memory_space<hbm>>) target_semaphore(%run_scoped3A : memref<!tpu.dma_semaphore, #tpu.memory_space<semaphore_mem>>)
      %dma_wait3A = arith.constant 0 : i32
      %dma_wait3A_124 = tpu.memref_slice %arg5[%add3A_41, %dma_wait3A] : memref<40960x128xf32, #tpu.memory_space<hbm>> -> memref<128x128xf32, #tpu.memory_space<hbm>>
      %dma_wait3A_125 = arith.constant 0 : i32
      %dma_wait3A_126 = tpu.memref_slice %arg6[%add3A_40, %dma_wait3A_125] : memref<10240x128xf32, #tpu.memory_space<vmem_shared>> -> memref<128x128xf32, #tpu.memory_space<vmem_shared>>
      tpu.wait_dma2 semaphore(%run_scoped3A : memref<!tpu.dma_semaphore, #tpu.memory_space<semaphore_mem>>) src(%dma_wait3A_126 : memref<128x128xf32, #tpu.memory_space<vmem_shared>>) dst(%dma_wait3A_124 : memref<128x128xf32, #tpu.memory_space<hbm>>)
      tpu.yield
    }) : () -> ()
    %mul3A_42 = arith.constant 640 : i32
    %mul3A_43 = arith.muli %arg1, %mul3A_42 : i32
    %add3A_44 = arith.constant 128 : i32
    %add3A_45 = arith.addi %mul3A_43, %add3A_44 : i32
    %add3A_46 = arith.addi %mul3A_29, %add3A_45 : i32
    "tpu.region"() ({
      %run_scoped3A = tpu.sem_alloc : memref<!tpu.dma_semaphore, #tpu.memory_space<semaphore_mem>>
      %dma_start3A = arith.constant 0 : i32
      %dma_start3A_121 = tpu.memref_slice %arg5[%add3A_46, %dma_start3A] : memref<40960x128xf32, #tpu.memory_space<hbm>> -> memref<128x128xf32, #tpu.memory_space<hbm>>
      %dma_start3A_122 = arith.constant 0 : i32
      %dma_start3A_123 = tpu.memref_slice %arg6[%add3A_45, %dma_start3A_122] : memref<10240x128xf32, #tpu.memory_space<vmem_shared>> -> memref<128x128xf32, #tpu.memory_space<vmem_shared>>
      tpu.enqueue_dma source(%dma_start3A_123 : memref<128x128xf32, #tpu.memory_space<vmem_shared>>) target(%dma_start3A_121 : memref<128x128xf32, #tpu.memory_space<hbm>>) target_semaphore(%run_scoped3A : memref<!tpu.dma_semaphore, #tpu.memory_space<semaphore_mem>>)
      %dma_wait3A = arith.constant 0 : i32
      %dma_wait3A_124 = tpu.memref_slice %arg5[%add3A_46, %dma_wait3A] : memref<40960x128xf32, #tpu.memory_space<hbm>> -> memref<128x128xf32, #tpu.memory_space<hbm>>
      %dma_wait3A_125 = arith.constant 0 : i32
      %dma_wait3A_126 = tpu.memref_slice %arg6[%add3A_45, %dma_wait3A_125] : memref<10240x128xf32, #tpu.memory_space<vmem_shared>> -> memref<128x128xf32, #tpu.memory_space<vmem_shared>>
      tpu.wait_dma2 semaphore(%run_scoped3A : memref<!tpu.dma_semaphore, #tpu.memory_space<semaphore_mem>>) src(%dma_wait3A_126 : memref<128x128xf32, #tpu.memory_space<vmem_shared>>) dst(%dma_wait3A_124 : memref<128x128xf32, #tpu.memory_space<hbm>>)
      tpu.yield
    }) : () -> ()
    %mul3A_47 = arith.constant 640 : i32
    %mul3A_48 = arith.muli %arg1, %mul3A_47 : i32
    %add3A_49 = arith.constant 256 : i32
    %add3A_50 = arith.addi %mul3A_48, %add3A_49 : i32
    %add3A_51 = arith.addi %mul3A_29, %add3A_50 : i32
    "tpu.region"() ({
      %run_scoped3A = tpu.sem_alloc : memref<!tpu.dma_semaphore, #tpu.memory_space<semaphore_mem>>
      %dma_start3A = arith.constant 0 : i32
      %dma_start3A_121 = tpu.memref_slice %arg5[%add3A_51, %dma_start3A] : memref<40960x128xf32, #tpu.memory_space<hbm>> -> memref<128x128xf32, #tpu.memory_space<hbm>>
      %dma_start3A_122 = arith.constant 0 : i32
      %dma_start3A_123 = tpu.memref_slice %arg6[%add3A_50, %dma_start3A_122] : memref<10240x128xf32, #tpu.memory_space<vmem_shared>> -> memref<128x128xf32, #tpu.memory_space<vmem_shared>>
      tpu.enqueue_dma source(%dma_start3A_123 : memref<128x128xf32, #tpu.memory_space<vmem_shared>>) target(%dma_start3A_121 : memref<128x128xf32, #tpu.memory_space<hbm>>) target_semaphore(%run_scoped3A : memref<!tpu.dma_semaphore, #tpu.memory_space<semaphore_mem>>)
      %dma_wait3A = arith.constant 0 : i32
      %dma_wait3A_124 = tpu.memref_slice %arg5[%add3A_51, %dma_wait3A] : memref<40960x128xf32, #tpu.memory_space<hbm>> -> memref<128x128xf32, #tpu.memory_space<hbm>>
      %dma_wait3A_125 = arith.constant 0 : i32
      %dma_wait3A_126 = tpu.memref_slice %arg6[%add3A_50, %dma_wait3A_125] : memref<10240x128xf32, #tpu.memory_space<vmem_shared>> -> memref<128x128xf32, #tpu.memory_space<vmem_shared>>
      tpu.wait_dma2 semaphore(%run_scoped3A : memref<!tpu.dma_semaphore, #tpu.memory_space<semaphore_mem>>) src(%dma_wait3A_126 : memref<128x128xf32, #tpu.memory_space<vmem_shared>>) dst(%dma_wait3A_124 : memref<128x128xf32, #tpu.memory_space<hbm>>)
      tpu.yield
    }) : () -> ()
    %mul3A_52 = arith.constant 640 : i32
    %mul3A_53 = arith.muli %arg1, %mul3A_52 : i32
    %add3A_54 = arith.constant 384 : i32
    %add3A_55 = arith.addi %mul3A_53, %add3A_54 : i32
    %add3A_56 = arith.addi %mul3A_29, %add3A_55 : i32
    "tpu.region"() ({
      %run_scoped3A = tpu.sem_alloc : memref<!tpu.dma_semaphore, #tpu.memory_space<semaphore_mem>>
      %dma_start3A = arith.constant 0 : i32
      %dma_start3A_121 = tpu.memref_slice %arg5[%add3A_56, %dma_start3A] : memref<40960x128xf32, #tpu.memory_space<hbm>> -> memref<128x128xf32, #tpu.memory_space<hbm>>
      %dma_start3A_122 = arith.constant 0 : i32
      %dma_start3A_123 = tpu.memref_slice %arg6[%add3A_55, %dma_start3A_122] : memref<10240x128xf32, #tpu.memory_space<vmem_shared>> -> memref<128x128xf32, #tpu.memory_space<vmem_shared>>
      tpu.enqueue_dma source(%dma_start3A_123 : memref<128x128xf32, #tpu.memory_space<vmem_shared>>) target(%dma_start3A_121 : memref<128x128xf32, #tpu.memory_space<hbm>>) target_semaphore(%run_scoped3A : memref<!tpu.dma_semaphore, #tpu.memory_space<semaphore_mem>>)
      %dma_wait3A = arith.constant 0 : i32
      %dma_wait3A_124 = tpu.memref_slice %arg5[%add3A_56, %dma_wait3A] : memref<40960x128xf32, #tpu.memory_space<hbm>> -> memref<128x128xf32, #tpu.memory_space<hbm>>
      %dma_wait3A_125 = arith.constant 0 : i32
      %dma_wait3A_126 = tpu.memref_slice %arg6[%add3A_55, %dma_wait3A_125] : memref<10240x128xf32, #tpu.memory_space<vmem_shared>> -> memref<128x128xf32, #tpu.memory_space<vmem_shared>>
      tpu.wait_dma2 semaphore(%run_scoped3A : memref<!tpu.dma_semaphore, #tpu.memory_space<semaphore_mem>>) src(%dma_wait3A_126 : memref<128x128xf32, #tpu.memory_space<vmem_shared>>) dst(%dma_wait3A_124 : memref<128x128xf32, #tpu.memory_space<hbm>>)
      tpu.yield
    }) : () -> ()
    %mul3A_57 = arith.constant 640 : i32
    %mul3A_58 = arith.muli %arg1, %mul3A_57 : i32
    %add3A_59 = arith.constant 512 : i32
    %add3A_60 = arith.addi %mul3A_58, %add3A_59 : i32
    %add3A_61 = arith.addi %mul3A_29, %add3A_60 : i32
    "tpu.region"() ({
      %run_scoped3A = tpu.sem_alloc : memref<!tpu.dma_semaphore, #tpu.memory_space<semaphore_mem>>
      %dma_start3A = arith.constant 0 : i32
      %dma_start3A_121 = tpu.memref_slice %arg5[%add3A_61, %dma_start3A] : memref<40960x128xf32, #tpu.memory_space<hbm>> -> memref<128x128xf32, #tpu.memory_space<hbm>>
      %dma_start3A_122 = arith.constant 0 : i32
      %dma_start3A_123 = tpu.memref_slice %arg6[%add3A_60, %dma_start3A_122] : memref<10240x128xf32, #tpu.memory_space<vmem_shared>> -> memref<128x128xf32, #tpu.memory_space<vmem_shared>>
      tpu.enqueue_dma source(%dma_start3A_123 : memref<128x128xf32, #tpu.memory_space<vmem_shared>>) target(%dma_start3A_121 : memref<128x128xf32, #tpu.memory_space<hbm>>) target_semaphore(%run_scoped3A : memref<!tpu.dma_semaphore, #tpu.memory_space<semaphore_mem>>)
      %dma_wait3A = arith.constant 0 : i32
      %dma_wait3A_124 = tpu.memref_slice %arg5[%add3A_61, %dma_wait3A] : memref<40960x128xf32, #tpu.memory_space<hbm>> -> memref<128x128xf32, #tpu.memory_space<hbm>>
      %dma_wait3A_125 = arith.constant 0 : i32
      %dma_wait3A_126 = tpu.memref_slice %arg6[%add3A_60, %dma_wait3A_125] : memref<10240x128xf32, #tpu.memory_space<vmem_shared>> -> memref<128x128xf32, #tpu.memory_space<vmem_shared>>
      tpu.wait_dma2 semaphore(%run_scoped3A : memref<!tpu.dma_semaphore, #tpu.memory_space<semaphore_mem>>) src(%dma_wait3A_126 : memref<128x128xf32, #tpu.memory_space<vmem_shared>>) dst(%dma_wait3A_124 : memref<128x128xf32, #tpu.memory_space<hbm>>)
      tpu.yield
    }) : () -> ()
    %mul3A_62 = arith.constant 640 : i32
    %mul3A_63 = arith.muli %arg1, %mul3A_62 : i32
    %add3A_64 = arith.constant 0 : i32
    %add3A_65 = arith.addi %mul3A_63, %add3A_64 : i32
    "tpu.region"() ({
      %run_scoped3A = tpu.sem_alloc : memref<!tpu.dma_semaphore, #tpu.memory_space<semaphore_mem>>
      %dma_start3A = arith.constant 0 : i32
      %dma_start3A_121 = tpu.memref_slice %arg6[%add3A_65, %dma_start3A] : memref<10240x128xf32, #tpu.memory_space<vmem_shared>> -> memref<128x128xf32, #tpu.memory_space<vmem_shared>>
      %dma_start3A_122 = arith.constant 0 : i32
      %dma_start3A_123 = tpu.memref_slice %arg6[%add3A_65, %dma_start3A_122] : memref<10240x128xf32, #tpu.memory_space<vmem_shared>> -> memref<128x128xf32, #tpu.memory_space<vmem_shared>>
      tpu.enqueue_dma source(%arg10 : memref<128x128xf32, #tpu.memory_space<vmem>>) target(%dma_start3A_123 : memref<128x128xf32, #tpu.memory_space<vmem_shared>>) target_semaphore(%run_scoped3A : memref<!tpu.dma_semaphore, #tpu.memory_space<semaphore_mem>>)
      %dma_wait3A = arith.constant 0 : i32
      %dma_wait3A_124 = tpu.memref_slice %arg6[%add3A_65, %dma_wait3A] : memref<10240x128xf32, #tpu.memory_space<vmem_shared>> -> memref<128x128xf32, #tpu.memory_space<vmem_shared>>
      %dma_wait3A_125 = arith.constant 0 : i32
      %dma_wait3A_126 = tpu.memref_slice %arg6[%add3A_65, %dma_wait3A_125] : memref<10240x128xf32, #tpu.memory_space<vmem_shared>> -> memref<128x128xf32, #tpu.memory_space<vmem_shared>>
      tpu.wait_dma2 semaphore(%run_scoped3A : memref<!tpu.dma_semaphore, #tpu.memory_space<semaphore_mem>>) src(%arg10 : memref<128x128xf32, #tpu.memory_space<vmem>>) dst(%dma_wait3A_126 : memref<128x128xf32, #tpu.memory_space<vmem_shared>>)
      tpu.yield
    }) : () -> ()
    %mul3A_66 = arith.constant 640 : i32
    %mul3A_67 = arith.muli %arg1, %mul3A_66 : i32
    %add3A_68 = arith.constant 128 : i32
    %add3A_69 = arith.addi %mul3A_67, %add3A_68 : i32
    "tpu.region"() ({
      %run_scoped3A = tpu.sem_alloc : memref<!tpu.dma_semaphore, #tpu.memory_space<semaphore_mem>>
      %dma_start3A = arith.constant 0 : i32
      %dma_start3A_121 = tpu.memref_slice %arg6[%add3A_69, %dma_start3A] : memref<10240x128xf32, #tpu.memory_space<vmem_shared>> -> memref<128x128xf32, #tpu.memory_space<vmem_shared>>
      %dma_start3A_122 = arith.constant 0 : i32
      %dma_start3A_123 = tpu.memref_slice %arg6[%add3A_69, %dma_start3A_122] : memref<10240x128xf32, #tpu.memory_space<vmem_shared>> -> memref<128x128xf32, #tpu.memory_space<vmem_shared>>
      tpu.enqueue_dma source(%arg10 : memref<128x128xf32, #tpu.memory_space<vmem>>) target(%dma_start3A_123 : memref<128x128xf32, #tpu.memory_space<vmem_shared>>) target_semaphore(%run_scoped3A : memref<!tpu.dma_semaphore, #tpu.memory_space<semaphore_mem>>)
      %dma_wait3A = arith.constant 0 : i32
      %dma_wait3A_124 = tpu.memref_slice %arg6[%add3A_69, %dma_wait3A] : memref<10240x128xf32, #tpu.memory_space<vmem_shared>> -> memref<128x128xf32, #tpu.memory_space<vmem_shared>>
      %dma_wait3A_125 = arith.constant 0 : i32
      %dma_wait3A_126 = tpu.memref_slice %arg6[%add3A_69, %dma_wait3A_125] : memref<10240x128xf32, #tpu.memory_space<vmem_shared>> -> memref<128x128xf32, #tpu.memory_space<vmem_shared>>
      tpu.wait_dma2 semaphore(%run_scoped3A : memref<!tpu.dma_semaphore, #tpu.memory_space<semaphore_mem>>) src(%arg10 : memref<128x128xf32, #tpu.memory_space<vmem>>) dst(%dma_wait3A_126 : memref<128x128xf32, #tpu.memory_space<vmem_shared>>)
      tpu.yield
    }) : () -> ()
    %mul3A_70 = arith.constant 640 : i32
    %mul3A_71 = arith.muli %arg1, %mul3A_70 : i32
    %add3A_72 = arith.constant 256 : i32
    %add3A_73 = arith.addi %mul3A_71, %add3A_72 : i32
    "tpu.region"() ({
      %run_scoped3A = tpu.sem_alloc : memref<!tpu.dma_semaphore, #tpu.memory_space<semaphore_mem>>
      %dma_start3A = arith.constant 0 : i32
      %dma_start3A_121 = tpu.memref_slice %arg6[%add3A_73, %dma_start3A] : memref<10240x128xf32, #tpu.memory_space<vmem_shared>> -> memref<128x128xf32, #tpu.memory_space<vmem_shared>>
      %dma_start3A_122 = arith.constant 0 : i32
      %dma_start3A_123 = tpu.memref_slice %arg6[%add3A_73, %dma_start3A_122] : memref<10240x128xf32, #tpu.memory_space<vmem_shared>> -> memref<128x128xf32, #tpu.memory_space<vmem_shared>>
      tpu.enqueue_dma source(%arg10 : memref<128x128xf32, #tpu.memory_space<vmem>>) target(%dma_start3A_123 : memref<128x128xf32, #tpu.memory_space<vmem_shared>>) target_semaphore(%run_scoped3A : memref<!tpu.dma_semaphore, #tpu.memory_space<semaphore_mem>>)
      %dma_wait3A = arith.constant 0 : i32
      %dma_wait3A_124 = tpu.memref_slice %arg6[%add3A_73, %dma_wait3A] : memref<10240x128xf32, #tpu.memory_space<vmem_shared>> -> memref<128x128xf32, #tpu.memory_space<vmem_shared>>
      %dma_wait3A_125 = arith.constant 0 : i32
      %dma_wait3A_126 = tpu.memref_slice %arg6[%add3A_73, %dma_wait3A_125] : memref<10240x128xf32, #tpu.memory_space<vmem_shared>> -> memref<128x128xf32, #tpu.memory_space<vmem_shared>>
      tpu.wait_dma2 semaphore(%run_scoped3A : memref<!tpu.dma_semaphore, #tpu.memory_space<semaphore_mem>>) src(%arg10 : memref<128x128xf32, #tpu.memory_space<vmem>>) dst(%dma_wait3A_126 : memref<128x128xf32, #tpu.memory_space<vmem_shared>>)
      tpu.yield
    }) : () -> ()
    %mul3A_74 = arith.constant 640 : i32
    %mul3A_75 = arith.muli %arg1, %mul3A_74 : i32
    %add3A_76 = arith.constant 384 : i32
    %add3A_77 = arith.addi %mul3A_75, %add3A_76 : i32
    "tpu.region"() ({
      %run_scoped3A = tpu.sem_alloc : memref<!tpu.dma_semaphore, #tpu.memory_space<semaphore_mem>>
      %dma_start3A = arith.constant 0 : i32
      %dma_start3A_121 = tpu.memref_slice %arg6[%add3A_77, %dma_start3A] : memref<10240x128xf32, #tpu.memory_space<vmem_shared>> -> memref<128x128xf32, #tpu.memory_space<vmem_shared>>
      %dma_start3A_122 = arith.constant 0 : i32
      %dma_start3A_123 = tpu.memref_slice %arg6[%add3A_77, %dma_start3A_122] : memref<10240x128xf32, #tpu.memory_space<vmem_shared>> -> memref<128x128xf32, #tpu.memory_space<vmem_shared>>
      tpu.enqueue_dma source(%arg10 : memref<128x128xf32, #tpu.memory_space<vmem>>) target(%dma_start3A_123 : memref<128x128xf32, #tpu.memory_space<vmem_shared>>) target_semaphore(%run_scoped3A : memref<!tpu.dma_semaphore, #tpu.memory_space<semaphore_mem>>)
      %dma_wait3A = arith.constant 0 : i32
      %dma_wait3A_124 = tpu.memref_slice %arg6[%add3A_77, %dma_wait3A] : memref<10240x128xf32, #tpu.memory_space<vmem_shared>> -> memref<128x128xf32, #tpu.memory_space<vmem_shared>>
      %dma_wait3A_125 = arith.constant 0 : i32
      %dma_wait3A_126 = tpu.memref_slice %arg6[%add3A_77, %dma_wait3A_125] : memref<10240x128xf32, #tpu.memory_space<vmem_shared>> -> memref<128x128xf32, #tpu.memory_space<vmem_shared>>
      tpu.wait_dma2 semaphore(%run_scoped3A : memref<!tpu.dma_semaphore, #tpu.memory_space<semaphore_mem>>) src(%arg10 : memref<128x128xf32, #tpu.memory_space<vmem>>) dst(%dma_wait3A_126 : memref<128x128xf32, #tpu.memory_space<vmem_shared>>)
      tpu.yield
    }) : () -> ()
    %mul3A_78 = arith.constant 640 : i32
    %mul3A_79 = arith.muli %arg1, %mul3A_78 : i32
    %add3A_80 = arith.constant 512 : i32
    %add3A_81 = arith.addi %mul3A_79, %add3A_80 : i32
    "tpu.region"() ({
      %run_scoped3A = tpu.sem_alloc : memref<!tpu.dma_semaphore, #tpu.memory_space<semaphore_mem>>
      %dma_start3A = arith.constant 0 : i32
      %dma_start3A_121 = tpu.memref_slice %arg6[%add3A_81, %dma_start3A] : memref<10240x128xf32, #tpu.memory_space<vmem_shared>> -> memref<128x128xf32, #tpu.memory_space<vmem_shared>>
      %dma_start3A_122 = arith.constant 0 : i32
      %dma_start3A_123 = tpu.memref_slice %arg6[%add3A_81, %dma_start3A_122] : memref<10240x128xf32, #tpu.memory_space<vmem_shared>> -> memref<128x128xf32, #tpu.memory_space<vmem_shared>>
      tpu.enqueue_dma source(%arg10 : memref<128x128xf32, #tpu.memory_space<vmem>>) target(%dma_start3A_123 : memref<128x128xf32, #tpu.memory_space<vmem_shared>>) target_semaphore(%run_scoped3A : memref<!tpu.dma_semaphore, #tpu.memory_space<semaphore_mem>>)
      %dma_wait3A = arith.constant 0 : i32
      %dma_wait3A_124 = tpu.memref_slice %arg6[%add3A_81, %dma_wait3A] : memref<10240x128xf32, #tpu.memory_space<vmem_shared>> -> memref<128x128xf32, #tpu.memory_space<vmem_shared>>
      %dma_wait3A_125 = arith.constant 0 : i32
      %dma_wait3A_126 = tpu.memref_slice %arg6[%add3A_81, %dma_wait3A_125] : memref<10240x128xf32, #tpu.memory_space<vmem_shared>> -> memref<128x128xf32, #tpu.memory_space<vmem_shared>>
      tpu.wait_dma2 semaphore(%run_scoped3A : memref<!tpu.dma_semaphore, #tpu.memory_space<semaphore_mem>>) src(%arg10 : memref<128x128xf32, #tpu.memory_space<vmem>>) dst(%dma_wait3A_126 : memref<128x128xf32, #tpu.memory_space<vmem_shared>>)
      tpu.yield
    }) : () -> ()
    %barrier3A_82 = arith.constant 0 : index
    tpu.barrier barrier_id(%barrier3A_82)
    %mul3A_83 = arith.constant 2 : i32
    %mul3A_84 = arith.muli %arg0, %mul3A_83 : i32
    %add3A_85 = arith.constant 1 : i32
    %add3A_86 = arith.addi %mul3A_84, %add3A_85 : i32
    %mul3A_87 = arith.constant 10240 : i32
    %mul3A_88 = arith.muli %add3A_86, %mul3A_87 : i32
    %scan3A_89 = arith.constant 0 : i32
    %scan3A_90 = arith.constant 0 : i32
    %scan3A_91 = arith.constant 80 : i32
    %scan3A_92 = arith.addi %scan3A_90, %scan3A_91 : i32
    %scan3A_93 = arith.constant 1 : i32
    scf.for %scan3A_121 = %scan3A_90 to %scan3A_92 step %scan3A_93  : i32 {
      %mul3A_122 = arith.constant 10240 : i32
      %mul3A_123 = arith.muli %arg1, %mul3A_122 : i32
      %mul3A_124 = arith.constant 128 : i32
      %mul3A_125 = arith.muli %scan3A_121, %mul3A_124 : i32
      %add3A_126 = arith.addi %mul3A_123, %mul3A_125 : i32
      "tpu.region"() ({
        %run_scoped3A = tpu.sem_alloc : memref<!tpu.dma_semaphore, #tpu.memory_space<semaphore_mem>>
        %dma_start3A_201 = tpu.memref_slice %arg3[%add3A_126] : memref<163840xi32, #tpu.memory_space<hbm>> -> memref<128xi32, #tpu.memory_space<hbm>>
        %dma_start3A_202 = tpu.memref_slice %arg3[%add3A_126] : memref<163840xi32, #tpu.memory_space<hbm>> -> memref<128xi32, #tpu.memory_space<hbm>>
        tpu.enqueue_dma source(%dma_start3A_202 : memref<128xi32, #tpu.memory_space<hbm>>) target(%arg7 : memref<128xi32, #tpu.memory_space<vmem>>) target_semaphore(%run_scoped3A : memref<!tpu.dma_semaphore, #tpu.memory_space<semaphore_mem>>)
        %dma_wait3A_203 = tpu.memref_slice %arg3[%add3A_126] : memref<163840xi32, #tpu.memory_space<hbm>> -> memref<128xi32, #tpu.memory_space<hbm>>
        %dma_wait3A_204 = tpu.memref_slice %arg3[%add3A_126] : memref<163840xi32, #tpu.memory_space<hbm>> -> memref<128xi32, #tpu.memory_space<hbm>>
        tpu.wait_dma2 semaphore(%run_scoped3A : memref<!tpu.dma_semaphore, #tpu.memory_space<semaphore_mem>>) src(%dma_wait3A_204 : memref<128xi32, #tpu.memory_space<hbm>>) dst(%arg7 : memref<128xi32, #tpu.memory_space<vmem>>)
        tpu.yield
      }) : () -> ()
      "tpu.region"() ({
        %run_scoped3A = tpu.sem_alloc : memref<!tpu.dma_semaphore, #tpu.memory_space<semaphore_mem>>
        %dma_start3A_201 = tpu.memref_slice %arg4[%add3A_126] : memref<163840xi32, #tpu.memory_space<hbm>> -> memref<128xi32, #tpu.memory_space<hbm>>
        %dma_start3A_202 = tpu.memref_slice %arg4[%add3A_126] : memref<163840xi32, #tpu.memory_space<hbm>> -> memref<128xi32, #tpu.memory_space<hbm>>
        tpu.enqueue_dma source(%dma_start3A_202 : memref<128xi32, #tpu.memory_space<hbm>>) target(%arg8 : memref<128xi32, #tpu.memory_space<vmem>>) target_semaphore(%run_scoped3A : memref<!tpu.dma_semaphore, #tpu.memory_space<semaphore_mem>>)
        %dma_wait3A_203 = tpu.memref_slice %arg4[%add3A_126] : memref<163840xi32, #tpu.memory_space<hbm>> -> memref<128xi32, #tpu.memory_space<hbm>>
        %dma_wait3A_204 = tpu.memref_slice %arg4[%add3A_126] : memref<163840xi32, #tpu.memory_space<hbm>> -> memref<128xi32, #tpu.memory_space<hbm>>
        tpu.wait_dma2 semaphore(%run_scoped3A : memref<!tpu.dma_semaphore, #tpu.memory_space<semaphore_mem>>) src(%dma_wait3A_204 : memref<128xi32, #tpu.memory_space<hbm>>) dst(%arg8 : memref<128xi32, #tpu.memory_space<vmem>>)
        tpu.yield
      }) : () -> ()
      %get3A = arith.constant 0 : index
      %get3A_127 = tpu.vector_load %arg7[%get3A] {strides = array<i32>} : memref<128xi32, #tpu.memory_space<vmem>>, vector<16xi32>,
      %get3A_128 = vector.shape_cast %get3A_127 : vector<16xi32> to vector<16xi32>
      %add3A_129 = vector.broadcast %mul3A_88 : i32 to vector<16xi32>
      %add3A_130 = arith.addi %get3A_128, %add3A_129 : vector<16xi32>
      %swap3A = arith.constant 0 : index
      %swap3A_131 = tpu.vector_load %arg7[%swap3A] {strides = array<i32>} : memref<128xi32, #tpu.memory_space<vmem>>, vector<16xi32>,
      %swap3A_132 = vector.shape_cast %swap3A_131 : vector<16xi32> to vector<16xi32>
      %swap3A_133 = vector.shape_cast %add3A_130 : vector<16xi32> to vector<16xi32>
      tpu.vector_store %arg7[%swap3A], %swap3A_133 {strides = array<i32>} : memref<128xi32, #tpu.memory_space<vmem>>, vector<16xi32>,
      %get3A_134 = arith.constant 16 : index
      %get3A_135 = tpu.vector_load %arg7[%get3A_134] {strides = array<i32>} : memref<128xi32, #tpu.memory_space<vmem>>, vector<16xi32>,
      %get3A_136 = vector.shape_cast %get3A_135 : vector<16xi32> to vector<16xi32>
      %add3A_137 = vector.broadcast %mul3A_88 : i32 to vector<16xi32>
      %add3A_138 = arith.addi %get3A_136, %add3A_137 : vector<16xi32>
      %swap3A_139 = arith.constant 16 : index
      %swap3A_140 = tpu.vector_load %arg7[%swap3A_139] {strides = array<i32>} : memref<128xi32, #tpu.memory_space<vmem>>, vector<16xi32>,
      %swap3A_141 = vector.shape_cast %swap3A_140 : vector<16xi32> to vector<16xi32>
      %swap3A_142 = vector.shape_cast %add3A_138 : vector<16xi32> to vector<16xi32>
      tpu.vector_store %arg7[%swap3A_139], %swap3A_142 {strides = array<i32>} : memref<128xi32, #tpu.memory_space<vmem>>, vector<16xi32>,
      %get3A_143 = arith.constant 32 : index
      %get3A_144 = tpu.vector_load %arg7[%get3A_143] {strides = array<i32>} : memref<128xi32, #tpu.memory_space<vmem>>, vector<16xi32>,
      %get3A_145 = vector.shape_cast %get3A_144 : vector<16xi32> to vector<16xi32>
      %add3A_146 = vector.broadcast %mul3A_88 : i32 to vector<16xi32>
      %add3A_147 = arith.addi %get3A_145, %add3A_146 : vector<16xi32>
      %swap3A_148 = arith.constant 32 : index
      %swap3A_149 = tpu.vector_load %arg7[%swap3A_148] {strides = array<i32>} : memref<128xi32, #tpu.memory_space<vmem>>, vector<16xi32>,
      %swap3A_150 = vector.shape_cast %swap3A_149 : vector<16xi32> to vector<16xi32>
      %swap3A_151 = vector.shape_cast %add3A_147 : vector<16xi32> to vector<16xi32>
      tpu.vector_store %arg7[%swap3A_148], %swap3A_151 {strides = array<i32>} : memref<128xi32, #tpu.memory_space<vmem>>, vector<16xi32>,
      %get3A_152 = arith.constant 48 : index
      %get3A_153 = tpu.vector_load %arg7[%get3A_152] {strides = array<i32>} : memref<128xi32, #tpu.memory_space<vmem>>, vector<16xi32>,
      %get3A_154 = vector.shape_cast %get3A_153 : vector<16xi32> to vector<16xi32>
      %add3A_155 = vector.broadcast %mul3A_88 : i32 to vector<16xi32>
      %add3A_156 = arith.addi %get3A_154, %add3A_155 : vector<16xi32>
      %swap3A_157 = arith.constant 48 : index
      %swap3A_158 = tpu.vector_load %arg7[%swap3A_157] {strides = array<i32>} : memref<128xi32, #tpu.memory_space<vmem>>, vector<16xi32>,
      %swap3A_159 = vector.shape_cast %swap3A_158 : vector<16xi32> to vector<16xi32>
      %swap3A_160 = vector.shape_cast %add3A_156 : vector<16xi32> to vector<16xi32>
      tpu.vector_store %arg7[%swap3A_157], %swap3A_160 {strides = array<i32>} : memref<128xi32, #tpu.memory_space<vmem>>, vector<16xi32>,
      %get3A_161 = arith.constant 64 : index
      %get3A_162 = tpu.vector_load %arg7[%get3A_161] {strides = array<i32>} : memref<128xi32, #tpu.memory_space<vmem>>, vector<16xi32>,
      %get3A_163 = vector.shape_cast %get3A_162 : vector<16xi32> to vector<16xi32>
      %add3A_164 = vector.broadcast %mul3A_88 : i32 to vector<16xi32>
      %add3A_165 = arith.addi %get3A_163, %add3A_164 : vector<16xi32>
      %swap3A_166 = arith.constant 64 : index
      %swap3A_167 = tpu.vector_load %arg7[%swap3A_166] {strides = array<i32>} : memref<128xi32, #tpu.memory_space<vmem>>, vector<16xi32>,
      %swap3A_168 = vector.shape_cast %swap3A_167 : vector<16xi32> to vector<16xi32>
      %swap3A_169 = vector.shape_cast %add3A_165 : vector<16xi32> to vector<16xi32>
      tpu.vector_store %arg7[%swap3A_166], %swap3A_169 {strides = array<i32>} : memref<128xi32, #tpu.memory_space<vmem>>, vector<16xi32>,
      %get3A_170 = arith.constant 80 : index
      %get3A_171 = tpu.vector_load %arg7[%get3A_170] {strides = array<i32>} : memref<128xi32, #tpu.memory_space<vmem>>, vector<16xi32>,
      %get3A_172 = vector.shape_cast %get3A_171 : vector<16xi32> to vector<16xi32>
      %add3A_173 = vector.broadcast %mul3A_88 : i32 to vector<16xi32>
      %add3A_174 = arith.addi %get3A_172, %add3A_173 : vector<16xi32>
      %swap3A_175 = arith.constant 80 : index
      %swap3A_176 = tpu.vector_load %arg7[%swap3A_175] {strides = array<i32>} : memref<128xi32, #tpu.memory_space<vmem>>, vector<16xi32>,
      %swap3A_177 = vector.shape_cast %swap3A_176 : vector<16xi32> to vector<16xi32>
      %swap3A_178 = vector.shape_cast %add3A_174 : vector<16xi32> to vector<16xi32>
      tpu.vector_store %arg7[%swap3A_175], %swap3A_178 {strides = array<i32>} : memref<128xi32, #tpu.memory_space<vmem>>, vector<16xi32>,
      %get3A_179 = arith.constant 96 : index
      %get3A_180 = tpu.vector_load %arg7[%get3A_179] {strides = array<i32>} : memref<128xi32, #tpu.memory_space<vmem>>, vector<16xi32>,
      %get3A_181 = vector.shape_cast %get3A_180 : vector<16xi32> to vector<16xi32>
      %add3A_182 = vector.broadcast %mul3A_88 : i32 to vector<16xi32>
      %add3A_183 = arith.addi %get3A_181, %add3A_182 : vector<16xi32>
      %swap3A_184 = arith.constant 96 : index
      %swap3A_185 = tpu.vector_load %arg7[%swap3A_184] {strides = array<i32>} : memref<128xi32, #tpu.memory_space<vmem>>, vector<16xi32>,
      %swap3A_186 = vector.shape_cast %swap3A_185 : vector<16xi32> to vector<16xi32>
      %swap3A_187 = vector.shape_cast %add3A_183 : vector<16xi32> to vector<16xi32>
      tpu.vector_store %arg7[%swap3A_184], %swap3A_187 {strides = array<i32>} : memref<128xi32, #tpu.memory_space<vmem>>, vector<16xi32>,
      %get3A_188 = arith.constant 112 : index
      %get3A_189 = tpu.vector_load %arg7[%get3A_188] {strides = array<i32>} : memref<128xi32, #tpu.memory_space<vmem>>, vector<16xi32>,
      %get3A_190 = vector.shape_cast %get3A_189 : vector<16xi32> to vector<16xi32>
      %add3A_191 = vector.broadcast %mul3A_88 : i32 to vector<16xi32>
      %add3A_192 = arith.addi %get3A_190, %add3A_191 : vector<16xi32>
      %swap3A_193 = arith.constant 112 : index
      %swap3A_194 = tpu.vector_load %arg7[%swap3A_193] {strides = array<i32>} : memref<128xi32, #tpu.memory_space<vmem>>, vector<16xi32>,
      %swap3A_195 = vector.shape_cast %swap3A_194 : vector<16xi32> to vector<16xi32>
      %swap3A_196 = vector.shape_cast %add3A_192 : vector<16xi32> to vector<16xi32>
      tpu.vector_store %arg7[%swap3A_193], %swap3A_196 {strides = array<i32>} : memref<128xi32, #tpu.memory_space<vmem>>, vector<16xi32>,
      %dma_start3A = arith.constant 0 : i32
      %dma_start3A_197 = arith.constant 0 : i32
      %dma_start3A_198 = tpu.memref_slice %arg2[%dma_start3A, %dma_start3A_197] : memref<40960x128xf32, #tpu.memory_space<hbm>> -> memref<40960x128xf32, #tpu.memory_space<hbm>>
      tpu.enqueue_indirect_dma source(%dma_start3A_198 : memref<40960x128xf32, #tpu.memory_space<hbm>>) target(%arg9 : memref<128x128xf32, #tpu.memory_space<vmem>>) offsets(%arg7 : memref<128xi32, #tpu.memory_space<vmem>>) semaphore(%arg11 : memref<!tpu.dma_semaphore, #tpu.memory_space<semaphore_mem>>)
      %dma_wait3A = arith.constant 0 : i32
      %dma_wait3A_199 = arith.constant 0 : i32
      %dma_wait3A_200 = tpu.memref_slice %arg2[%dma_wait3A, %dma_wait3A_199] : memref<40960x128xf32, #tpu.memory_space<hbm>> -> memref<40960x128xf32, #tpu.memory_space<hbm>>
      tpu.wait_indirect_dma semaphore(%arg11 : memref<!tpu.dma_semaphore, #tpu.memory_space<semaphore_mem>>) src(%dma_wait3A_200 : memref<40960x128xf32, #tpu.memory_space<hbm>>) dst(%arg9 : memref<128x128xf32, #tpu.memory_space<vmem>>)
      "tpu.region"() ({
        %run_scoped3A = tpu.sem_alloc : memref<!tpu.dma_semaphore, #tpu.memory_space<semaphore_mem>>
        %dma_start3A_201 = arith.constant 0 : i32
        %dma_start3A_202 = arith.constant 0 : i32
        %dma_start3A_203 = tpu.memref_slice %arg6[%dma_start3A_201, %dma_start3A_202] : memref<10240x128xf32, #tpu.memory_space<vmem_shared>> -> memref<10240x128xf32, #tpu.memory_space<vmem_shared>>
        tpu.enqueue_indirect_dma source(%arg9 : memref<128x128xf32, #tpu.memory_space<vmem>>) target(%dma_start3A_203 : memref<10240x128xf32, #tpu.memory_space<vmem_shared>>) offsets(%arg8 : memref<128xi32, #tpu.memory_space<vmem>>) semaphore(%run_scoped3A : memref<!tpu.dma_semaphore, #tpu.memory_space<semaphore_mem>>) {add = true}
        %dma_wait3A_204 = arith.constant 0 : i32
        %dma_wait3A_205 = arith.constant 0 : i32
        %dma_wait3A_206 = tpu.memref_slice %arg6[%dma_wait3A_204, %dma_wait3A_205] : memref<10240x128xf32, #tpu.memory_space<vmem_shared>> -> memref<10240x128xf32, #tpu.memory_space<vmem_shared>>
        tpu.wait_indirect_dma semaphore(%run_scoped3A : memref<!tpu.dma_semaphore, #tpu.memory_space<semaphore_mem>>) src(%arg9 : memref<128x128xf32, #tpu.memory_space<vmem>>) dst(%dma_wait3A_206 : memref<10240x128xf32, #tpu.memory_space<vmem_shared>>)
        tpu.yield
      }) : () -> ()
    }
    %scan3A_94 = arith.constant 80 : i32
    %barrier3A_95 = arith.constant 0 : index
    tpu.barrier barrier_id(%barrier3A_95)
    %mul3A_96 = arith.constant 640 : i32
    %mul3A_97 = arith.muli %arg1, %mul3A_96 : i32
    %add3A_98 = arith.constant 0 : i32
    %add3A_99 = arith.addi %mul3A_97, %add3A_98 : i32
    %add3A_100 = arith.addi %mul3A_88, %add3A_99 : i32
    "tpu.region"() ({
      %run_scoped3A = tpu.sem_alloc : memref<!tpu.dma_semaphore, #tpu.memory_space<semaphore_mem>>
      %dma_start3A = arith.constant 0 : i32
      %dma_start3A_121 = tpu.memref_slice %arg5[%add3A_100, %dma_start3A] : memref<40960x128xf32, #tpu.memory_space<hbm>> -> memref<128x128xf32, #tpu.memory_space<hbm>>
      %dma_start3A_122 = arith.constant 0 : i32
      %dma_start3A_123 = tpu.memref_slice %arg6[%add3A_99, %dma_start3A_122] : memref<10240x128xf32, #tpu.memory_space<vmem_shared>> -> memref<128x128xf32, #tpu.memory_space<vmem_shared>>
      tpu.enqueue_dma source(%dma_start3A_123 : memref<128x128xf32, #tpu.memory_space<vmem_shared>>) target(%dma_start3A_121 : memref<128x128xf32, #tpu.memory_space<hbm>>) target_semaphore(%run_scoped3A : memref<!tpu.dma_semaphore, #tpu.memory_space<semaphore_mem>>)
      %dma_wait3A = arith.constant 0 : i32
      %dma_wait3A_124 = tpu.memref_slice %arg5[%add3A_100, %dma_wait3A] : memref<40960x128xf32, #tpu.memory_space<hbm>> -> memref<128x128xf32, #tpu.memory_space<hbm>>
      %dma_wait3A_125 = arith.constant 0 : i32
      %dma_wait3A_126 = tpu.memref_slice %arg6[%add3A_99, %dma_wait3A_125] : memref<10240x128xf32, #tpu.memory_space<vmem_shared>> -> memref<128x128xf32, #tpu.memory_space<vmem_shared>>
      tpu.wait_dma2 semaphore(%run_scoped3A : memref<!tpu.dma_semaphore, #tpu.memory_space<semaphore_mem>>) src(%dma_wait3A_126 : memref<128x128xf32, #tpu.memory_space<vmem_shared>>) dst(%dma_wait3A_124 : memref<128x128xf32, #tpu.memory_space<hbm>>)
      tpu.yield
    }) : () -> ()
    %mul3A_101 = arith.constant 640 : i32
    %mul3A_102 = arith.muli %arg1, %mul3A_101 : i32
    %add3A_103 = arith.constant 128 : i32
    %add3A_104 = arith.addi %mul3A_102, %add3A_103 : i32
    %add3A_105 = arith.addi %mul3A_88, %add3A_104 : i32
    "tpu.region"() ({
      %run_scoped3A = tpu.sem_alloc : memref<!tpu.dma_semaphore, #tpu.memory_space<semaphore_mem>>
      %dma_start3A = arith.constant 0 : i32
      %dma_start3A_121 = tpu.memref_slice %arg5[%add3A_105, %dma_start3A] : memref<40960x128xf32, #tpu.memory_space<hbm>> -> memref<128x128xf32, #tpu.memory_space<hbm>>
      %dma_start3A_122 = arith.constant 0 : i32
      %dma_start3A_123 = tpu.memref_slice %arg6[%add3A_104, %dma_start3A_122] : memref<10240x128xf32, #tpu.memory_space<vmem_shared>> -> memref<128x128xf32, #tpu.memory_space<vmem_shared>>
      tpu.enqueue_dma source(%dma_start3A_123 : memref<128x128xf32, #tpu.memory_space<vmem_shared>>) target(%dma_start3A_121 : memref<128x128xf32, #tpu.memory_space<hbm>>) target_semaphore(%run_scoped3A : memref<!tpu.dma_semaphore, #tpu.memory_space<semaphore_mem>>)
      %dma_wait3A = arith.constant 0 : i32
      %dma_wait3A_124 = tpu.memref_slice %arg5[%add3A_105, %dma_wait3A] : memref<40960x128xf32, #tpu.memory_space<hbm>> -> memref<128x128xf32, #tpu.memory_space<hbm>>
      %dma_wait3A_125 = arith.constant 0 : i32
      %dma_wait3A_126 = tpu.memref_slice %arg6[%add3A_104, %dma_wait3A_125] : memref<10240x128xf32, #tpu.memory_space<vmem_shared>> -> memref<128x128xf32, #tpu.memory_space<vmem_shared>>
      tpu.wait_dma2 semaphore(%run_scoped3A : memref<!tpu.dma_semaphore, #tpu.memory_space<semaphore_mem>>) src(%dma_wait3A_126 : memref<128x128xf32, #tpu.memory_space<vmem_shared>>) dst(%dma_wait3A_124 : memref<128x128xf32, #tpu.memory_space<hbm>>)
      tpu.yield
    }) : () -> ()
    %mul3A_106 = arith.constant 640 : i32
    %mul3A_107 = arith.muli %arg1, %mul3A_106 : i32
    %add3A_108 = arith.constant 256 : i32
    %add3A_109 = arith.addi %mul3A_107, %add3A_108 : i32
    %add3A_110 = arith.addi %mul3A_88, %add3A_109 : i32
    "tpu.region"() ({
      %run_scoped3A = tpu.sem_alloc : memref<!tpu.dma_semaphore, #tpu.memory_space<semaphore_mem>>
      %dma_start3A = arith.constant 0 : i32
      %dma_start3A_121 = tpu.memref_slice %arg5[%add3A_110, %dma_start3A] : memref<40960x128xf32, #tpu.memory_space<hbm>> -> memref<128x128xf32, #tpu.memory_space<hbm>>
      %dma_start3A_122 = arith.constant 0 : i32
      %dma_start3A_123 = tpu.memref_slice %arg6[%add3A_109, %dma_start3A_122] : memref<10240x128xf32, #tpu.memory_space<vmem_shared>> -> memref<128x128xf32, #tpu.memory_space<vmem_shared>>
      tpu.enqueue_dma source(%dma_start3A_123 : memref<128x128xf32, #tpu.memory_space<vmem_shared>>) target(%dma_start3A_121 : memref<128x128xf32, #tpu.memory_space<hbm>>) target_semaphore(%run_scoped3A : memref<!tpu.dma_semaphore, #tpu.memory_space<semaphore_mem>>)
      %dma_wait3A = arith.constant 0 : i32
      %dma_wait3A_124 = tpu.memref_slice %arg5[%add3A_110, %dma_wait3A] : memref<40960x128xf32, #tpu.memory_space<hbm>> -> memref<128x128xf32, #tpu.memory_space<hbm>>
      %dma_wait3A_125 = arith.constant 0 : i32
      %dma_wait3A_126 = tpu.memref_slice %arg6[%add3A_109, %dma_wait3A_125] : memref<10240x128xf32, #tpu.memory_space<vmem_shared>> -> memref<128x128xf32, #tpu.memory_space<vmem_shared>>
      tpu.wait_dma2 semaphore(%run_scoped3A : memref<!tpu.dma_semaphore, #tpu.memory_space<semaphore_mem>>) src(%dma_wait3A_126 : memref<128x128xf32, #tpu.memory_space<vmem_shared>>) dst(%dma_wait3A_124 : memref<128x128xf32, #tpu.memory_space<hbm>>)
      tpu.yield
    }) : () -> ()
    %mul3A_111 = arith.constant 640 : i32
    %mul3A_112 = arith.muli %arg1, %mul3A_111 : i32
    %add3A_113 = arith.constant 384 : i32
    %add3A_114 = arith.addi %mul3A_112, %add3A_113 : i32
    %add3A_115 = arith.addi %mul3A_88, %add3A_114 : i32
    "tpu.region"() ({
      %run_scoped3A = tpu.sem_alloc : memref<!tpu.dma_semaphore, #tpu.memory_space<semaphore_mem>>
      %dma_start3A = arith.constant 0 : i32
      %dma_start3A_121 = tpu.memref_slice %arg5[%add3A_115, %dma_start3A] : memref<40960x128xf32, #tpu.memory_space<hbm>> -> memref<128x128xf32, #tpu.memory_space<hbm>>
      %dma_start3A_122 = arith.constant 0 : i32
      %dma_start3A_123 = tpu.memref_slice %arg6[%add3A_114, %dma_start3A_122] : memref<10240x128xf32, #tpu.memory_space<vmem_shared>> -> memref<128x128xf32, #tpu.memory_space<vmem_shared>>
      tpu.enqueue_dma source(%dma_start3A_123 : memref<128x128xf32, #tpu.memory_space<vmem_shared>>) target(%dma_start3A_121 : memref<128x128xf32, #tpu.memory_space<hbm>>) target_semaphore(%run_scoped3A : memref<!tpu.dma_semaphore, #tpu.memory_space<semaphore_mem>>)
      %dma_wait3A = arith.constant 0 : i32
      %dma_wait3A_124 = tpu.memref_slice %arg5[%add3A_115, %dma_wait3A] : memref<40960x128xf32, #tpu.memory_space<hbm>> -> memref<128x128xf32, #tpu.memory_space<hbm>>
      %dma_wait3A_125 = arith.constant 0 : i32
      %dma_wait3A_126 = tpu.memref_slice %arg6[%add3A_114, %dma_wait3A_125] : memref<10240x128xf32, #tpu.memory_space<vmem_shared>> -> memref<128x128xf32, #tpu.memory_space<vmem_shared>>
      tpu.wait_dma2 semaphore(%run_scoped3A : memref<!tpu.dma_semaphore, #tpu.memory_space<semaphore_mem>>) src(%dma_wait3A_126 : memref<128x128xf32, #tpu.memory_space<vmem_shared>>) dst(%dma_wait3A_124 : memref<128x128xf32, #tpu.memory_space<hbm>>)
      tpu.yield
    }) : () -> ()
    %mul3A_116 = arith.constant 640 : i32
    %mul3A_117 = arith.muli %arg1, %mul3A_116 : i32
    %add3A_118 = arith.constant 512 : i32
    %add3A_119 = arith.addi %mul3A_117, %add3A_118 : i32
    %add3A_120 = arith.addi %mul3A_88, %add3A_119 : i32
    "tpu.region"() ({
      %run_scoped3A = tpu.sem_alloc : memref<!tpu.dma_semaphore, #tpu.memory_space<semaphore_mem>>
      %dma_start3A = arith.constant 0 : i32
      %dma_start3A_121 = tpu.memref_slice %arg5[%add3A_120, %dma_start3A] : memref<40960x128xf32, #tpu.memory_space<hbm>> -> memref<128x128xf32, #tpu.memory_space<hbm>>
      %dma_start3A_122 = arith.constant 0 : i32
      %dma_start3A_123 = tpu.memref_slice %arg6[%add3A_119, %dma_start3A_122] : memref<10240x128xf32, #tpu.memory_space<vmem_shared>> -> memref<128x128xf32, #tpu.memory_space<vmem_shared>>
      tpu.enqueue_dma source(%dma_start3A_123 : memref<128x128xf32, #tpu.memory_space<vmem_shared>>) target(%dma_start3A_121 : memref<128x128xf32, #tpu.memory_space<hbm>>) target_semaphore(%run_scoped3A : memref<!tpu.dma_semaphore, #tpu.memory_space<semaphore_mem>>)
      %dma_wait3A = arith.constant 0 : i32
      %dma_wait3A_124 = tpu.memref_slice %arg5[%add3A_120, %dma_wait3A] : memref<40960x128xf32, #tpu.memory_space<hbm>> -> memref<128x128xf32, #tpu.memory_space<hbm>>
      %dma_wait3A_125 = arith.constant 0 : i32
      %dma_wait3A_126 = tpu.memref_slice %arg6[%add3A_119, %dma_wait3A_125] : memref<10240x128xf32, #tpu.memory_space<vmem_shared>> -> memref<128x128xf32, #tpu.memory_space<vmem_shared>>
      tpu.wait_dma2 semaphore(%run_scoped3A : memref<!tpu.dma_semaphore, #tpu.memory_space<semaphore_mem>>) src(%dma_wait3A_126 : memref<128x128xf32, #tpu.memory_space<vmem_shared>>) dst(%dma_wait3A_124 : memref<128x128xf32, #tpu.memory_space<hbm>>)
      tpu.yield
    }) : () -> ()
    return
  }
}

#map = affine_map<(d0, d1) -> (0)>
#map1 = affine_map<(d0, d1) -> (0, 0)>
module attributes {stable_mosaic.version = 14 : i64} {
  func.func @k(%arg0: i32, %arg1: i32, %arg2: memref<163840xi32, #tpu.memory_space<hbm>>, %arg3: memref<20480x16xf32, #tpu.memory_space<hbm>>, %arg4: memref<10240x16xf32, #tpu.memory_space<vmem_shared>>, %arg5: memref<128xi32, #tpu.memory_space<vmem>>, %arg6: memref<128x16xf32, #tpu.memory_space<vmem>>, %arg7: memref<128x16xf32, #tpu.memory_space<vmem>>) attributes {dimension_semantics = [#tpu.dimension_semantics<core_parallel>, #tpu.dimension_semantics<subcore_parallel>], iteration_bounds = array<i64: 2, 16>, scalar_prefetch = 0 : i64, scratch_operands = 4 : i64, tpu.core_type = #tpu.core_type<sc_vector_subcore>, window_params = [{transform_indices = #map}, {transform_indices = #map1}]} {
    %mul3A = arith.constant 2 : i32
    %mul3A_0 = arith.muli %arg1, %mul3A : i32
    %add3A = arith.addi %mul3A_0, %arg0 : i32
    %broadcast_in_dim3A = arith.constant 0.000000e+00 : f32
    %broadcast_in_dim3A_1 = vector.broadcast %broadcast_in_dim3A : f32 to vector<16xf32>
    %broadcast_in_dim3A_2 = arith.constant 1.000000e+00 : f32
    %broadcast_in_dim3A_3 = vector.broadcast %broadcast_in_dim3A_2 : f32 to vector<16xf32>
    %scan3A = arith.constant 0 : i32
    %scan3A_4 = arith.constant 0 : i32
    %scan3A_5 = arith.constant 128 : i32
    %scan3A_6 = arith.addi %scan3A_4, %scan3A_5 : i32
    %scan3A_7 = arith.constant 1 : i32
    scf.for %scan3A_73 = %scan3A_4 to %scan3A_6 step %scan3A_7  : i32 {
      %swap3A = arith.index_cast %scan3A_73 : i32 to index
      %swap3A_74 = arith.constant 0 : index
      %swap3A_75 = tpu.vector_load %arg6[%swap3A, %swap3A_74] {strides = array<i32>} : memref<128x16xf32, #tpu.memory_space<vmem>>, vector<1x16xf32>,
      %swap3A_76 = vector.shape_cast %swap3A_75 : vector<1x16xf32> to vector<16xf32>
      %swap3A_77 = vector.shape_cast %broadcast_in_dim3A_3 : vector<16xf32> to vector<1x16xf32>
      tpu.vector_store %arg6[%swap3A, %swap3A_74], %swap3A_77 {strides = array<i32>} : memref<128x16xf32, #tpu.memory_space<vmem>>, vector<1x16xf32>,
      %swap3A_78 = arith.index_cast %scan3A_73 : i32 to index
      %swap3A_79 = arith.constant 0 : index
      %swap3A_80 = tpu.vector_load %arg7[%swap3A_78, %swap3A_79] {strides = array<i32>} : memref<128x16xf32, #tpu.memory_space<vmem>>, vector<1x16xf32>,
      %swap3A_81 = vector.shape_cast %swap3A_80 : vector<1x16xf32> to vector<16xf32>
      %swap3A_82 = vector.shape_cast %broadcast_in_dim3A_1 : vector<16xf32> to vector<1x16xf32>
      tpu.vector_store %arg7[%swap3A_78, %swap3A_79], %swap3A_82 {strides = array<i32>} : memref<128x16xf32, #tpu.memory_space<vmem>>, vector<1x16xf32>,
    }
    %scan3A_8 = arith.constant 128 : i32
    %mul3A_9 = arith.constant 640 : i32
    %mul3A_10 = arith.muli %arg1, %mul3A_9 : i32
    %add3A_11 = arith.constant 0 : i32
    %add3A_12 = arith.addi %mul3A_10, %add3A_11 : i32
    "tpu.region"() ({
      %run_scoped3A = tpu.sem_alloc : memref<!tpu.dma_semaphore, #tpu.memory_space<semaphore_mem>>
      %dma_start3A = arith.constant 0 : i32
      %dma_start3A_73 = tpu.memref_slice %arg4[%add3A_12, %dma_start3A] : memref<10240x16xf32, #tpu.memory_space<vmem_shared>> -> memref<128x16xf32, #tpu.memory_space<vmem_shared>>
      %dma_start3A_74 = arith.constant 0 : i32
      %dma_start3A_75 = tpu.memref_slice %arg4[%add3A_12, %dma_start3A_74] : memref<10240x16xf32, #tpu.memory_space<vmem_shared>> -> memref<128x16xf32, #tpu.memory_space<vmem_shared>>
      tpu.enqueue_dma source(%arg7 : memref<128x16xf32, #tpu.memory_space<vmem>>) target(%dma_start3A_75 : memref<128x16xf32, #tpu.memory_space<vmem_shared>>) target_semaphore(%run_scoped3A : memref<!tpu.dma_semaphore, #tpu.memory_space<semaphore_mem>>)
      %dma_wait3A = arith.constant 0 : i32
      %dma_wait3A_76 = tpu.memref_slice %arg4[%add3A_12, %dma_wait3A] : memref<10240x16xf32, #tpu.memory_space<vmem_shared>> -> memref<128x16xf32, #tpu.memory_space<vmem_shared>>
      %dma_wait3A_77 = arith.constant 0 : i32
      %dma_wait3A_78 = tpu.memref_slice %arg4[%add3A_12, %dma_wait3A_77] : memref<10240x16xf32, #tpu.memory_space<vmem_shared>> -> memref<128x16xf32, #tpu.memory_space<vmem_shared>>
      tpu.wait_dma2 semaphore(%run_scoped3A : memref<!tpu.dma_semaphore, #tpu.memory_space<semaphore_mem>>) src(%arg7 : memref<128x16xf32, #tpu.memory_space<vmem>>) dst(%dma_wait3A_78 : memref<128x16xf32, #tpu.memory_space<vmem_shared>>)
      tpu.yield
    }) : () -> ()
    %mul3A_13 = arith.constant 640 : i32
    %mul3A_14 = arith.muli %arg1, %mul3A_13 : i32
    %add3A_15 = arith.constant 128 : i32
    %add3A_16 = arith.addi %mul3A_14, %add3A_15 : i32
    "tpu.region"() ({
      %run_scoped3A = tpu.sem_alloc : memref<!tpu.dma_semaphore, #tpu.memory_space<semaphore_mem>>
      %dma_start3A = arith.constant 0 : i32
      %dma_start3A_73 = tpu.memref_slice %arg4[%add3A_16, %dma_start3A] : memref<10240x16xf32, #tpu.memory_space<vmem_shared>> -> memref<128x16xf32, #tpu.memory_space<vmem_shared>>
      %dma_start3A_74 = arith.constant 0 : i32
      %dma_start3A_75 = tpu.memref_slice %arg4[%add3A_16, %dma_start3A_74] : memref<10240x16xf32, #tpu.memory_space<vmem_shared>> -> memref<128x16xf32, #tpu.memory_space<vmem_shared>>
      tpu.enqueue_dma source(%arg7 : memref<128x16xf32, #tpu.memory_space<vmem>>) target(%dma_start3A_75 : memref<128x16xf32, #tpu.memory_space<vmem_shared>>) target_semaphore(%run_scoped3A : memref<!tpu.dma_semaphore, #tpu.memory_space<semaphore_mem>>)
      %dma_wait3A = arith.constant 0 : i32
      %dma_wait3A_76 = tpu.memref_slice %arg4[%add3A_16, %dma_wait3A] : memref<10240x16xf32, #tpu.memory_space<vmem_shared>> -> memref<128x16xf32, #tpu.memory_space<vmem_shared>>
      %dma_wait3A_77 = arith.constant 0 : i32
      %dma_wait3A_78 = tpu.memref_slice %arg4[%add3A_16, %dma_wait3A_77] : memref<10240x16xf32, #tpu.memory_space<vmem_shared>> -> memref<128x16xf32, #tpu.memory_space<vmem_shared>>
      tpu.wait_dma2 semaphore(%run_scoped3A : memref<!tpu.dma_semaphore, #tpu.memory_space<semaphore_mem>>) src(%arg7 : memref<128x16xf32, #tpu.memory_space<vmem>>) dst(%dma_wait3A_78 : memref<128x16xf32, #tpu.memory_space<vmem_shared>>)
      tpu.yield
    }) : () -> ()
    %mul3A_17 = arith.constant 640 : i32
    %mul3A_18 = arith.muli %arg1, %mul3A_17 : i32
    %add3A_19 = arith.constant 256 : i32
    %add3A_20 = arith.addi %mul3A_18, %add3A_19 : i32
    "tpu.region"() ({
      %run_scoped3A = tpu.sem_alloc : memref<!tpu.dma_semaphore, #tpu.memory_space<semaphore_mem>>
      %dma_start3A = arith.constant 0 : i32
      %dma_start3A_73 = tpu.memref_slice %arg4[%add3A_20, %dma_start3A] : memref<10240x16xf32, #tpu.memory_space<vmem_shared>> -> memref<128x16xf32, #tpu.memory_space<vmem_shared>>
      %dma_start3A_74 = arith.constant 0 : i32
      %dma_start3A_75 = tpu.memref_slice %arg4[%add3A_20, %dma_start3A_74] : memref<10240x16xf32, #tpu.memory_space<vmem_shared>> -> memref<128x16xf32, #tpu.memory_space<vmem_shared>>
      tpu.enqueue_dma source(%arg7 : memref<128x16xf32, #tpu.memory_space<vmem>>) target(%dma_start3A_75 : memref<128x16xf32, #tpu.memory_space<vmem_shared>>) target_semaphore(%run_scoped3A : memref<!tpu.dma_semaphore, #tpu.memory_space<semaphore_mem>>)
      %dma_wait3A = arith.constant 0 : i32
      %dma_wait3A_76 = tpu.memref_slice %arg4[%add3A_20, %dma_wait3A] : memref<10240x16xf32, #tpu.memory_space<vmem_shared>> -> memref<128x16xf32, #tpu.memory_space<vmem_shared>>
      %dma_wait3A_77 = arith.constant 0 : i32
      %dma_wait3A_78 = tpu.memref_slice %arg4[%add3A_20, %dma_wait3A_77] : memref<10240x16xf32, #tpu.memory_space<vmem_shared>> -> memref<128x16xf32, #tpu.memory_space<vmem_shared>>
      tpu.wait_dma2 semaphore(%run_scoped3A : memref<!tpu.dma_semaphore, #tpu.memory_space<semaphore_mem>>) src(%arg7 : memref<128x16xf32, #tpu.memory_space<vmem>>) dst(%dma_wait3A_78 : memref<128x16xf32, #tpu.memory_space<vmem_shared>>)
      tpu.yield
    }) : () -> ()
    %mul3A_21 = arith.constant 640 : i32
    %mul3A_22 = arith.muli %arg1, %mul3A_21 : i32
    %add3A_23 = arith.constant 384 : i32
    %add3A_24 = arith.addi %mul3A_22, %add3A_23 : i32
    "tpu.region"() ({
      %run_scoped3A = tpu.sem_alloc : memref<!tpu.dma_semaphore, #tpu.memory_space<semaphore_mem>>
      %dma_start3A = arith.constant 0 : i32
      %dma_start3A_73 = tpu.memref_slice %arg4[%add3A_24, %dma_start3A] : memref<10240x16xf32, #tpu.memory_space<vmem_shared>> -> memref<128x16xf32, #tpu.memory_space<vmem_shared>>
      %dma_start3A_74 = arith.constant 0 : i32
      %dma_start3A_75 = tpu.memref_slice %arg4[%add3A_24, %dma_start3A_74] : memref<10240x16xf32, #tpu.memory_space<vmem_shared>> -> memref<128x16xf32, #tpu.memory_space<vmem_shared>>
      tpu.enqueue_dma source(%arg7 : memref<128x16xf32, #tpu.memory_space<vmem>>) target(%dma_start3A_75 : memref<128x16xf32, #tpu.memory_space<vmem_shared>>) target_semaphore(%run_scoped3A : memref<!tpu.dma_semaphore, #tpu.memory_space<semaphore_mem>>)
      %dma_wait3A = arith.constant 0 : i32
      %dma_wait3A_76 = tpu.memref_slice %arg4[%add3A_24, %dma_wait3A] : memref<10240x16xf32, #tpu.memory_space<vmem_shared>> -> memref<128x16xf32, #tpu.memory_space<vmem_shared>>
      %dma_wait3A_77 = arith.constant 0 : i32
      %dma_wait3A_78 = tpu.memref_slice %arg4[%add3A_24, %dma_wait3A_77] : memref<10240x16xf32, #tpu.memory_space<vmem_shared>> -> memref<128x16xf32, #tpu.memory_space<vmem_shared>>
      tpu.wait_dma2 semaphore(%run_scoped3A : memref<!tpu.dma_semaphore, #tpu.memory_space<semaphore_mem>>) src(%arg7 : memref<128x16xf32, #tpu.memory_space<vmem>>) dst(%dma_wait3A_78 : memref<128x16xf32, #tpu.memory_space<vmem_shared>>)
      tpu.yield
    }) : () -> ()
    %mul3A_25 = arith.constant 640 : i32
    %mul3A_26 = arith.muli %arg1, %mul3A_25 : i32
    %add3A_27 = arith.constant 512 : i32
    %add3A_28 = arith.addi %mul3A_26, %add3A_27 : i32
    "tpu.region"() ({
      %run_scoped3A = tpu.sem_alloc : memref<!tpu.dma_semaphore, #tpu.memory_space<semaphore_mem>>
      %dma_start3A = arith.constant 0 : i32
      %dma_start3A_73 = tpu.memref_slice %arg4[%add3A_28, %dma_start3A] : memref<10240x16xf32, #tpu.memory_space<vmem_shared>> -> memref<128x16xf32, #tpu.memory_space<vmem_shared>>
      %dma_start3A_74 = arith.constant 0 : i32
      %dma_start3A_75 = tpu.memref_slice %arg4[%add3A_28, %dma_start3A_74] : memref<10240x16xf32, #tpu.memory_space<vmem_shared>> -> memref<128x16xf32, #tpu.memory_space<vmem_shared>>
      tpu.enqueue_dma source(%arg7 : memref<128x16xf32, #tpu.memory_space<vmem>>) target(%dma_start3A_75 : memref<128x16xf32, #tpu.memory_space<vmem_shared>>) target_semaphore(%run_scoped3A : memref<!tpu.dma_semaphore, #tpu.memory_space<semaphore_mem>>)
      %dma_wait3A = arith.constant 0 : i32
      %dma_wait3A_76 = tpu.memref_slice %arg4[%add3A_28, %dma_wait3A] : memref<10240x16xf32, #tpu.memory_space<vmem_shared>> -> memref<128x16xf32, #tpu.memory_space<vmem_shared>>
      %dma_wait3A_77 = arith.constant 0 : i32
      %dma_wait3A_78 = tpu.memref_slice %arg4[%add3A_28, %dma_wait3A_77] : memref<10240x16xf32, #tpu.memory_space<vmem_shared>> -> memref<128x16xf32, #tpu.memory_space<vmem_shared>>
      tpu.wait_dma2 semaphore(%run_scoped3A : memref<!tpu.dma_semaphore, #tpu.memory_space<semaphore_mem>>) src(%arg7 : memref<128x16xf32, #tpu.memory_space<vmem>>) dst(%dma_wait3A_78 : memref<128x16xf32, #tpu.memory_space<vmem_shared>>)
      tpu.yield
    }) : () -> ()
    %barrier3A = arith.constant 0 : index
    tpu.barrier barrier_id(%barrier3A)
    %mul3A_29 = arith.constant 5120 : i32
    %mul3A_30 = arith.muli %add3A, %mul3A_29 : i32
    %scan3A_31 = arith.constant 0 : i32
    %scan3A_32 = arith.constant 0 : i32
    %scan3A_33 = arith.constant 40 : i32
    %scan3A_34 = arith.addi %scan3A_32, %scan3A_33 : i32
    %scan3A_35 = arith.constant 1 : i32
    scf.for %scan3A_73 = %scan3A_32 to %scan3A_34 step %scan3A_35  : i32 {
      %mul3A_74 = arith.constant 128 : i32
      %mul3A_75 = arith.muli %scan3A_73, %mul3A_74 : i32
      %add3A_76 = arith.addi %mul3A_30, %mul3A_75 : i32
      "tpu.region"() ({
        %run_scoped3A = tpu.sem_alloc : memref<!tpu.dma_semaphore, #tpu.memory_space<semaphore_mem>>
        %dma_start3A = tpu.memref_slice %arg2[%add3A_76] : memref<163840xi32, #tpu.memory_space<hbm>> -> memref<128xi32, #tpu.memory_space<hbm>>
        %dma_start3A_77 = tpu.memref_slice %arg2[%add3A_76] : memref<163840xi32, #tpu.memory_space<hbm>> -> memref<128xi32, #tpu.memory_space<hbm>>
        tpu.enqueue_dma source(%dma_start3A_77 : memref<128xi32, #tpu.memory_space<hbm>>) target(%arg5 : memref<128xi32, #tpu.memory_space<vmem>>) target_semaphore(%run_scoped3A : memref<!tpu.dma_semaphore, #tpu.memory_space<semaphore_mem>>)
        %dma_wait3A = tpu.memref_slice %arg2[%add3A_76] : memref<163840xi32, #tpu.memory_space<hbm>> -> memref<128xi32, #tpu.memory_space<hbm>>
        %dma_wait3A_78 = tpu.memref_slice %arg2[%add3A_76] : memref<163840xi32, #tpu.memory_space<hbm>> -> memref<128xi32, #tpu.memory_space<hbm>>
        tpu.wait_dma2 semaphore(%run_scoped3A : memref<!tpu.dma_semaphore, #tpu.memory_space<semaphore_mem>>) src(%dma_wait3A_78 : memref<128xi32, #tpu.memory_space<hbm>>) dst(%arg5 : memref<128xi32, #tpu.memory_space<vmem>>)
        tpu.yield
      }) : () -> ()
      "tpu.region"() ({
        %run_scoped3A = tpu.sem_alloc : memref<!tpu.dma_semaphore, #tpu.memory_space<semaphore_mem>>
        %dma_start3A = arith.constant 0 : i32
        %dma_start3A_77 = arith.constant 0 : i32
        %dma_start3A_78 = tpu.memref_slice %arg4[%dma_start3A, %dma_start3A_77] : memref<10240x16xf32, #tpu.memory_space<vmem_shared>> -> memref<10240x16xf32, #tpu.memory_space<vmem_shared>>
        tpu.enqueue_indirect_dma source(%arg6 : memref<128x16xf32, #tpu.memory_space<vmem>>) target(%dma_start3A_78 : memref<10240x16xf32, #tpu.memory_space<vmem_shared>>) offsets(%arg5 : memref<128xi32, #tpu.memory_space<vmem>>) semaphore(%run_scoped3A : memref<!tpu.dma_semaphore, #tpu.memory_space<semaphore_mem>>) {add = true}
        %dma_wait3A = arith.constant 0 : i32
        %dma_wait3A_79 = arith.constant 0 : i32
        %dma_wait3A_80 = tpu.memref_slice %arg4[%dma_wait3A, %dma_wait3A_79] : memref<10240x16xf32, #tpu.memory_space<vmem_shared>> -> memref<10240x16xf32, #tpu.memory_space<vmem_shared>>
        tpu.wait_indirect_dma semaphore(%run_scoped3A : memref<!tpu.dma_semaphore, #tpu.memory_space<semaphore_mem>>) src(%arg6 : memref<128x16xf32, #tpu.memory_space<vmem>>) dst(%dma_wait3A_80 : memref<10240x16xf32, #tpu.memory_space<vmem_shared>>)
        tpu.yield
      }) : () -> ()
    }
    %scan3A_36 = arith.constant 40 : i32
    %barrier3A_37 = arith.constant 0 : index
    tpu.barrier barrier_id(%barrier3A_37)
    %mul3A_38 = arith.constant 640 : i32
    %mul3A_39 = arith.muli %arg1, %mul3A_38 : i32
    %add3A_40 = arith.constant 0 : i32
    %add3A_41 = arith.addi %mul3A_39, %add3A_40 : i32
    %mul3A_42 = arith.constant 10240 : i32
    %mul3A_43 = arith.muli %arg0, %mul3A_42 : i32
    %add3A_44 = arith.addi %mul3A_43, %add3A_41 : i32
    "tpu.region"() ({
      %run_scoped3A = tpu.sem_alloc : memref<!tpu.dma_semaphore, #tpu.memory_space<semaphore_mem>>
      %dma_start3A = arith.constant 0 : i32
      %dma_start3A_73 = tpu.memref_slice %arg3[%add3A_44, %dma_start3A] : memref<20480x16xf32, #tpu.memory_space<hbm>> -> memref<128x16xf32, #tpu.memory_space<hbm>>
      %dma_start3A_74 = arith.constant 0 : i32
      %dma_start3A_75 = tpu.memref_slice %arg4[%add3A_41, %dma_start3A_74] : memref<10240x16xf32, #tpu.memory_space<vmem_shared>> -> memref<128x16xf32, #tpu.memory_space<vmem_shared>>
      tpu.enqueue_dma source(%dma_start3A_75 : memref<128x16xf32, #tpu.memory_space<vmem_shared>>) target(%dma_start3A_73 : memref<128x16xf32, #tpu.memory_space<hbm>>) target_semaphore(%run_scoped3A : memref<!tpu.dma_semaphore, #tpu.memory_space<semaphore_mem>>)
      %dma_wait3A = arith.constant 0 : i32
      %dma_wait3A_76 = tpu.memref_slice %arg3[%add3A_44, %dma_wait3A] : memref<20480x16xf32, #tpu.memory_space<hbm>> -> memref<128x16xf32, #tpu.memory_space<hbm>>
      %dma_wait3A_77 = arith.constant 0 : i32
      %dma_wait3A_78 = tpu.memref_slice %arg4[%add3A_41, %dma_wait3A_77] : memref<10240x16xf32, #tpu.memory_space<vmem_shared>> -> memref<128x16xf32, #tpu.memory_space<vmem_shared>>
      tpu.wait_dma2 semaphore(%run_scoped3A : memref<!tpu.dma_semaphore, #tpu.memory_space<semaphore_mem>>) src(%dma_wait3A_78 : memref<128x16xf32, #tpu.memory_space<vmem_shared>>) dst(%dma_wait3A_76 : memref<128x16xf32, #tpu.memory_space<hbm>>)
      tpu.yield
    }) : () -> ()
    %mul3A_45 = arith.constant 640 : i32
    %mul3A_46 = arith.muli %arg1, %mul3A_45 : i32
    %add3A_47 = arith.constant 128 : i32
    %add3A_48 = arith.addi %mul3A_46, %add3A_47 : i32
    %mul3A_49 = arith.constant 10240 : i32
    %mul3A_50 = arith.muli %arg0, %mul3A_49 : i32
    %add3A_51 = arith.addi %mul3A_50, %add3A_48 : i32
    "tpu.region"() ({
      %run_scoped3A = tpu.sem_alloc : memref<!tpu.dma_semaphore, #tpu.memory_space<semaphore_mem>>
      %dma_start3A = arith.constant 0 : i32
      %dma_start3A_73 = tpu.memref_slice %arg3[%add3A_51, %dma_start3A] : memref<20480x16xf32, #tpu.memory_space<hbm>> -> memref<128x16xf32, #tpu.memory_space<hbm>>
      %dma_start3A_74 = arith.constant 0 : i32
      %dma_start3A_75 = tpu.memref_slice %arg4[%add3A_48, %dma_start3A_74] : memref<10240x16xf32, #tpu.memory_space<vmem_shared>> -> memref<128x16xf32, #tpu.memory_space<vmem_shared>>
      tpu.enqueue_dma source(%dma_start3A_75 : memref<128x16xf32, #tpu.memory_space<vmem_shared>>) target(%dma_start3A_73 : memref<128x16xf32, #tpu.memory_space<hbm>>) target_semaphore(%run_scoped3A : memref<!tpu.dma_semaphore, #tpu.memory_space<semaphore_mem>>)
      %dma_wait3A = arith.constant 0 : i32
      %dma_wait3A_76 = tpu.memref_slice %arg3[%add3A_51, %dma_wait3A] : memref<20480x16xf32, #tpu.memory_space<hbm>> -> memref<128x16xf32, #tpu.memory_space<hbm>>
      %dma_wait3A_77 = arith.constant 0 : i32
      %dma_wait3A_78 = tpu.memref_slice %arg4[%add3A_48, %dma_wait3A_77] : memref<10240x16xf32, #tpu.memory_space<vmem_shared>> -> memref<128x16xf32, #tpu.memory_space<vmem_shared>>
      tpu.wait_dma2 semaphore(%run_scoped3A : memref<!tpu.dma_semaphore, #tpu.memory_space<semaphore_mem>>) src(%dma_wait3A_78 : memref<128x16xf32, #tpu.memory_space<vmem_shared>>) dst(%dma_wait3A_76 : memref<128x16xf32, #tpu.memory_space<hbm>>)
      tpu.yield
    }) : () -> ()
    %mul3A_52 = arith.constant 640 : i32
    %mul3A_53 = arith.muli %arg1, %mul3A_52 : i32
    %add3A_54 = arith.constant 256 : i32
    %add3A_55 = arith.addi %mul3A_53, %add3A_54 : i32
    %mul3A_56 = arith.constant 10240 : i32
    %mul3A_57 = arith.muli %arg0, %mul3A_56 : i32
    %add3A_58 = arith.addi %mul3A_57, %add3A_55 : i32
    "tpu.region"() ({
      %run_scoped3A = tpu.sem_alloc : memref<!tpu.dma_semaphore, #tpu.memory_space<semaphore_mem>>
      %dma_start3A = arith.constant 0 : i32
      %dma_start3A_73 = tpu.memref_slice %arg3[%add3A_58, %dma_start3A] : memref<20480x16xf32, #tpu.memory_space<hbm>> -> memref<128x16xf32, #tpu.memory_space<hbm>>
      %dma_start3A_74 = arith.constant 0 : i32
      %dma_start3A_75 = tpu.memref_slice %arg4[%add3A_55, %dma_start3A_74] : memref<10240x16xf32, #tpu.memory_space<vmem_shared>> -> memref<128x16xf32, #tpu.memory_space<vmem_shared>>
      tpu.enqueue_dma source(%dma_start3A_75 : memref<128x16xf32, #tpu.memory_space<vmem_shared>>) target(%dma_start3A_73 : memref<128x16xf32, #tpu.memory_space<hbm>>) target_semaphore(%run_scoped3A : memref<!tpu.dma_semaphore, #tpu.memory_space<semaphore_mem>>)
      %dma_wait3A = arith.constant 0 : i32
      %dma_wait3A_76 = tpu.memref_slice %arg3[%add3A_58, %dma_wait3A] : memref<20480x16xf32, #tpu.memory_space<hbm>> -> memref<128x16xf32, #tpu.memory_space<hbm>>
      %dma_wait3A_77 = arith.constant 0 : i32
      %dma_wait3A_78 = tpu.memref_slice %arg4[%add3A_55, %dma_wait3A_77] : memref<10240x16xf32, #tpu.memory_space<vmem_shared>> -> memref<128x16xf32, #tpu.memory_space<vmem_shared>>
      tpu.wait_dma2 semaphore(%run_scoped3A : memref<!tpu.dma_semaphore, #tpu.memory_space<semaphore_mem>>) src(%dma_wait3A_78 : memref<128x16xf32, #tpu.memory_space<vmem_shared>>) dst(%dma_wait3A_76 : memref<128x16xf32, #tpu.memory_space<hbm>>)
      tpu.yield
    }) : () -> ()
    %mul3A_59 = arith.constant 640 : i32
    %mul3A_60 = arith.muli %arg1, %mul3A_59 : i32
    %add3A_61 = arith.constant 384 : i32
    %add3A_62 = arith.addi %mul3A_60, %add3A_61 : i32
    %mul3A_63 = arith.constant 10240 : i32
    %mul3A_64 = arith.muli %arg0, %mul3A_63 : i32
    %add3A_65 = arith.addi %mul3A_64, %add3A_62 : i32
    "tpu.region"() ({
      %run_scoped3A = tpu.sem_alloc : memref<!tpu.dma_semaphore, #tpu.memory_space<semaphore_mem>>
      %dma_start3A = arith.constant 0 : i32
      %dma_start3A_73 = tpu.memref_slice %arg3[%add3A_65, %dma_start3A] : memref<20480x16xf32, #tpu.memory_space<hbm>> -> memref<128x16xf32, #tpu.memory_space<hbm>>
      %dma_start3A_74 = arith.constant 0 : i32
      %dma_start3A_75 = tpu.memref_slice %arg4[%add3A_62, %dma_start3A_74] : memref<10240x16xf32, #tpu.memory_space<vmem_shared>> -> memref<128x16xf32, #tpu.memory_space<vmem_shared>>
      tpu.enqueue_dma source(%dma_start3A_75 : memref<128x16xf32, #tpu.memory_space<vmem_shared>>) target(%dma_start3A_73 : memref<128x16xf32, #tpu.memory_space<hbm>>) target_semaphore(%run_scoped3A : memref<!tpu.dma_semaphore, #tpu.memory_space<semaphore_mem>>)
      %dma_wait3A = arith.constant 0 : i32
      %dma_wait3A_76 = tpu.memref_slice %arg3[%add3A_65, %dma_wait3A] : memref<20480x16xf32, #tpu.memory_space<hbm>> -> memref<128x16xf32, #tpu.memory_space<hbm>>
      %dma_wait3A_77 = arith.constant 0 : i32
      %dma_wait3A_78 = tpu.memref_slice %arg4[%add3A_62, %dma_wait3A_77] : memref<10240x16xf32, #tpu.memory_space<vmem_shared>> -> memref<128x16xf32, #tpu.memory_space<vmem_shared>>
      tpu.wait_dma2 semaphore(%run_scoped3A : memref<!tpu.dma_semaphore, #tpu.memory_space<semaphore_mem>>) src(%dma_wait3A_78 : memref<128x16xf32, #tpu.memory_space<vmem_shared>>) dst(%dma_wait3A_76 : memref<128x16xf32, #tpu.memory_space<hbm>>)
      tpu.yield
    }) : () -> ()
    %mul3A_66 = arith.constant 640 : i32
    %mul3A_67 = arith.muli %arg1, %mul3A_66 : i32
    %add3A_68 = arith.constant 512 : i32
    %add3A_69 = arith.addi %mul3A_67, %add3A_68 : i32
    %mul3A_70 = arith.constant 10240 : i32
    %mul3A_71 = arith.muli %arg0, %mul3A_70 : i32
    %add3A_72 = arith.addi %mul3A_71, %add3A_69 : i32
    "tpu.region"() ({
      %run_scoped3A = tpu.sem_alloc : memref<!tpu.dma_semaphore, #tpu.memory_space<semaphore_mem>>
      %dma_start3A = arith.constant 0 : i32
      %dma_start3A_73 = tpu.memref_slice %arg3[%add3A_72, %dma_start3A] : memref<20480x16xf32, #tpu.memory_space<hbm>> -> memref<128x16xf32, #tpu.memory_space<hbm>>
      %dma_start3A_74 = arith.constant 0 : i32
      %dma_start3A_75 = tpu.memref_slice %arg4[%add3A_69, %dma_start3A_74] : memref<10240x16xf32, #tpu.memory_space<vmem_shared>> -> memref<128x16xf32, #tpu.memory_space<vmem_shared>>
      tpu.enqueue_dma source(%dma_start3A_75 : memref<128x16xf32, #tpu.memory_space<vmem_shared>>) target(%dma_start3A_73 : memref<128x16xf32, #tpu.memory_space<hbm>>) target_semaphore(%run_scoped3A : memref<!tpu.dma_semaphore, #tpu.memory_space<semaphore_mem>>)
      %dma_wait3A = arith.constant 0 : i32
      %dma_wait3A_76 = tpu.memref_slice %arg3[%add3A_72, %dma_wait3A] : memref<20480x16xf32, #tpu.memory_space<hbm>> -> memref<128x16xf32, #tpu.memory_space<hbm>>
      %dma_wait3A_77 = arith.constant 0 : i32
      %dma_wait3A_78 = tpu.memref_slice %arg4[%add3A_69, %dma_wait3A_77] : memref<10240x16xf32, #tpu.memory_space<vmem_shared>> -> memref<128x16xf32, #tpu.memory_space<vmem_shared>>
      tpu.wait_dma2 semaphore(%run_scoped3A : memref<!tpu.dma_semaphore, #tpu.memory_space<semaphore_mem>>) src(%dma_wait3A_78 : memref<128x16xf32, #tpu.memory_space<vmem_shared>>) dst(%dma_wait3A_76 : memref<128x16xf32, #tpu.memory_space<hbm>>)
      tpu.yield
    }) : () -> ()
    return
  }
}

#map = affine_map<(d0, d1) -> (0, 0)>
#map1 = affine_map<(d0, d1) -> (0)>
module attributes {stable_mosaic.version = 14 : i64} {
  func.func @k(%arg0: i32, %arg1: i32, %arg2: memref<20480x128xf32, #tpu.memory_space<hbm>>, %arg3: memref<163840xi32, #tpu.memory_space<hbm>>, %arg4: memref<163840xi32, #tpu.memory_space<hbm>>, %arg5: memref<20480x128xf32, #tpu.memory_space<hbm>>, %arg6: memref<10240x128xf32, #tpu.memory_space<vmem_shared>>, %arg7: memref<128xi32, #tpu.memory_space<vmem>>, %arg8: memref<128xi32, #tpu.memory_space<vmem>>, %arg9: memref<128x128xf32, #tpu.memory_space<vmem>>, %arg10: memref<128x128xf32, #tpu.memory_space<vmem>>, %arg11: memref<!tpu.dma_semaphore, #tpu.memory_space<semaphore_mem>>) attributes {dimension_semantics = [#tpu.dimension_semantics<core_parallel>, #tpu.dimension_semantics<subcore_parallel>], iteration_bounds = array<i64: 2, 16>, scalar_prefetch = 0 : i64, scratch_operands = 6 : i64, tpu.core_type = #tpu.core_type<sc_vector_subcore>, window_params = [{transform_indices = #map}, {transform_indices = #map1}, {transform_indices = #map1}, {transform_indices = #map}]} {
    %broadcast_in_dim3A = arith.constant 0.000000e+00 : f32
    %broadcast_in_dim3A_0 = vector.broadcast %broadcast_in_dim3A : f32 to vector<16xf32>
    %scan3A = arith.constant 0 : i32
    %scan3A_1 = arith.constant 0 : i32
    %scan3A_2 = arith.constant 128 : i32
    %scan3A_3 = arith.addi %scan3A_1, %scan3A_2 : i32
    %scan3A_4 = arith.constant 1 : i32
    scf.for %scan3A_62 = %scan3A_1 to %scan3A_3 step %scan3A_4  : i32 {
      %swap3A = arith.index_cast %scan3A_62 : i32 to index
      %swap3A_63 = arith.constant 0 : index
      %swap3A_64 = tpu.vector_load %arg10[%swap3A, %swap3A_63] {strides = array<i32>} : memref<128x128xf32, #tpu.memory_space<vmem>>, vector<1x16xf32>,
      %swap3A_65 = vector.shape_cast %swap3A_64 : vector<1x16xf32> to vector<16xf32>
      %swap3A_66 = vector.shape_cast %broadcast_in_dim3A_0 : vector<16xf32> to vector<1x16xf32>
      tpu.vector_store %arg10[%swap3A, %swap3A_63], %swap3A_66 {strides = array<i32>} : memref<128x128xf32, #tpu.memory_space<vmem>>, vector<1x16xf32>,
      %swap3A_67 = arith.index_cast %scan3A_62 : i32 to index
      %swap3A_68 = arith.constant 16 : index
      %swap3A_69 = tpu.vector_load %arg10[%swap3A_67, %swap3A_68] {strides = array<i32>} : memref<128x128xf32, #tpu.memory_space<vmem>>, vector<1x16xf32>,
      %swap3A_70 = vector.shape_cast %swap3A_69 : vector<1x16xf32> to vector<16xf32>
      %swap3A_71 = vector.shape_cast %broadcast_in_dim3A_0 : vector<16xf32> to vector<1x16xf32>
      tpu.vector_store %arg10[%swap3A_67, %swap3A_68], %swap3A_71 {strides = array<i32>} : memref<128x128xf32, #tpu.memory_space<vmem>>, vector<1x16xf32>,
      %swap3A_72 = arith.index_cast %scan3A_62 : i32 to index
      %swap3A_73 = arith.constant 32 : index
      %swap3A_74 = tpu.vector_load %arg10[%swap3A_72, %swap3A_73] {strides = array<i32>} : memref<128x128xf32, #tpu.memory_space<vmem>>, vector<1x16xf32>,
      %swap3A_75 = vector.shape_cast %swap3A_74 : vector<1x16xf32> to vector<16xf32>
      %swap3A_76 = vector.shape_cast %broadcast_in_dim3A_0 : vector<16xf32> to vector<1x16xf32>
      tpu.vector_store %arg10[%swap3A_72, %swap3A_73], %swap3A_76 {strides = array<i32>} : memref<128x128xf32, #tpu.memory_space<vmem>>, vector<1x16xf32>,
      %swap3A_77 = arith.index_cast %scan3A_62 : i32 to index
      %swap3A_78 = arith.constant 48 : index
      %swap3A_79 = tpu.vector_load %arg10[%swap3A_77, %swap3A_78] {strides = array<i32>} : memref<128x128xf32, #tpu.memory_space<vmem>>, vector<1x16xf32>,
      %swap3A_80 = vector.shape_cast %swap3A_79 : vector<1x16xf32> to vector<16xf32>
      %swap3A_81 = vector.shape_cast %broadcast_in_dim3A_0 : vector<16xf32> to vector<1x16xf32>
      tpu.vector_store %arg10[%swap3A_77, %swap3A_78], %swap3A_81 {strides = array<i32>} : memref<128x128xf32, #tpu.memory_space<vmem>>, vector<1x16xf32>,
      %swap3A_82 = arith.index_cast %scan3A_62 : i32 to index
      %swap3A_83 = arith.constant 64 : index
      %swap3A_84 = tpu.vector_load %arg10[%swap3A_82, %swap3A_83] {strides = array<i32>} : memref<128x128xf32, #tpu.memory_space<vmem>>, vector<1x16xf32>,
      %swap3A_85 = vector.shape_cast %swap3A_84 : vector<1x16xf32> to vector<16xf32>
      %swap3A_86 = vector.shape_cast %broadcast_in_dim3A_0 : vector<16xf32> to vector<1x16xf32>
      tpu.vector_store %arg10[%swap3A_82, %swap3A_83], %swap3A_86 {strides = array<i32>} : memref<128x128xf32, #tpu.memory_space<vmem>>, vector<1x16xf32>,
      %swap3A_87 = arith.index_cast %scan3A_62 : i32 to index
      %swap3A_88 = arith.constant 80 : index
      %swap3A_89 = tpu.vector_load %arg10[%swap3A_87, %swap3A_88] {strides = array<i32>} : memref<128x128xf32, #tpu.memory_space<vmem>>, vector<1x16xf32>,
      %swap3A_90 = vector.shape_cast %swap3A_89 : vector<1x16xf32> to vector<16xf32>
      %swap3A_91 = vector.shape_cast %broadcast_in_dim3A_0 : vector<16xf32> to vector<1x16xf32>
      tpu.vector_store %arg10[%swap3A_87, %swap3A_88], %swap3A_91 {strides = array<i32>} : memref<128x128xf32, #tpu.memory_space<vmem>>, vector<1x16xf32>,
      %swap3A_92 = arith.index_cast %scan3A_62 : i32 to index
      %swap3A_93 = arith.constant 96 : index
      %swap3A_94 = tpu.vector_load %arg10[%swap3A_92, %swap3A_93] {strides = array<i32>} : memref<128x128xf32, #tpu.memory_space<vmem>>, vector<1x16xf32>,
      %swap3A_95 = vector.shape_cast %swap3A_94 : vector<1x16xf32> to vector<16xf32>
      %swap3A_96 = vector.shape_cast %broadcast_in_dim3A_0 : vector<16xf32> to vector<1x16xf32>
      tpu.vector_store %arg10[%swap3A_92, %swap3A_93], %swap3A_96 {strides = array<i32>} : memref<128x128xf32, #tpu.memory_space<vmem>>, vector<1x16xf32>,
      %swap3A_97 = arith.index_cast %scan3A_62 : i32 to index
      %swap3A_98 = arith.constant 112 : index
      %swap3A_99 = tpu.vector_load %arg10[%swap3A_97, %swap3A_98] {strides = array<i32>} : memref<128x128xf32, #tpu.memory_space<vmem>>, vector<1x16xf32>,
      %swap3A_100 = vector.shape_cast %swap3A_99 : vector<1x16xf32> to vector<16xf32>
      %swap3A_101 = vector.shape_cast %broadcast_in_dim3A_0 : vector<16xf32> to vector<1x16xf32>
      tpu.vector_store %arg10[%swap3A_97, %swap3A_98], %swap3A_101 {strides = array<i32>} : memref<128x128xf32, #tpu.memory_space<vmem>>, vector<1x16xf32>,
    }
    %scan3A_5 = arith.constant 128 : i32
    %mul3A = arith.constant 640 : i32
    %mul3A_6 = arith.muli %arg1, %mul3A : i32
    %add3A = arith.constant 0 : i32
    %add3A_7 = arith.addi %mul3A_6, %add3A : i32
    "tpu.region"() ({
      %run_scoped3A = tpu.sem_alloc : memref<!tpu.dma_semaphore, #tpu.memory_space<semaphore_mem>>
      %dma_start3A = arith.constant 0 : i32
      %dma_start3A_62 = tpu.memref_slice %arg6[%add3A_7, %dma_start3A] : memref<10240x128xf32, #tpu.memory_space<vmem_shared>> -> memref<128x128xf32, #tpu.memory_space<vmem_shared>>
      %dma_start3A_63 = arith.constant 0 : i32
      %dma_start3A_64 = tpu.memref_slice %arg6[%add3A_7, %dma_start3A_63] : memref<10240x128xf32, #tpu.memory_space<vmem_shared>> -> memref<128x128xf32, #tpu.memory_space<vmem_shared>>
      tpu.enqueue_dma source(%arg10 : memref<128x128xf32, #tpu.memory_space<vmem>>) target(%dma_start3A_64 : memref<128x128xf32, #tpu.memory_space<vmem_shared>>) target_semaphore(%run_scoped3A : memref<!tpu.dma_semaphore, #tpu.memory_space<semaphore_mem>>)
      %dma_wait3A = arith.constant 0 : i32
      %dma_wait3A_65 = tpu.memref_slice %arg6[%add3A_7, %dma_wait3A] : memref<10240x128xf32, #tpu.memory_space<vmem_shared>> -> memref<128x128xf32, #tpu.memory_space<vmem_shared>>
      %dma_wait3A_66 = arith.constant 0 : i32
      %dma_wait3A_67 = tpu.memref_slice %arg6[%add3A_7, %dma_wait3A_66] : memref<10240x128xf32, #tpu.memory_space<vmem_shared>> -> memref<128x128xf32, #tpu.memory_space<vmem_shared>>
      tpu.wait_dma2 semaphore(%run_scoped3A : memref<!tpu.dma_semaphore, #tpu.memory_space<semaphore_mem>>) src(%arg10 : memref<128x128xf32, #tpu.memory_space<vmem>>) dst(%dma_wait3A_67 : memref<128x128xf32, #tpu.memory_space<vmem_shared>>)
      tpu.yield
    }) : () -> ()
    %mul3A_8 = arith.constant 640 : i32
    %mul3A_9 = arith.muli %arg1, %mul3A_8 : i32
    %add3A_10 = arith.constant 128 : i32
    %add3A_11 = arith.addi %mul3A_9, %add3A_10 : i32
    "tpu.region"() ({
      %run_scoped3A = tpu.sem_alloc : memref<!tpu.dma_semaphore, #tpu.memory_space<semaphore_mem>>
      %dma_start3A = arith.constant 0 : i32
      %dma_start3A_62 = tpu.memref_slice %arg6[%add3A_11, %dma_start3A] : memref<10240x128xf32, #tpu.memory_space<vmem_shared>> -> memref<128x128xf32, #tpu.memory_space<vmem_shared>>
      %dma_start3A_63 = arith.constant 0 : i32
      %dma_start3A_64 = tpu.memref_slice %arg6[%add3A_11, %dma_start3A_63] : memref<10240x128xf32, #tpu.memory_space<vmem_shared>> -> memref<128x128xf32, #tpu.memory_space<vmem_shared>>
      tpu.enqueue_dma source(%arg10 : memref<128x128xf32, #tpu.memory_space<vmem>>) target(%dma_start3A_64 : memref<128x128xf32, #tpu.memory_space<vmem_shared>>) target_semaphore(%run_scoped3A : memref<!tpu.dma_semaphore, #tpu.memory_space<semaphore_mem>>)
      %dma_wait3A = arith.constant 0 : i32
      %dma_wait3A_65 = tpu.memref_slice %arg6[%add3A_11, %dma_wait3A] : memref<10240x128xf32, #tpu.memory_space<vmem_shared>> -> memref<128x128xf32, #tpu.memory_space<vmem_shared>>
      %dma_wait3A_66 = arith.constant 0 : i32
      %dma_wait3A_67 = tpu.memref_slice %arg6[%add3A_11, %dma_wait3A_66] : memref<10240x128xf32, #tpu.memory_space<vmem_shared>> -> memref<128x128xf32, #tpu.memory_space<vmem_shared>>
      tpu.wait_dma2 semaphore(%run_scoped3A : memref<!tpu.dma_semaphore, #tpu.memory_space<semaphore_mem>>) src(%arg10 : memref<128x128xf32, #tpu.memory_space<vmem>>) dst(%dma_wait3A_67 : memref<128x128xf32, #tpu.memory_space<vmem_shared>>)
      tpu.yield
    }) : () -> ()
    %mul3A_12 = arith.constant 640 : i32
    %mul3A_13 = arith.muli %arg1, %mul3A_12 : i32
    %add3A_14 = arith.constant 256 : i32
    %add3A_15 = arith.addi %mul3A_13, %add3A_14 : i32
    "tpu.region"() ({
      %run_scoped3A = tpu.sem_alloc : memref<!tpu.dma_semaphore, #tpu.memory_space<semaphore_mem>>
      %dma_start3A = arith.constant 0 : i32
      %dma_start3A_62 = tpu.memref_slice %arg6[%add3A_15, %dma_start3A] : memref<10240x128xf32, #tpu.memory_space<vmem_shared>> -> memref<128x128xf32, #tpu.memory_space<vmem_shared>>
      %dma_start3A_63 = arith.constant 0 : i32
      %dma_start3A_64 = tpu.memref_slice %arg6[%add3A_15, %dma_start3A_63] : memref<10240x128xf32, #tpu.memory_space<vmem_shared>> -> memref<128x128xf32, #tpu.memory_space<vmem_shared>>
      tpu.enqueue_dma source(%arg10 : memref<128x128xf32, #tpu.memory_space<vmem>>) target(%dma_start3A_64 : memref<128x128xf32, #tpu.memory_space<vmem_shared>>) target_semaphore(%run_scoped3A : memref<!tpu.dma_semaphore, #tpu.memory_space<semaphore_mem>>)
      %dma_wait3A = arith.constant 0 : i32
      %dma_wait3A_65 = tpu.memref_slice %arg6[%add3A_15, %dma_wait3A] : memref<10240x128xf32, #tpu.memory_space<vmem_shared>> -> memref<128x128xf32, #tpu.memory_space<vmem_shared>>
      %dma_wait3A_66 = arith.constant 0 : i32
      %dma_wait3A_67 = tpu.memref_slice %arg6[%add3A_15, %dma_wait3A_66] : memref<10240x128xf32, #tpu.memory_space<vmem_shared>> -> memref<128x128xf32, #tpu.memory_space<vmem_shared>>
      tpu.wait_dma2 semaphore(%run_scoped3A : memref<!tpu.dma_semaphore, #tpu.memory_space<semaphore_mem>>) src(%arg10 : memref<128x128xf32, #tpu.memory_space<vmem>>) dst(%dma_wait3A_67 : memref<128x128xf32, #tpu.memory_space<vmem_shared>>)
      tpu.yield
    }) : () -> ()
    %mul3A_16 = arith.constant 640 : i32
    %mul3A_17 = arith.muli %arg1, %mul3A_16 : i32
    %add3A_18 = arith.constant 384 : i32
    %add3A_19 = arith.addi %mul3A_17, %add3A_18 : i32
    "tpu.region"() ({
      %run_scoped3A = tpu.sem_alloc : memref<!tpu.dma_semaphore, #tpu.memory_space<semaphore_mem>>
      %dma_start3A = arith.constant 0 : i32
      %dma_start3A_62 = tpu.memref_slice %arg6[%add3A_19, %dma_start3A] : memref<10240x128xf32, #tpu.memory_space<vmem_shared>> -> memref<128x128xf32, #tpu.memory_space<vmem_shared>>
      %dma_start3A_63 = arith.constant 0 : i32
      %dma_start3A_64 = tpu.memref_slice %arg6[%add3A_19, %dma_start3A_63] : memref<10240x128xf32, #tpu.memory_space<vmem_shared>> -> memref<128x128xf32, #tpu.memory_space<vmem_shared>>
      tpu.enqueue_dma source(%arg10 : memref<128x128xf32, #tpu.memory_space<vmem>>) target(%dma_start3A_64 : memref<128x128xf32, #tpu.memory_space<vmem_shared>>) target_semaphore(%run_scoped3A : memref<!tpu.dma_semaphore, #tpu.memory_space<semaphore_mem>>)
      %dma_wait3A = arith.constant 0 : i32
      %dma_wait3A_65 = tpu.memref_slice %arg6[%add3A_19, %dma_wait3A] : memref<10240x128xf32, #tpu.memory_space<vmem_shared>> -> memref<128x128xf32, #tpu.memory_space<vmem_shared>>
      %dma_wait3A_66 = arith.constant 0 : i32
      %dma_wait3A_67 = tpu.memref_slice %arg6[%add3A_19, %dma_wait3A_66] : memref<10240x128xf32, #tpu.memory_space<vmem_shared>> -> memref<128x128xf32, #tpu.memory_space<vmem_shared>>
      tpu.wait_dma2 semaphore(%run_scoped3A : memref<!tpu.dma_semaphore, #tpu.memory_space<semaphore_mem>>) src(%arg10 : memref<128x128xf32, #tpu.memory_space<vmem>>) dst(%dma_wait3A_67 : memref<128x128xf32, #tpu.memory_space<vmem_shared>>)
      tpu.yield
    }) : () -> ()
    %mul3A_20 = arith.constant 640 : i32
    %mul3A_21 = arith.muli %arg1, %mul3A_20 : i32
    %add3A_22 = arith.constant 512 : i32
    %add3A_23 = arith.addi %mul3A_21, %add3A_22 : i32
    "tpu.region"() ({
      %run_scoped3A = tpu.sem_alloc : memref<!tpu.dma_semaphore, #tpu.memory_space<semaphore_mem>>
      %dma_start3A = arith.constant 0 : i32
      %dma_start3A_62 = tpu.memref_slice %arg6[%add3A_23, %dma_start3A] : memref<10240x128xf32, #tpu.memory_space<vmem_shared>> -> memref<128x128xf32, #tpu.memory_space<vmem_shared>>
      %dma_start3A_63 = arith.constant 0 : i32
      %dma_start3A_64 = tpu.memref_slice %arg6[%add3A_23, %dma_start3A_63] : memref<10240x128xf32, #tpu.memory_space<vmem_shared>> -> memref<128x128xf32, #tpu.memory_space<vmem_shared>>
      tpu.enqueue_dma source(%arg10 : memref<128x128xf32, #tpu.memory_space<vmem>>) target(%dma_start3A_64 : memref<128x128xf32, #tpu.memory_space<vmem_shared>>) target_semaphore(%run_scoped3A : memref<!tpu.dma_semaphore, #tpu.memory_space<semaphore_mem>>)
      %dma_wait3A = arith.constant 0 : i32
      %dma_wait3A_65 = tpu.memref_slice %arg6[%add3A_23, %dma_wait3A] : memref<10240x128xf32, #tpu.memory_space<vmem_shared>> -> memref<128x128xf32, #tpu.memory_space<vmem_shared>>
      %dma_wait3A_66 = arith.constant 0 : i32
      %dma_wait3A_67 = tpu.memref_slice %arg6[%add3A_23, %dma_wait3A_66] : memref<10240x128xf32, #tpu.memory_space<vmem_shared>> -> memref<128x128xf32, #tpu.memory_space<vmem_shared>>
      tpu.wait_dma2 semaphore(%run_scoped3A : memref<!tpu.dma_semaphore, #tpu.memory_space<semaphore_mem>>) src(%arg10 : memref<128x128xf32, #tpu.memory_space<vmem>>) dst(%dma_wait3A_67 : memref<128x128xf32, #tpu.memory_space<vmem_shared>>)
      tpu.yield
    }) : () -> ()
    %barrier3A = arith.constant 0 : index
    tpu.barrier barrier_id(%barrier3A)
    %mul3A_24 = arith.constant 1 : i32
    %mul3A_25 = arith.muli %arg0, %mul3A_24 : i32
    %add3A_26 = arith.constant 0 : i32
    %add3A_27 = arith.addi %mul3A_25, %add3A_26 : i32
    %mul3A_28 = arith.constant 10240 : i32
    %mul3A_29 = arith.muli %add3A_27, %mul3A_28 : i32
    %scan3A_30 = arith.constant 0 : i32
    %scan3A_31 = arith.constant 0 : i32
    %scan3A_32 = arith.constant 80 : i32
    %scan3A_33 = arith.addi %scan3A_31, %scan3A_32 : i32
    %scan3A_34 = arith.constant 1 : i32
    scf.for %scan3A_62 = %scan3A_31 to %scan3A_33 step %scan3A_34  : i32 {
      %mul3A_63 = arith.constant 10240 : i32
      %mul3A_64 = arith.muli %arg1, %mul3A_63 : i32
      %mul3A_65 = arith.constant 128 : i32
      %mul3A_66 = arith.muli %scan3A_62, %mul3A_65 : i32
      %add3A_67 = arith.addi %mul3A_64, %mul3A_66 : i32
      "tpu.region"() ({
        %run_scoped3A = tpu.sem_alloc : memref<!tpu.dma_semaphore, #tpu.memory_space<semaphore_mem>>
        %dma_start3A_142 = tpu.memref_slice %arg3[%add3A_67] : memref<163840xi32, #tpu.memory_space<hbm>> -> memref<128xi32, #tpu.memory_space<hbm>>
        %dma_start3A_143 = tpu.memref_slice %arg3[%add3A_67] : memref<163840xi32, #tpu.memory_space<hbm>> -> memref<128xi32, #tpu.memory_space<hbm>>
        tpu.enqueue_dma source(%dma_start3A_143 : memref<128xi32, #tpu.memory_space<hbm>>) target(%arg7 : memref<128xi32, #tpu.memory_space<vmem>>) target_semaphore(%run_scoped3A : memref<!tpu.dma_semaphore, #tpu.memory_space<semaphore_mem>>)
        %dma_wait3A_144 = tpu.memref_slice %arg3[%add3A_67] : memref<163840xi32, #tpu.memory_space<hbm>> -> memref<128xi32, #tpu.memory_space<hbm>>
        %dma_wait3A_145 = tpu.memref_slice %arg3[%add3A_67] : memref<163840xi32, #tpu.memory_space<hbm>> -> memref<128xi32, #tpu.memory_space<hbm>>
        tpu.wait_dma2 semaphore(%run_scoped3A : memref<!tpu.dma_semaphore, #tpu.memory_space<semaphore_mem>>) src(%dma_wait3A_145 : memref<128xi32, #tpu.memory_space<hbm>>) dst(%arg7 : memref<128xi32, #tpu.memory_space<vmem>>)
        tpu.yield
      }) : () -> ()
      "tpu.region"() ({
        %run_scoped3A = tpu.sem_alloc : memref<!tpu.dma_semaphore, #tpu.memory_space<semaphore_mem>>
        %dma_start3A_142 = tpu.memref_slice %arg4[%add3A_67] : memref<163840xi32, #tpu.memory_space<hbm>> -> memref<128xi32, #tpu.memory_space<hbm>>
        %dma_start3A_143 = tpu.memref_slice %arg4[%add3A_67] : memref<163840xi32, #tpu.memory_space<hbm>> -> memref<128xi32, #tpu.memory_space<hbm>>
        tpu.enqueue_dma source(%dma_start3A_143 : memref<128xi32, #tpu.memory_space<hbm>>) target(%arg8 : memref<128xi32, #tpu.memory_space<vmem>>) target_semaphore(%run_scoped3A : memref<!tpu.dma_semaphore, #tpu.memory_space<semaphore_mem>>)
        %dma_wait3A_144 = tpu.memref_slice %arg4[%add3A_67] : memref<163840xi32, #tpu.memory_space<hbm>> -> memref<128xi32, #tpu.memory_space<hbm>>
        %dma_wait3A_145 = tpu.memref_slice %arg4[%add3A_67] : memref<163840xi32, #tpu.memory_space<hbm>> -> memref<128xi32, #tpu.memory_space<hbm>>
        tpu.wait_dma2 semaphore(%run_scoped3A : memref<!tpu.dma_semaphore, #tpu.memory_space<semaphore_mem>>) src(%dma_wait3A_145 : memref<128xi32, #tpu.memory_space<hbm>>) dst(%arg8 : memref<128xi32, #tpu.memory_space<vmem>>)
        tpu.yield
      }) : () -> ()
      %get3A = arith.constant 0 : index
      %get3A_68 = tpu.vector_load %arg7[%get3A] {strides = array<i32>} : memref<128xi32, #tpu.memory_space<vmem>>, vector<16xi32>,
      %get3A_69 = vector.shape_cast %get3A_68 : vector<16xi32> to vector<16xi32>
      %add3A_70 = vector.broadcast %mul3A_29 : i32 to vector<16xi32>
      %add3A_71 = arith.addi %get3A_69, %add3A_70 : vector<16xi32>
      %swap3A = arith.constant 0 : index
      %swap3A_72 = tpu.vector_load %arg7[%swap3A] {strides = array<i32>} : memref<128xi32, #tpu.memory_space<vmem>>, vector<16xi32>,
      %swap3A_73 = vector.shape_cast %swap3A_72 : vector<16xi32> to vector<16xi32>
      %swap3A_74 = vector.shape_cast %add3A_71 : vector<16xi32> to vector<16xi32>
      tpu.vector_store %arg7[%swap3A], %swap3A_74 {strides = array<i32>} : memref<128xi32, #tpu.memory_space<vmem>>, vector<16xi32>,
      %get3A_75 = arith.constant 16 : index
      %get3A_76 = tpu.vector_load %arg7[%get3A_75] {strides = array<i32>} : memref<128xi32, #tpu.memory_space<vmem>>, vector<16xi32>,
      %get3A_77 = vector.shape_cast %get3A_76 : vector<16xi32> to vector<16xi32>
      %add3A_78 = vector.broadcast %mul3A_29 : i32 to vector<16xi32>
      %add3A_79 = arith.addi %get3A_77, %add3A_78 : vector<16xi32>
      %swap3A_80 = arith.constant 16 : index
      %swap3A_81 = tpu.vector_load %arg7[%swap3A_80] {strides = array<i32>} : memref<128xi32, #tpu.memory_space<vmem>>, vector<16xi32>,
      %swap3A_82 = vector.shape_cast %swap3A_81 : vector<16xi32> to vector<16xi32>
      %swap3A_83 = vector.shape_cast %add3A_79 : vector<16xi32> to vector<16xi32>
      tpu.vector_store %arg7[%swap3A_80], %swap3A_83 {strides = array<i32>} : memref<128xi32, #tpu.memory_space<vmem>>, vector<16xi32>,
      %get3A_84 = arith.constant 32 : index
      %get3A_85 = tpu.vector_load %arg7[%get3A_84] {strides = array<i32>} : memref<128xi32, #tpu.memory_space<vmem>>, vector<16xi32>,
      %get3A_86 = vector.shape_cast %get3A_85 : vector<16xi32> to vector<16xi32>
      %add3A_87 = vector.broadcast %mul3A_29 : i32 to vector<16xi32>
      %add3A_88 = arith.addi %get3A_86, %add3A_87 : vector<16xi32>
      %swap3A_89 = arith.constant 32 : index
      %swap3A_90 = tpu.vector_load %arg7[%swap3A_89] {strides = array<i32>} : memref<128xi32, #tpu.memory_space<vmem>>, vector<16xi32>,
      %swap3A_91 = vector.shape_cast %swap3A_90 : vector<16xi32> to vector<16xi32>
      %swap3A_92 = vector.shape_cast %add3A_88 : vector<16xi32> to vector<16xi32>
      tpu.vector_store %arg7[%swap3A_89], %swap3A_92 {strides = array<i32>} : memref<128xi32, #tpu.memory_space<vmem>>, vector<16xi32>,
      %get3A_93 = arith.constant 48 : index
      %get3A_94 = tpu.vector_load %arg7[%get3A_93] {strides = array<i32>} : memref<128xi32, #tpu.memory_space<vmem>>, vector<16xi32>,
      %get3A_95 = vector.shape_cast %get3A_94 : vector<16xi32> to vector<16xi32>
      %add3A_96 = vector.broadcast %mul3A_29 : i32 to vector<16xi32>
      %add3A_97 = arith.addi %get3A_95, %add3A_96 : vector<16xi32>
      %swap3A_98 = arith.constant 48 : index
      %swap3A_99 = tpu.vector_load %arg7[%swap3A_98] {strides = array<i32>} : memref<128xi32, #tpu.memory_space<vmem>>, vector<16xi32>,
      %swap3A_100 = vector.shape_cast %swap3A_99 : vector<16xi32> to vector<16xi32>
      %swap3A_101 = vector.shape_cast %add3A_97 : vector<16xi32> to vector<16xi32>
      tpu.vector_store %arg7[%swap3A_98], %swap3A_101 {strides = array<i32>} : memref<128xi32, #tpu.memory_space<vmem>>, vector<16xi32>,
      %get3A_102 = arith.constant 64 : index
      %get3A_103 = tpu.vector_load %arg7[%get3A_102] {strides = array<i32>} : memref<128xi32, #tpu.memory_space<vmem>>, vector<16xi32>,
      %get3A_104 = vector.shape_cast %get3A_103 : vector<16xi32> to vector<16xi32>
      %add3A_105 = vector.broadcast %mul3A_29 : i32 to vector<16xi32>
      %add3A_106 = arith.addi %get3A_104, %add3A_105 : vector<16xi32>
      %swap3A_107 = arith.constant 64 : index
      %swap3A_108 = tpu.vector_load %arg7[%swap3A_107] {strides = array<i32>} : memref<128xi32, #tpu.memory_space<vmem>>, vector<16xi32>,
      %swap3A_109 = vector.shape_cast %swap3A_108 : vector<16xi32> to vector<16xi32>
      %swap3A_110 = vector.shape_cast %add3A_106 : vector<16xi32> to vector<16xi32>
      tpu.vector_store %arg7[%swap3A_107], %swap3A_110 {strides = array<i32>} : memref<128xi32, #tpu.memory_space<vmem>>, vector<16xi32>,
      %get3A_111 = arith.constant 80 : index
      %get3A_112 = tpu.vector_load %arg7[%get3A_111] {strides = array<i32>} : memref<128xi32, #tpu.memory_space<vmem>>, vector<16xi32>,
      %get3A_113 = vector.shape_cast %get3A_112 : vector<16xi32> to vector<16xi32>
      %add3A_114 = vector.broadcast %mul3A_29 : i32 to vector<16xi32>
      %add3A_115 = arith.addi %get3A_113, %add3A_114 : vector<16xi32>
      %swap3A_116 = arith.constant 80 : index
      %swap3A_117 = tpu.vector_load %arg7[%swap3A_116] {strides = array<i32>} : memref<128xi32, #tpu.memory_space<vmem>>, vector<16xi32>,
      %swap3A_118 = vector.shape_cast %swap3A_117 : vector<16xi32> to vector<16xi32>
      %swap3A_119 = vector.shape_cast %add3A_115 : vector<16xi32> to vector<16xi32>
      tpu.vector_store %arg7[%swap3A_116], %swap3A_119 {strides = array<i32>} : memref<128xi32, #tpu.memory_space<vmem>>, vector<16xi32>,
      %get3A_120 = arith.constant 96 : index
      %get3A_121 = tpu.vector_load %arg7[%get3A_120] {strides = array<i32>} : memref<128xi32, #tpu.memory_space<vmem>>, vector<16xi32>,
      %get3A_122 = vector.shape_cast %get3A_121 : vector<16xi32> to vector<16xi32>
      %add3A_123 = vector.broadcast %mul3A_29 : i32 to vector<16xi32>
      %add3A_124 = arith.addi %get3A_122, %add3A_123 : vector<16xi32>
      %swap3A_125 = arith.constant 96 : index
      %swap3A_126 = tpu.vector_load %arg7[%swap3A_125] {strides = array<i32>} : memref<128xi32, #tpu.memory_space<vmem>>, vector<16xi32>,
      %swap3A_127 = vector.shape_cast %swap3A_126 : vector<16xi32> to vector<16xi32>
      %swap3A_128 = vector.shape_cast %add3A_124 : vector<16xi32> to vector<16xi32>
      tpu.vector_store %arg7[%swap3A_125], %swap3A_128 {strides = array<i32>} : memref<128xi32, #tpu.memory_space<vmem>>, vector<16xi32>,
      %get3A_129 = arith.constant 112 : index
      %get3A_130 = tpu.vector_load %arg7[%get3A_129] {strides = array<i32>} : memref<128xi32, #tpu.memory_space<vmem>>, vector<16xi32>,
      %get3A_131 = vector.shape_cast %get3A_130 : vector<16xi32> to vector<16xi32>
      %add3A_132 = vector.broadcast %mul3A_29 : i32 to vector<16xi32>
      %add3A_133 = arith.addi %get3A_131, %add3A_132 : vector<16xi32>
      %swap3A_134 = arith.constant 112 : index
      %swap3A_135 = tpu.vector_load %arg7[%swap3A_134] {strides = array<i32>} : memref<128xi32, #tpu.memory_space<vmem>>, vector<16xi32>,
      %swap3A_136 = vector.shape_cast %swap3A_135 : vector<16xi32> to vector<16xi32>
      %swap3A_137 = vector.shape_cast %add3A_133 : vector<16xi32> to vector<16xi32>
      tpu.vector_store %arg7[%swap3A_134], %swap3A_137 {strides = array<i32>} : memref<128xi32, #tpu.memory_space<vmem>>, vector<16xi32>,
      %dma_start3A = arith.constant 0 : i32
      %dma_start3A_138 = arith.constant 0 : i32
      %dma_start3A_139 = tpu.memref_slice %arg2[%dma_start3A, %dma_start3A_138] : memref<20480x128xf32, #tpu.memory_space<hbm>> -> memref<20480x128xf32, #tpu.memory_space<hbm>>
      tpu.enqueue_indirect_dma source(%dma_start3A_139 : memref<20480x128xf32, #tpu.memory_space<hbm>>) target(%arg9 : memref<128x128xf32, #tpu.memory_space<vmem>>) offsets(%arg7 : memref<128xi32, #tpu.memory_space<vmem>>) semaphore(%arg11 : memref<!tpu.dma_semaphore, #tpu.memory_space<semaphore_mem>>)
      %dma_wait3A = arith.constant 0 : i32
      %dma_wait3A_140 = arith.constant 0 : i32
      %dma_wait3A_141 = tpu.memref_slice %arg2[%dma_wait3A, %dma_wait3A_140] : memref<20480x128xf32, #tpu.memory_space<hbm>> -> memref<20480x128xf32, #tpu.memory_space<hbm>>
      tpu.wait_indirect_dma semaphore(%arg11 : memref<!tpu.dma_semaphore, #tpu.memory_space<semaphore_mem>>) src(%dma_wait3A_141 : memref<20480x128xf32, #tpu.memory_space<hbm>>) dst(%arg9 : memref<128x128xf32, #tpu.memory_space<vmem>>)
      "tpu.region"() ({
        %run_scoped3A = tpu.sem_alloc : memref<!tpu.dma_semaphore, #tpu.memory_space<semaphore_mem>>
        %dma_start3A_142 = arith.constant 0 : i32
        %dma_start3A_143 = arith.constant 0 : i32
        %dma_start3A_144 = tpu.memref_slice %arg6[%dma_start3A_142, %dma_start3A_143] : memref<10240x128xf32, #tpu.memory_space<vmem_shared>> -> memref<10240x128xf32, #tpu.memory_space<vmem_shared>>
        tpu.enqueue_indirect_dma source(%arg9 : memref<128x128xf32, #tpu.memory_space<vmem>>) target(%dma_start3A_144 : memref<10240x128xf32, #tpu.memory_space<vmem_shared>>) offsets(%arg8 : memref<128xi32, #tpu.memory_space<vmem>>) semaphore(%run_scoped3A : memref<!tpu.dma_semaphore, #tpu.memory_space<semaphore_mem>>) {add = true}
        %dma_wait3A_145 = arith.constant 0 : i32
        %dma_wait3A_146 = arith.constant 0 : i32
        %dma_wait3A_147 = tpu.memref_slice %arg6[%dma_wait3A_145, %dma_wait3A_146] : memref<10240x128xf32, #tpu.memory_space<vmem_shared>> -> memref<10240x128xf32, #tpu.memory_space<vmem_shared>>
        tpu.wait_indirect_dma semaphore(%run_scoped3A : memref<!tpu.dma_semaphore, #tpu.memory_space<semaphore_mem>>) src(%arg9 : memref<128x128xf32, #tpu.memory_space<vmem>>) dst(%dma_wait3A_147 : memref<10240x128xf32, #tpu.memory_space<vmem_shared>>)
        tpu.yield
      }) : () -> ()
    }
    %scan3A_35 = arith.constant 80 : i32
    %barrier3A_36 = arith.constant 0 : index
    tpu.barrier barrier_id(%barrier3A_36)
    %mul3A_37 = arith.constant 640 : i32
    %mul3A_38 = arith.muli %arg1, %mul3A_37 : i32
    %add3A_39 = arith.constant 0 : i32
    %add3A_40 = arith.addi %mul3A_38, %add3A_39 : i32
    %add3A_41 = arith.addi %mul3A_29, %add3A_40 : i32
    "tpu.region"() ({
      %run_scoped3A = tpu.sem_alloc : memref<!tpu.dma_semaphore, #tpu.memory_space<semaphore_mem>>
      %dma_start3A = arith.constant 0 : i32
      %dma_start3A_62 = tpu.memref_slice %arg5[%add3A_41, %dma_start3A] : memref<20480x128xf32, #tpu.memory_space<hbm>> -> memref<128x128xf32, #tpu.memory_space<hbm>>
      %dma_start3A_63 = arith.constant 0 : i32
      %dma_start3A_64 = tpu.memref_slice %arg6[%add3A_40, %dma_start3A_63] : memref<10240x128xf32, #tpu.memory_space<vmem_shared>> -> memref<128x128xf32, #tpu.memory_space<vmem_shared>>
      tpu.enqueue_dma source(%dma_start3A_64 : memref<128x128xf32, #tpu.memory_space<vmem_shared>>) target(%dma_start3A_62 : memref<128x128xf32, #tpu.memory_space<hbm>>) target_semaphore(%run_scoped3A : memref<!tpu.dma_semaphore, #tpu.memory_space<semaphore_mem>>)
      %dma_wait3A = arith.constant 0 : i32
      %dma_wait3A_65 = tpu.memref_slice %arg5[%add3A_41, %dma_wait3A] : memref<20480x128xf32, #tpu.memory_space<hbm>> -> memref<128x128xf32, #tpu.memory_space<hbm>>
      %dma_wait3A_66 = arith.constant 0 : i32
      %dma_wait3A_67 = tpu.memref_slice %arg6[%add3A_40, %dma_wait3A_66] : memref<10240x128xf32, #tpu.memory_space<vmem_shared>> -> memref<128x128xf32, #tpu.memory_space<vmem_shared>>
      tpu.wait_dma2 semaphore(%run_scoped3A : memref<!tpu.dma_semaphore, #tpu.memory_space<semaphore_mem>>) src(%dma_wait3A_67 : memref<128x128xf32, #tpu.memory_space<vmem_shared>>) dst(%dma_wait3A_65 : memref<128x128xf32, #tpu.memory_space<hbm>>)
      tpu.yield
    }) : () -> ()
    %mul3A_42 = arith.constant 640 : i32
    %mul3A_43 = arith.muli %arg1, %mul3A_42 : i32
    %add3A_44 = arith.constant 128 : i32
    %add3A_45 = arith.addi %mul3A_43, %add3A_44 : i32
    %add3A_46 = arith.addi %mul3A_29, %add3A_45 : i32
    "tpu.region"() ({
      %run_scoped3A = tpu.sem_alloc : memref<!tpu.dma_semaphore, #tpu.memory_space<semaphore_mem>>
      %dma_start3A = arith.constant 0 : i32
      %dma_start3A_62 = tpu.memref_slice %arg5[%add3A_46, %dma_start3A] : memref<20480x128xf32, #tpu.memory_space<hbm>> -> memref<128x128xf32, #tpu.memory_space<hbm>>
      %dma_start3A_63 = arith.constant 0 : i32
      %dma_start3A_64 = tpu.memref_slice %arg6[%add3A_45, %dma_start3A_63] : memref<10240x128xf32, #tpu.memory_space<vmem_shared>> -> memref<128x128xf32, #tpu.memory_space<vmem_shared>>
      tpu.enqueue_dma source(%dma_start3A_64 : memref<128x128xf32, #tpu.memory_space<vmem_shared>>) target(%dma_start3A_62 : memref<128x128xf32, #tpu.memory_space<hbm>>) target_semaphore(%run_scoped3A : memref<!tpu.dma_semaphore, #tpu.memory_space<semaphore_mem>>)
      %dma_wait3A = arith.constant 0 : i32
      %dma_wait3A_65 = tpu.memref_slice %arg5[%add3A_46, %dma_wait3A] : memref<20480x128xf32, #tpu.memory_space<hbm>> -> memref<128x128xf32, #tpu.memory_space<hbm>>
      %dma_wait3A_66 = arith.constant 0 : i32
      %dma_wait3A_67 = tpu.memref_slice %arg6[%add3A_45, %dma_wait3A_66] : memref<10240x128xf32, #tpu.memory_space<vmem_shared>> -> memref<128x128xf32, #tpu.memory_space<vmem_shared>>
      tpu.wait_dma2 semaphore(%run_scoped3A : memref<!tpu.dma_semaphore, #tpu.memory_space<semaphore_mem>>) src(%dma_wait3A_67 : memref<128x128xf32, #tpu.memory_space<vmem_shared>>) dst(%dma_wait3A_65 : memref<128x128xf32, #tpu.memory_space<hbm>>)
      tpu.yield
    }) : () -> ()
    %mul3A_47 = arith.constant 640 : i32
    %mul3A_48 = arith.muli %arg1, %mul3A_47 : i32
    %add3A_49 = arith.constant 256 : i32
    %add3A_50 = arith.addi %mul3A_48, %add3A_49 : i32
    %add3A_51 = arith.addi %mul3A_29, %add3A_50 : i32
    "tpu.region"() ({
      %run_scoped3A = tpu.sem_alloc : memref<!tpu.dma_semaphore, #tpu.memory_space<semaphore_mem>>
      %dma_start3A = arith.constant 0 : i32
      %dma_start3A_62 = tpu.memref_slice %arg5[%add3A_51, %dma_start3A] : memref<20480x128xf32, #tpu.memory_space<hbm>> -> memref<128x128xf32, #tpu.memory_space<hbm>>
      %dma_start3A_63 = arith.constant 0 : i32
      %dma_start3A_64 = tpu.memref_slice %arg6[%add3A_50, %dma_start3A_63] : memref<10240x128xf32, #tpu.memory_space<vmem_shared>> -> memref<128x128xf32, #tpu.memory_space<vmem_shared>>
      tpu.enqueue_dma source(%dma_start3A_64 : memref<128x128xf32, #tpu.memory_space<vmem_shared>>) target(%dma_start3A_62 : memref<128x128xf32, #tpu.memory_space<hbm>>) target_semaphore(%run_scoped3A : memref<!tpu.dma_semaphore, #tpu.memory_space<semaphore_mem>>)
      %dma_wait3A = arith.constant 0 : i32
      %dma_wait3A_65 = tpu.memref_slice %arg5[%add3A_51, %dma_wait3A] : memref<20480x128xf32, #tpu.memory_space<hbm>> -> memref<128x128xf32, #tpu.memory_space<hbm>>
      %dma_wait3A_66 = arith.constant 0 : i32
      %dma_wait3A_67 = tpu.memref_slice %arg6[%add3A_50, %dma_wait3A_66] : memref<10240x128xf32, #tpu.memory_space<vmem_shared>> -> memref<128x128xf32, #tpu.memory_space<vmem_shared>>
      tpu.wait_dma2 semaphore(%run_scoped3A : memref<!tpu.dma_semaphore, #tpu.memory_space<semaphore_mem>>) src(%dma_wait3A_67 : memref<128x128xf32, #tpu.memory_space<vmem_shared>>) dst(%dma_wait3A_65 : memref<128x128xf32, #tpu.memory_space<hbm>>)
      tpu.yield
    }) : () -> ()
    %mul3A_52 = arith.constant 640 : i32
    %mul3A_53 = arith.muli %arg1, %mul3A_52 : i32
    %add3A_54 = arith.constant 384 : i32
    %add3A_55 = arith.addi %mul3A_53, %add3A_54 : i32
    %add3A_56 = arith.addi %mul3A_29, %add3A_55 : i32
    "tpu.region"() ({
      %run_scoped3A = tpu.sem_alloc : memref<!tpu.dma_semaphore, #tpu.memory_space<semaphore_mem>>
      %dma_start3A = arith.constant 0 : i32
      %dma_start3A_62 = tpu.memref_slice %arg5[%add3A_56, %dma_start3A] : memref<20480x128xf32, #tpu.memory_space<hbm>> -> memref<128x128xf32, #tpu.memory_space<hbm>>
      %dma_start3A_63 = arith.constant 0 : i32
      %dma_start3A_64 = tpu.memref_slice %arg6[%add3A_55, %dma_start3A_63] : memref<10240x128xf32, #tpu.memory_space<vmem_shared>> -> memref<128x128xf32, #tpu.memory_space<vmem_shared>>
      tpu.enqueue_dma source(%dma_start3A_64 : memref<128x128xf32, #tpu.memory_space<vmem_shared>>) target(%dma_start3A_62 : memref<128x128xf32, #tpu.memory_space<hbm>>) target_semaphore(%run_scoped3A : memref<!tpu.dma_semaphore, #tpu.memory_space<semaphore_mem>>)
      %dma_wait3A = arith.constant 0 : i32
      %dma_wait3A_65 = tpu.memref_slice %arg5[%add3A_56, %dma_wait3A] : memref<20480x128xf32, #tpu.memory_space<hbm>> -> memref<128x128xf32, #tpu.memory_space<hbm>>
      %dma_wait3A_66 = arith.constant 0 : i32
      %dma_wait3A_67 = tpu.memref_slice %arg6[%add3A_55, %dma_wait3A_66] : memref<10240x128xf32, #tpu.memory_space<vmem_shared>> -> memref<128x128xf32, #tpu.memory_space<vmem_shared>>
      tpu.wait_dma2 semaphore(%run_scoped3A : memref<!tpu.dma_semaphore, #tpu.memory_space<semaphore_mem>>) src(%dma_wait3A_67 : memref<128x128xf32, #tpu.memory_space<vmem_shared>>) dst(%dma_wait3A_65 : memref<128x128xf32, #tpu.memory_space<hbm>>)
      tpu.yield
    }) : () -> ()
    %mul3A_57 = arith.constant 640 : i32
    %mul3A_58 = arith.muli %arg1, %mul3A_57 : i32
    %add3A_59 = arith.constant 512 : i32
    %add3A_60 = arith.addi %mul3A_58, %add3A_59 : i32
    %add3A_61 = arith.addi %mul3A_29, %add3A_60 : i32
    "tpu.region"() ({
      %run_scoped3A = tpu.sem_alloc : memref<!tpu.dma_semaphore, #tpu.memory_space<semaphore_mem>>
      %dma_start3A = arith.constant 0 : i32
      %dma_start3A_62 = tpu.memref_slice %arg5[%add3A_61, %dma_start3A] : memref<20480x128xf32, #tpu.memory_space<hbm>> -> memref<128x128xf32, #tpu.memory_space<hbm>>
      %dma_start3A_63 = arith.constant 0 : i32
      %dma_start3A_64 = tpu.memref_slice %arg6[%add3A_60, %dma_start3A_63] : memref<10240x128xf32, #tpu.memory_space<vmem_shared>> -> memref<128x128xf32, #tpu.memory_space<vmem_shared>>
      tpu.enqueue_dma source(%dma_start3A_64 : memref<128x128xf32, #tpu.memory_space<vmem_shared>>) target(%dma_start3A_62 : memref<128x128xf32, #tpu.memory_space<hbm>>) target_semaphore(%run_scoped3A : memref<!tpu.dma_semaphore, #tpu.memory_space<semaphore_mem>>)
      %dma_wait3A = arith.constant 0 : i32
      %dma_wait3A_65 = tpu.memref_slice %arg5[%add3A_61, %dma_wait3A] : memref<20480x128xf32, #tpu.memory_space<hbm>> -> memref<128x128xf32, #tpu.memory_space<hbm>>
      %dma_wait3A_66 = arith.constant 0 : i32
      %dma_wait3A_67 = tpu.memref_slice %arg6[%add3A_60, %dma_wait3A_66] : memref<10240x128xf32, #tpu.memory_space<vmem_shared>> -> memref<128x128xf32, #tpu.memory_space<vmem_shared>>
      tpu.wait_dma2 semaphore(%run_scoped3A : memref<!tpu.dma_semaphore, #tpu.memory_space<semaphore_mem>>) src(%dma_wait3A_67 : memref<128x128xf32, #tpu.memory_space<vmem_shared>>) dst(%dma_wait3A_65 : memref<128x128xf32, #tpu.memory_space<hbm>>)
      tpu.yield
    }) : () -> ()
    return
  }
}

module attributes {stable_mosaic.version = 14 : i64} {
  func.func @body(%arg0: i32, %arg1: i32, %arg2: memref<1024x128xf32, #tpu.memory_space<vmem>>, %arg3: memref<2x1024x16xf32, #tpu.memory_space<vmem>>, %arg4: memref<1024x128xf32, #tpu.memory_space<vmem>>, %arg5: memref<1024x1xf32, #tpu.memory_space<vmem>>) attributes {dimension_semantics = [#tpu.dimension_semantics<arbitrary>, #tpu.dimension_semantics<arbitrary>], iteration_bounds = array<i64: 2, 10>, scalar_prefetch = 0 : i64, scratch_operands = 0 : i64, tpu.core_type = #tpu.core_type<tc>, window_params = [{transform_indices = @transform_0, window_bounds = array<i64: 1024, 128>}, {transform_indices = @transform_1, window_bounds = array<i64: 2, 1024, 16>}, {transform_indices = @transform_2, window_bounds = array<i64: 1024, 128>}, {transform_indices = @transform_3, window_bounds = array<i64: 1024, 1>}]} {
    %get3A = arith.constant 0 : index
    %get3A_0 = arith.constant 0 : index
    %get3A_1 = arith.constant 0 : index
    %get3A_2 = vector.load %arg3[%get3A, %get3A_0, %get3A_1] : memref<2x1024x16xf32, #tpu.memory_space<vmem>>, vector<2x1024x16xf32>
    %slice3A = vector.extract_strided_slice %get3A_2 {offsets = [0, 0, 0], sizes = [1, 1024, 1], strides = [1, 1, 1]} : vector<2x1024x16xf32> to vector<1x1024x1xf32>
    %squeeze3A = vector.shape_cast %slice3A : vector<1x1024x1xf32> to vector<1024xf32>
    %add3A = arith.constant 1.000000e+00 : f32
    %add3A_3 = vector.broadcast %add3A : f32 to vector<1024xf32>
    %add3A_4 = arith.addf %add3A_3, %squeeze3A : vector<1024xf32>
    %slice3A_5 = vector.extract_strided_slice %get3A_2 {offsets = [1, 0, 0], sizes = [1, 1024, 1], strides = [1, 1, 1]} : vector<2x1024x16xf32> to vector<1x1024x1xf32>
    %squeeze3A_6 = vector.shape_cast %slice3A_5 : vector<1x1024x1xf32> to vector<1024xf32>
    %add3A_7 = arith.addf %add3A_4, %squeeze3A_6 : vector<1024xf32>
    %rsqrt3A = math.rsqrt %add3A_7 : vector<1024xf32>
    %broadcast_in_dim3A = vector.shape_cast %rsqrt3A : vector<1024xf32> to vector<1024x1xf32>
    %get3A_8 = arith.constant 0 : index
    %get3A_9 = arith.constant 0 : index
    %get3A_10 = vector.load %arg2[%get3A_8, %get3A_9] : memref<1024x128xf32, #tpu.memory_space<vmem>>, vector<1024x128xf32>
    %mul3A = vector.broadcast %broadcast_in_dim3A : vector<1024x1xf32> to vector<1024x128xf32>
    %mul3A_11 = arith.mulf %get3A_10, %mul3A : vector<1024x128xf32>
    %swap3A = arith.constant 0 : index
    %swap3A_12 = arith.constant 0 : index
    %swap3A_13 = vector.load %arg4[%swap3A, %swap3A_12] : memref<1024x128xf32, #tpu.memory_space<vmem>>, vector<1024x128xf32>
    tpu.vector_store %arg4[%swap3A, %swap3A_12], %mul3A_11 {strides = array<i32>} : memref<1024x128xf32, #tpu.memory_space<vmem>>, vector<1024x128xf32>,
    %swap3A_14 = arith.constant 0 : index
    %swap3A_15 = arith.constant 0 : index
    %swap3A_16 = vector.load %arg5[%swap3A_14, %swap3A_15] : memref<1024x1xf32, #tpu.memory_space<vmem>>, vector<1024x1xf32>
    tpu.vector_store %arg5[%swap3A_14, %swap3A_15], %broadcast_in_dim3A {strides = array<i32>} : memref<1024x1xf32, #tpu.memory_space<vmem>>, vector<1024x1xf32>,
    return
  }
  func.func @transform_0(%arg0: i32, %arg1: i32) -> (i32, i32) {
    %c0_i32 = arith.constant 0 : i32
    return %arg1, %arg0 : i32, i32
  }
  func.func @transform_1(%arg0: i32, %arg1: i32) -> (i32, i32, i32) {
    %c0_i32 = arith.constant 0 : i32
    %c0_i32_0 = arith.constant 0 : i32
    %c0_i32_1 = arith.constant 0 : i32
    return %c0_i32, %arg1, %c0_i32_0 : i32, i32, i32
  }
  func.func @transform_2(%arg0: i32, %arg1: i32) -> (i32, i32) {
    %mul3A = arith.constant 10 : i32
    %mul3A_0 = arith.muli %arg0, %mul3A : i32
    %add3A = arith.addi %mul3A_0, %arg1 : i32
    %c0_i32 = arith.constant 0 : i32
    %c0_i32_1 = arith.constant 0 : i32
    return %add3A, %c0_i32 : i32, i32
  }
  func.func @transform_3(%arg0: i32, %arg1: i32) -> (i32, i32) {
    %c0_i32 = arith.constant 0 : i32
    %c0_i32_0 = arith.constant 0 : i32
    return %arg1, %c0_i32 : i32, i32
  }
}

module attributes {stable_mosaic.version = 14 : i64} {
  func.func @body(%arg0: i32, %arg1: memref<2x1024x128xf32, #tpu.memory_space<vmem>>, %arg2: memref<1024x256xf32, #tpu.memory_space<vmem>>, %arg3: memref<1024x1xf32, #tpu.memory_space<vmem>>, %arg4: memref<512x256xf32, #tpu.memory_space<vmem>>, %arg5: memref<1x512xf32, #tpu.memory_space<vmem>>, %arg6: memref<1024x512xf32, #tpu.memory_space<vmem>>, %arg7: memref<4x1024x128xf32, #tpu.memory_space<vmem>>) attributes {dimension_semantics = [#tpu.dimension_semantics<arbitrary>], iteration_bounds = array<i64: 10>, scalar_prefetch = 0 : i64, scratch_operands = 0 : i64, tpu.core_type = #tpu.core_type<tc>, window_params = [{transform_indices = @transform_0, window_bounds = array<i64: 2, 1024, 128>}, {transform_indices = @transform_1, window_bounds = array<i64: 1024, 256>}, {transform_indices = @transform_2, window_bounds = array<i64: 1024, 1>}, {pipeline_mode = #tpu.pipeline_mode<synchronous>, transform_indices = @transform_3, window_bounds = array<i64: 512, 256>}, {pipeline_mode = #tpu.pipeline_mode<synchronous>, transform_indices = @transform_4, window_bounds = array<i64: 1, 512>}, {transform_indices = @transform_5, window_bounds = array<i64: 1024, 512>}, {transform_indices = @transform_6, window_bounds = array<i64: 4, 1024, 128>}]} {
    %get3A = arith.constant 0 : index
    %get3A_0 = arith.constant 0 : index
    %get3A_1 = arith.constant 0 : index
    %get3A_2 = vector.load %arg1[%get3A, %get3A_0, %get3A_1] : memref<2x1024x128xf32, #tpu.memory_space<vmem>>, vector<1x1024x128xf32>
    %get3A_3 = vector.shape_cast %get3A_2 : vector<1x1024x128xf32> to vector<1024x128xf32>
    %get3A_4 = arith.constant 1 : index
    %get3A_5 = arith.constant 0 : index
    %get3A_6 = arith.constant 0 : index
    %get3A_7 = vector.load %arg1[%get3A_4, %get3A_5, %get3A_6] : memref<2x1024x128xf32, #tpu.memory_space<vmem>>, vector<1x1024x128xf32>
    %get3A_8 = vector.shape_cast %get3A_7 : vector<1x1024x128xf32> to vector<1024x128xf32>
    %concatenate3A = tpu.concatenate %get3A_3, %get3A_8 in 1 : vector<1024x128xf32>, vector<1024x128xf32> -> vector<1024x256xf32>
    %get3A_9 = arith.constant 0 : index
    %get3A_10 = arith.constant 0 : index
    %get3A_11 = vector.load %arg3[%get3A_9, %get3A_10] : memref<1024x1xf32, #tpu.memory_space<vmem>>, vector<1024x1xf32>
    %mul3A = vector.broadcast %get3A_11 : vector<1024x1xf32> to vector<1024x256xf32>
    %mul3A_12 = arith.mulf %mul3A, %concatenate3A : vector<1024x256xf32>
    %mul3A_13 = arith.mulf %get3A_11, %get3A_11 : vector<1024x1xf32>
    %get3A_14 = arith.constant 0 : index
    %get3A_15 = arith.constant 0 : index
    %get3A_16 = vector.load %arg2[%get3A_14, %get3A_15] : memref<1024x256xf32, #tpu.memory_space<vmem>>, vector<1024x256xf32>
    %mul3A_17 = vector.broadcast %mul3A_13 : vector<1024x1xf32> to vector<1024x256xf32>
    %mul3A_18 = arith.mulf %mul3A_17, %get3A_16 : vector<1024x256xf32>
    %add3A = arith.addf %mul3A_12, %mul3A_18 : vector<1024x256xf32>
    %get3A_19 = arith.constant 0 : index
    %get3A_20 = arith.constant 0 : index
    %get3A_21 = vector.load %arg4[%get3A_19, %get3A_20] : memref<512x256xf32, #tpu.memory_space<vmem>>, vector<512x256xf32>
    %dot_general3A = arith.constant dense<0.000000e+00> : vector<1024x512xf32>
    %dot_general3A_22 = tpu.matmul %add3A, %get3A_21, %dot_general3A {dimension_numbers = #tpu.dot_dimension_numbers<[1], [1], [0], [0], [0, 0, 1, 0], [], []>, transpose_lhs_hint = false} : vector<1024x256xf32>, vector<512x256xf32>, vector<1024x512xf32> -> vector<1024x512xf32>
    %get3A_23 = arith.constant 0 : index
    %get3A_24 = arith.constant 0 : index
    %get3A_25 = vector.load %arg5[%get3A_23, %get3A_24] : memref<1x512xf32, #tpu.memory_space<vmem>>, vector<1x512xf32>
    %add3A_26 = vector.broadcast %get3A_25 : vector<1x512xf32> to vector<1024x512xf32>
    %add3A_27 = arith.addf %dot_general3A_22, %add3A_26 : vector<1024x512xf32>
    %max3A = arith.constant 0.000000e+00 : f32
    %max3A_28 = vector.broadcast %max3A : f32 to vector<1024x512xf32>
    %max3A_29 = arith.maximumf %add3A_27, %max3A_28 : vector<1024x512xf32>
    %swap3A = arith.constant 0 : index
    %swap3A_30 = arith.constant 0 : index
    %swap3A_31 = vector.load %arg6[%swap3A, %swap3A_30] : memref<1024x512xf32, #tpu.memory_space<vmem>>, vector<1024x512xf32>
    tpu.vector_store %arg6[%swap3A, %swap3A_30], %max3A_29 {strides = array<i32>} : memref<1024x512xf32, #tpu.memory_space<vmem>>, vector<1024x512xf32>,
    %mul3A_32 = vector.broadcast %get3A_11 : vector<1024x1xf32> to vector<1024x512xf32>
    %mul3A_33 = arith.mulf %mul3A_32, %max3A_29 : vector<1024x512xf32>
    %slice3A = vector.extract_strided_slice %mul3A_33 {offsets = [0, 0], sizes = [1024, 128], strides = [1, 1]} : vector<1024x512xf32> to vector<1024x128xf32>
    %swap3A_34 = arith.constant 0 : index
    %swap3A_35 = arith.constant 0 : index
    %swap3A_36 = arith.constant 0 : index
    %swap3A_37 = vector.load %arg7[%swap3A_34, %swap3A_35, %swap3A_36] : memref<4x1024x128xf32, #tpu.memory_space<vmem>>, vector<1x1024x128xf32>
    %swap3A_38 = vector.shape_cast %swap3A_37 : vector<1x1024x128xf32> to vector<1024x128xf32>
    %swap3A_39 = vector.shape_cast %slice3A : vector<1024x128xf32> to vector<1x1024x128xf32>
    tpu.vector_store %arg7[%swap3A_34, %swap3A_35, %swap3A_36], %swap3A_39 {strides = array<i32>} : memref<4x1024x128xf32, #tpu.memory_space<vmem>>, vector<1x1024x128xf32>,
    %slice3A_40 = vector.extract_strided_slice %mul3A_33 {offsets = [0, 128], sizes = [1024, 128], strides = [1, 1]} : vector<1024x512xf32> to vector<1024x128xf32>
    %swap3A_41 = arith.constant 1 : index
    %swap3A_42 = arith.constant 0 : index
    %swap3A_43 = arith.constant 0 : index
    %swap3A_44 = vector.load %arg7[%swap3A_41, %swap3A_42, %swap3A_43] : memref<4x1024x128xf32, #tpu.memory_space<vmem>>, vector<1x1024x128xf32>
    %swap3A_45 = vector.shape_cast %swap3A_44 : vector<1x1024x128xf32> to vector<1024x128xf32>
    %swap3A_46 = vector.shape_cast %slice3A_40 : vector<1024x128xf32> to vector<1x1024x128xf32>
    tpu.vector_store %arg7[%swap3A_41, %swap3A_42, %swap3A_43], %swap3A_46 {strides = array<i32>} : memref<4x1024x128xf32, #tpu.memory_space<vmem>>, vector<1x1024x128xf32>,
    %slice3A_47 = vector.extract_strided_slice %mul3A_33 {offsets = [0, 256], sizes = [1024, 128], strides = [1, 1]} : vector<1024x512xf32> to vector<1024x128xf32>
    %swap3A_48 = arith.constant 2 : index
    %swap3A_49 = arith.constant 0 : index
    %swap3A_50 = arith.constant 0 : index
    %swap3A_51 = vector.load %arg7[%swap3A_48, %swap3A_49, %swap3A_50] : memref<4x1024x128xf32, #tpu.memory_space<vmem>>, vector<1x1024x128xf32>
    %swap3A_52 = vector.shape_cast %swap3A_51 : vector<1x1024x128xf32> to vector<1024x128xf32>
    %swap3A_53 = vector.shape_cast %slice3A_47 : vector<1024x128xf32> to vector<1x1024x128xf32>
    tpu.vector_store %arg7[%swap3A_48, %swap3A_49, %swap3A_50], %swap3A_53 {strides = array<i32>} : memref<4x1024x128xf32, #tpu.memory_space<vmem>>, vector<1x1024x128xf32>,
    %slice3A_54 = vector.extract_strided_slice %mul3A_33 {offsets = [0, 384], sizes = [1024, 128], strides = [1, 1]} : vector<1024x512xf32> to vector<1024x128xf32>
    %swap3A_55 = arith.constant 3 : index
    %swap3A_56 = arith.constant 0 : index
    %swap3A_57 = arith.constant 0 : index
    %swap3A_58 = vector.load %arg7[%swap3A_55, %swap3A_56, %swap3A_57] : memref<4x1024x128xf32, #tpu.memory_space<vmem>>, vector<1x1024x128xf32>
    %swap3A_59 = vector.shape_cast %swap3A_58 : vector<1x1024x128xf32> to vector<1024x128xf32>
    %swap3A_60 = vector.shape_cast %slice3A_54 : vector<1024x128xf32> to vector<1x1024x128xf32>
    tpu.vector_store %arg7[%swap3A_55, %swap3A_56, %swap3A_57], %swap3A_60 {strides = array<i32>} : memref<4x1024x128xf32, #tpu.memory_space<vmem>>, vector<1x1024x128xf32>,
    return
  }
  func.func @transform_0(%arg0: i32) -> (i32, i32, i32) {
    %c0_i32 = arith.constant 0 : i32
    %c0_i32_0 = arith.constant 0 : i32
    %c0_i32_1 = arith.constant 0 : i32
    return %c0_i32, %arg0, %c0_i32_0 : i32, i32, i32
  }
  func.func @transform_1(%arg0: i32) -> (i32, i32) {
    %c0_i32 = arith.constant 0 : i32
    %c0_i32_0 = arith.constant 0 : i32
    return %arg0, %c0_i32 : i32, i32
  }
  func.func @transform_2(%arg0: i32) -> (i32, i32) {
    %c0_i32 = arith.constant 0 : i32
    %c0_i32_0 = arith.constant 0 : i32
    return %arg0, %c0_i32 : i32, i32
  }
  func.func @transform_3(%arg0: i32) -> (i32, i32) {
    %c0_i32 = arith.constant 0 : i32
    %c0_i32_0 = arith.constant 0 : i32
    %c0_i32_1 = arith.constant 0 : i32
    return %c0_i32, %c0_i32_0 : i32, i32
  }
  func.func @transform_4(%arg0: i32) -> (i32, i32) {
    %c0_i32 = arith.constant 0 : i32
    %c0_i32_0 = arith.constant 0 : i32
    %c0_i32_1 = arith.constant 0 : i32
    return %c0_i32, %c0_i32_0 : i32, i32
  }
  func.func @transform_5(%arg0: i32) -> (i32, i32) {
    %c0_i32 = arith.constant 0 : i32
    %c0_i32_0 = arith.constant 0 : i32
    return %arg0, %c0_i32 : i32, i32
  }
  func.func @transform_6(%arg0: i32) -> (i32, i32, i32) {
    %c0_i32 = arith.constant 0 : i32
    %c0_i32_0 = arith.constant 0 : i32
    %c0_i32_1 = arith.constant 0 : i32
    return %c0_i32, %arg0, %c0_i32_0 : i32, i32, i32
  }
}

module attributes {stable_mosaic.version = 14 : i64} {
  func.func @body(%arg0: i32, %arg1: memref<4x1024x128xf32, #tpu.memory_space<vmem>>, %arg2: memref<1024x512xf32, #tpu.memory_space<vmem>>, %arg3: memref<1024x1xf32, #tpu.memory_space<vmem>>, %arg4: memref<512x512xf32, #tpu.memory_space<vmem>>, %arg5: memref<1x512xf32, #tpu.memory_space<vmem>>, %arg6: memref<128x512xf32, #tpu.memory_space<vmem>>, %arg7: memref<128x512xf32, #tpu.memory_space<vmem>>, %arg8: memref<1x128xf32, #tpu.memory_space<vmem>>, %arg9: memref<1x128xf32, #tpu.memory_space<vmem>>, %arg10: memref<1x1xf32, #tpu.memory_space<vmem>>, %arg11: memref<1024x1xf32, #tpu.memory_space<vmem>>) attributes {dimension_semantics = [#tpu.dimension_semantics<arbitrary>], iteration_bounds = array<i64: 10>, scalar_prefetch = 0 : i64, scratch_operands = 0 : i64, tpu.core_type = #tpu.core_type<tc>, window_params = [{transform_indices = @transform_0, window_bounds = array<i64: 4, 1024, 128>}, {transform_indices = @transform_1, window_bounds = array<i64: 1024, 512>}, {transform_indices = @transform_2, window_bounds = array<i64: 1024, 1>}, {pipeline_mode = #tpu.pipeline_mode<synchronous>, transform_indices = @transform_3, window_bounds = array<i64: 512, 512>}, {pipeline_mode = #tpu.pipeline_mode<synchronous>, transform_indices = @transform_4, window_bounds = array<i64: 1, 512>}, {pipeline_mode = #tpu.pipeline_mode<synchronous>, transform_indices = @transform_5, window_bounds = array<i64: 128, 512>}, {pipeline_mode = #tpu.pipeline_mode<synchronous>, transform_indices = @transform_6, window_bounds = array<i64: 128, 512>}, {pipeline_mode = #tpu.pipeline_mode<synchronous>, transform_indices = @transform_7, window_bounds = array<i64: 1, 128>}, {pipeline_mode = #tpu.pipeline_mode<synchronous>, transform_indices = @transform_8, window_bounds = array<i64: 1, 128>}, {pipeline_mode = #tpu.pipeline_mode<synchronous>, transform_indices = @transform_9, window_bounds = array<i64: 1, 1>}, {transform_indices = @transform_10, window_bounds = array<i64: 1024, 1>}]} {
    %get3A = arith.constant 0 : index
    %get3A_0 = arith.constant 0 : index
    %get3A_1 = arith.constant 0 : index
    %get3A_2 = vector.load %arg1[%get3A, %get3A_0, %get3A_1] : memref<4x1024x128xf32, #tpu.memory_space<vmem>>, vector<1x1024x128xf32>
    %get3A_3 = vector.shape_cast %get3A_2 : vector<1x1024x128xf32> to vector<1024x128xf32>
    %get3A_4 = arith.constant 1 : index
    %get3A_5 = arith.constant 0 : index
    %get3A_6 = arith.constant 0 : index
    %get3A_7 = vector.load %arg1[%get3A_4, %get3A_5, %get3A_6] : memref<4x1024x128xf32, #tpu.memory_space<vmem>>, vector<1x1024x128xf32>
    %get3A_8 = vector.shape_cast %get3A_7 : vector<1x1024x128xf32> to vector<1024x128xf32>
    %get3A_9 = arith.constant 2 : index
    %get3A_10 = arith.constant 0 : index
    %get3A_11 = arith.constant 0 : index
    %get3A_12 = vector.load %arg1[%get3A_9, %get3A_10, %get3A_11] : memref<4x1024x128xf32, #tpu.memory_space<vmem>>, vector<1x1024x128xf32>
    %get3A_13 = vector.shape_cast %get3A_12 : vector<1x1024x128xf32> to vector<1024x128xf32>
    %get3A_14 = arith.constant 3 : index
    %get3A_15 = arith.constant 0 : index
    %get3A_16 = arith.constant 0 : index
    %get3A_17 = vector.load %arg1[%get3A_14, %get3A_15, %get3A_16] : memref<4x1024x128xf32, #tpu.memory_space<vmem>>, vector<1x1024x128xf32>
    %get3A_18 = vector.shape_cast %get3A_17 : vector<1x1024x128xf32> to vector<1024x128xf32>
    %concatenate3A = tpu.concatenate %get3A_3, %get3A_8, %get3A_13, %get3A_18 in 1 : vector<1024x128xf32>, vector<1024x128xf32>, vector<1024x128xf32>, vector<1024x128xf32> -> vector<1024x512xf32>
    %get3A_19 = arith.constant 0 : index
    %get3A_20 = arith.constant 0 : index
    %get3A_21 = vector.load %arg3[%get3A_19, %get3A_20] : memref<1024x1xf32, #tpu.memory_space<vmem>>, vector<1024x1xf32>
    %get3A_22 = arith.constant 0 : index
    %get3A_23 = arith.constant 0 : index
    %get3A_24 = vector.load %arg2[%get3A_22, %get3A_23] : memref<1024x512xf32, #tpu.memory_space<vmem>>, vector<1024x512xf32>
    %mul3A = vector.broadcast %get3A_21 : vector<1024x1xf32> to vector<1024x512xf32>
    %mul3A_25 = arith.mulf %mul3A, %concatenate3A : vector<1024x512xf32>
    %mul3A_26 = arith.mulf %get3A_21, %get3A_21 : vector<1024x1xf32>
    %mul3A_27 = vector.broadcast %mul3A_26 : vector<1024x1xf32> to vector<1024x512xf32>
    %mul3A_28 = arith.mulf %mul3A_27, %get3A_24 : vector<1024x512xf32>
    %add3A = arith.addf %mul3A_25, %mul3A_28 : vector<1024x512xf32>
    %get3A_29 = arith.constant 0 : index
    %get3A_30 = arith.constant 0 : index
    %get3A_31 = vector.load %arg4[%get3A_29, %get3A_30] : memref<512x512xf32, #tpu.memory_space<vmem>>, vector<512x512xf32>
    %dot_general3A = arith.constant dense<0.000000e+00> : vector<1024x512xf32>
    %dot_general3A_32 = tpu.matmul %add3A, %get3A_31, %dot_general3A {dimension_numbers = #tpu.dot_dimension_numbers<[1], [1], [0], [0], [0, 0, 1, 0], [], []>, transpose_lhs_hint = false} : vector<1024x512xf32>, vector<512x512xf32>, vector<1024x512xf32> -> vector<1024x512xf32>
    %get3A_33 = arith.constant 0 : index
    %get3A_34 = arith.constant 0 : index
    %get3A_35 = vector.load %arg5[%get3A_33, %get3A_34] : memref<1x512xf32, #tpu.memory_space<vmem>>, vector<1x512xf32>
    %add3A_36 = vector.broadcast %get3A_35 : vector<1x512xf32> to vector<1024x512xf32>
    %add3A_37 = arith.addf %dot_general3A_32, %add3A_36 : vector<1024x512xf32>
    %max3A = arith.constant 0.000000e+00 : f32
    %max3A_38 = vector.broadcast %max3A : f32 to vector<1024x512xf32>
    %max3A_39 = arith.maximumf %add3A_37, %max3A_38 : vector<1024x512xf32>
    %get3A_40 = arith.constant 0 : index
    %get3A_41 = arith.constant 0 : index
    %get3A_42 = vector.load %arg6[%get3A_40, %get3A_41] : memref<128x512xf32, #tpu.memory_space<vmem>>, vector<128x512xf32>
    %dot_general3A_43 = arith.constant dense<0.000000e+00> : vector<1024x128xf32>
    %dot_general3A_44 = tpu.matmul %get3A_24, %get3A_42, %dot_general3A_43 {dimension_numbers = #tpu.dot_dimension_numbers<[1], [1], [0], [0], [0, 0, 1, 0], [], []>, transpose_lhs_hint = false} : vector<1024x512xf32>, vector<128x512xf32>, vector<1024x128xf32> -> vector<1024x128xf32>
    %get3A_45 = arith.constant 0 : index
    %get3A_46 = arith.constant 0 : index
    %get3A_47 = vector.load %arg7[%get3A_45, %get3A_46] : memref<128x512xf32, #tpu.memory_space<vmem>>, vector<128x512xf32>
    %dot_general3A_48 = arith.constant dense<0.000000e+00> : vector<1024x128xf32>
    %dot_general3A_49 = tpu.matmul %max3A_39, %get3A_47, %dot_general3A_48 {dimension_numbers = #tpu.dot_dimension_numbers<[1], [1], [0], [0], [0, 0, 1, 0], [], []>, transpose_lhs_hint = false} : vector<1024x512xf32>, vector<128x512xf32>, vector<1024x128xf32> -> vector<1024x128xf32>
    %add3A_50 = arith.addf %dot_general3A_44, %dot_general3A_49 : vector<1024x128xf32>
    %get3A_51 = arith.constant 0 : index
    %get3A_52 = arith.constant 0 : index
    %get3A_53 = vector.load %arg8[%get3A_51, %get3A_52] : memref<1x128xf32, #tpu.memory_space<vmem>>, vector<1x128xf32>
    %add3A_54 = vector.broadcast %get3A_53 : vector<1x128xf32> to vector<1024x128xf32>
    %add3A_55 = arith.addf %add3A_50, %add3A_54 : vector<1024x128xf32>
    %max3A_56 = arith.constant 0.000000e+00 : f32
    %max3A_57 = vector.broadcast %max3A_56 : f32 to vector<1024x128xf32>
    %max3A_58 = arith.maximumf %add3A_55, %max3A_57 : vector<1024x128xf32>
    %get3A_59 = arith.constant 0 : index
    %get3A_60 = arith.constant 0 : index
    %get3A_61 = vector.load %arg9[%get3A_59, %get3A_60] : memref<1x128xf32, #tpu.memory_space<vmem>>, vector<1x128xf32>
    %mul3A_62 = vector.broadcast %get3A_61 : vector<1x128xf32> to vector<1024x128xf32>
    %mul3A_63 = arith.mulf %max3A_58, %mul3A_62 : vector<1024x128xf32>
    %reduce_sum3A = arith.constant dense<0.000000e+00> : vector<1024xf32>
    %reduce_sum3A_64 = vector.multi_reduction <add>, %mul3A_63, %reduce_sum3A [1] : vector<1024x128xf32> to vector<1024xf32>
    %broadcast_in_dim3A = vector.shape_cast %reduce_sum3A_64 : vector<1024xf32> to vector<1024x1xf32>
    %get3A_65 = arith.constant 0 : index
    %get3A_66 = arith.constant 0 : index
    %get3A_67 = vector.load %arg10[%get3A_65, %get3A_66] : memref<1x1xf32, #tpu.memory_space<vmem>>, vector<1x1xf32>
    %get3A_68 = vector.extract %get3A_67[0, 0] : f32 from vector<1x1xf32>
    %add3A_69 = vector.broadcast %get3A_68 : f32 to vector<1024x1xf32>
    %add3A_70 = arith.addf %broadcast_in_dim3A, %add3A_69 : vector<1024x1xf32>
    %swap3A = arith.constant 0 : index
    %swap3A_71 = arith.constant 0 : index
    %swap3A_72 = vector.load %arg11[%swap3A, %swap3A_71] : memref<1024x1xf32, #tpu.memory_space<vmem>>, vector<1024x1xf32>
    tpu.vector_store %arg11[%swap3A, %swap3A_71], %add3A_70 {strides = array<i32>} : memref<1024x1xf32, #tpu.memory_space<vmem>>, vector<1024x1xf32>,
    return
  }
  func.func @transform_0(%arg0: i32) -> (i32, i32, i32) {
    %c0_i32 = arith.constant 0 : i32
    %c0_i32_0 = arith.constant 0 : i32
    %c0_i32_1 = arith.constant 0 : i32
    return %c0_i32, %arg0, %c0_i32_0 : i32, i32, i32
  }
  func.func @transform_1(%arg0: i32) -> (i32, i32) {
    %c0_i32 = arith.constant 0 : i32
    %c0_i32_0 = arith.constant 0 : i32
    return %arg0, %c0_i32 : i32, i32
  }
  func.func @transform_2(%arg0: i32) -> (i32, i32) {
    %c0_i32 = arith.constant 0 : i32
    %c0_i32_0 = arith.constant 0 : i32
    return %arg0, %c0_i32 : i32, i32
  }
  func.func @transform_3(%arg0: i32) -> (i32, i32) {
    %c0_i32 = arith.constant 0 : i32
    %c0_i32_0 = arith.constant 0 : i32
    %c0_i32_1 = arith.constant 0 : i32
    return %c0_i32, %c0_i32_0 : i32, i32
  }
  func.func @transform_4(%arg0: i32) -> (i32, i32) {
    %c0_i32 = arith.constant 0 : i32
    %c0_i32_0 = arith.constant 0 : i32
    %c0_i32_1 = arith.constant 0 : i32
    return %c0_i32, %c0_i32_0 : i32, i32
  }
  func.func @transform_5(%arg0: i32) -> (i32, i32) {
    %c0_i32 = arith.constant 0 : i32
    %c0_i32_0 = arith.constant 0 : i32
    %c0_i32_1 = arith.constant 0 : i32
    return %c0_i32, %c0_i32_0 : i32, i32
  }
  func.func @transform_6(%arg0: i32) -> (i32, i32) {
    %c0_i32 = arith.constant 0 : i32
    %c0_i32_0 = arith.constant 0 : i32
    %c0_i32_1 = arith.constant 0 : i32
    return %c0_i32, %c0_i32_0 : i32, i32
  }
  func.func @transform_7(%arg0: i32) -> (i32, i32) {
    %c0_i32 = arith.constant 0 : i32
    %c0_i32_0 = arith.constant 0 : i32
    %c0_i32_1 = arith.constant 0 : i32
    return %c0_i32, %c0_i32_0 : i32, i32
  }
  func.func @transform_8(%arg0: i32) -> (i32, i32) {
    %c0_i32 = arith.constant 0 : i32
    %c0_i32_0 = arith.constant 0 : i32
    %c0_i32_1 = arith.constant 0 : i32
    return %c0_i32, %c0_i32_0 : i32, i32
  }
  func.func @transform_9(%arg0: i32) -> (i32, i32) {
    %c0_i32 = arith.constant 0 : i32
    %c0_i32_0 = arith.constant 0 : i32
    %c0_i32_1 = arith.constant 0 : i32
    return %c0_i32, %c0_i32_0 : i32, i32
  }
  func.func @transform_10(%arg0: i32) -> (i32, i32) {
    %c0_i32 = arith.constant 0 : i32
    %c0_i32_0 = arith.constant 0 : i32
    return %arg0, %c0_i32 : i32, i32
  }
}

</mosaic_0001>

<sc_bundles>
// kernel: kernel.11.cloned.1.call-start
scs
__scs_entry_jumppad:
0x0: {  	(pc) =	sbr.rel $0x88, $3  }
0x1: {  	(tag) =	ssettag $0x0;
	lr =	simm.s32 $0x1  }
0x2: {  	[smem:$0x3F97] =	sst lr;
	_ =	strace $0xD0000000  }
0x3: {  	_ = 	snop  }
0x4: {  	_ = 	snop  }
0x5: {  	_ = 	snop  }
0x6: {  	_ = 	snop  }
0x7: {  	_ = 	snop  }
__scs_overlays_trampoline_lowered:
0x8: {  	[smem:$0x3FA6] =	sst s0  }
0x9: {  	[smem:$0x3FA7] =	sst s1  }
0xa: {  	[smem:$0x3FA8] =	sst s2  }
0xb: {  	[smem:$0x3FA9] =	sst s3  }
0xc: {  	[smem:$0x3FAA] =	sst s4  }
0xd: {  	[smem:$0x3FAB] =	sst s5  }
0xe: {  	[smem:$0x3FAC] =	sst s6  }
0xf: {  	[smem:$0x3FAD] =	sst s7  }
0x10: {  	[smem:$0x3FAE] =	sst s8  }
0x11: {  	[smem:$0x3FAF] =	sst s9;
	s0 =	simm.s32 @!p0 $0x0  }
0x12: {  	s1 =	sld [smem:$0x3F95];
	s0 =	simm.s32 @p0 $0x1  }
0x13: {  	[smem:$0x3FB0] =	sst s0;
	s0 =	simm.s32 @!p1 $0x0  }
0x14: {  	s2 =	sld [smem:$0x3F94];
	s0 =	simm.s32 @p1 $0x1  }
0x15: {  	[smem:$0x3FB1] =	sst s0;
	s0 =	simm.s32 @!p2 $0x0  }
0x16: {  	s3 =	sld [smem:$0x3FDB];
	s0 =	simm.s32 @p2 $0x1  }
0x17: {  	s4 =	simm.s32 $0x1BF5;
	[smem:$0x3FB3] =	sst s0  }
0x18: {  	s0 =	sld [smem:$0x3F96];
	_ =	swait.ge [sflag:s4], $0x0  }
0x19: {  	s7 =	sld [smem:$0x3F97]  }
0x1a: {  	s8 =	sadd.s32 $0xFFFFE003, lr  }
0x1b: {  	s9 =	sadd.s32 $0xFFFFFEF7, lr;
	s5 =	simm.s32 $0xFFFFFFFF;
	p2 =	slt.u32 s8, $0xFFFFF086  }
0x1c: {  	p1 =	slt.u32 s9, $0xF7A;
	s5 =	simm.s32 @!p2 $0x0  }
0x1d: {  	s5 =	simm.s32 @p1 $0x1;
	p0 =	seq.s32 s7, s2  }
0x1e: {  	s7 =	smul.u32 @!p0 $0xF7A, s2;
	p2 =	seq.s32 @!p0 s5, $0x0  }
0x1f: {  	s9 =	smul.u32 $0xF7A, s1;
	s8 =	simm.s32 @!p0 $0x1BF5;
	p2 =	por !p2, p0  }
0x20: {  	[sflag:s8] =	ssyncset.s32 @!p0 $0xFFFFF086;
	s6 =	sadd.s32 @!p0 s3, s7;
	s7 =	simm.s32 @!p0 $0x108  }
0x21: {  	s3 =	sadd.s32 s3, s9;
	s6 =	sadd.s32 @!p0 $0x88, s6;
	s7 =	simm.s32 @p2 $0x1082  }
0x22: {  	[simem:s7], [sflag:s8] =	dma.local @!p0 [hbm:s6], $0xF7A  }
0x23: {  	s9 =	sor.u32 $0xD0000000, s2;
	s6 =	simm.s32 $0x108;
	_ =	swait.ge @!p0 [sflag:s8], $0x0  }
0x24: {  	s3 =	sadd.s32 $0x88, s3;
	s6 =	simm.s32 @!p1 $0x1082;
	[sflag:s4] =	ssyncset.s32 $0xFFFFF086  }
0x25: {  	[simem:s6], [sflag:s4] =	dma.local [hbm:s3], $0xF7A  }
0x26: {  	[smem:$0x3F97] =	sst s1;
	(tag) =	ssettag s2;
	_ =	strace s9  }
0x27: {  	s1 =	sld [smem:$0x3FA7]  }
0x28: {  	s2 =	sld [smem:$0x3FA8]  }
0x29: {  	s4 =	sld [smem:$0x3FAA]  }
0x2a: {  	p0 =	seq.s32 s5, $0x0;
	s5 =	sld [smem:$0x3FAB]  }
0x2b: {  	s6 =	sld [smem:$0x3FAC]  }
0x2c: {  	s7 =	sld [smem:$0x3FAD]  }
0x2d: {  	s3 =	simm.s32 $0x108;
	s8 =	sld [smem:$0x3FAE]  }
0x2e: {  	s3 =	simm.s32 @!p0 $0x1082;
	s9 =	sld [smem:$0x3FAF]  }
0x2f: {  	lr =	sadd.s32 s0, s3;
	s0 =	sld [smem:$0x3FA6]  }
0x30: {  	s3 =	sld [smem:$0x3FA9]  }
0x31: {  	[smem:$0x3FB2] =	sst s10  }
0x32: {  	s10 =	sld [smem:$0x3FB0];
	_ =	sdelay $0x3  }
0x33: {  	p0 =	seq.s32 s10, $0x1;
	s10 =	sld [smem:$0x3FB2];
	_ =	sdelay $0x3  }
0x34: {  	[smem:$0x3FB2] =	sst s10  }
0x35: {  	s10 =	sld [smem:$0x3FB1];
	_ =	sdelay $0x3  }
0x36: {  	p1 =	seq.s32 s10, $0x1;
	s10 =	sld [smem:$0x3FB2];
	_ =	sdelay $0x3  }
0x37: {  	[smem:$0x3FB2] =	sst s10  }
0x38: {  	s10 =	sld [smem:$0x3FB3]  }
0x39: {  	_ = 	snop;
	(pc) =	sbr.ind lr, $3  }
0x3a: {  	_ = 	snop  }
0x3b: {  	_ = 	snop  }
0x3c: {  	p2 =	seq.s32 s10, $0x1;
	s10 =	sld [smem:$0x3FB2]  }
0x3d: {  	_ =	shalt  }
0x3e: {  	_ =	shalt  }
0x3f: {  	_ =	shalt  }
0x40: {  	_ =	shalt  }
0x41: {  	_ =	shalt  }
0x42: {  	_ =	shalt  }
0x43: {  	_ =	shalt  }
0x44: {  	_ =	shalt  }
0x45: {  	_ =	shalt  }
0x46: {  	_ =	shalt  }
0x47: {  	_ =	shalt  }
0x48: {  	_ =	shalt  }
0x49: {  	_ =	shalt  }
0x4a: {  	_ =	shalt  }
0x4b: {  	_ =	shalt  }
0x4c: {  	_ =	shalt  }
0x4d: {  	_ =	shalt  }
0x4e: {  	_ =	shalt  }
0x4f: {  	_ =	shalt  }
0x50: {  	_ =	shalt  }
0x51: {  	_ =	shalt  }
0x52: {  	_ =	shalt  }
0x53: {  	_ =	shalt  }
0x54: {  	_ =	shalt  }
0x55: {  	_ =	shalt  }
0x56: {  	_ =	shalt  }
0x57: {  	_ =	shalt  }
0x58: {  	_ =	shalt  }
0x59: {  	_ =	shalt  }
0x5a: {  	_ =	shalt  }
0x5b: {  	_ =	shalt  }
0x5c: {  	_ =	shalt  }
0x5d: {  	_ =	shalt  }
0x5e: {  	_ =	shalt  }
0x5f: {  	_ =	shalt  }
0x60: {  	_ =	shalt  }
0x61: {  	_ =	shalt  }
0x62: {  	_ =	shalt  }
0x63: {  	_ =	shalt  }
0x64: {  	_ =	shalt  }
0x65: {  	_ =	shalt  }
0x66: {  	_ =	shalt  }
0x67: {  	_ =	shalt  }
0x68: {  	_ =	shalt  }
0x69: {  	_ =	shalt  }
0x6a: {  	_ =	shalt  }
0x6b: {  	_ =	shalt  }
0x6c: {  	_ =	shalt  }
0x6d: {  	_ =	shalt  }
0x6e: {  	_ =	shalt  }
0x6f: {  	_ =	shalt  }
0x70: {  	_ =	shalt  }
0x71: {  	_ =	shalt  }
0x72: {  	_ =	shalt  }
0x73: {  	_ =	shalt  }
0x74: {  	_ =	shalt  }
0x75: {  	_ =	shalt  }
0x76: {  	_ =	shalt  }
0x77: {  	_ =	shalt  }
0x78: {  	_ =	shalt  }
0x79: {  	_ =	shalt  }
0x7a: {  	_ =	shalt  }
0x7b: {  	_ =	shalt  }
0x7c: {  	_ =	shalt  }
0x7d: {  	_ =	shalt  }
0x7e: {  	_ =	shalt  }
0x7f: {  	_ =	shalt  }
0x80: {  	_ =	shalt  }
0x81: {  	_ =	shalt  }
0x82: {  	_ =	shalt  }
0x83: {  	_ =	shalt  }
0x84: {  	_ =	shalt  }
0x85: {  	_ =	shalt  }
0x86: {  	_ =	shalt  }
0x87: {  	_ =	shalt  }
.Lfunc_end0:
.L_simem_size_0:
called_computation.1_lowered:
.L_overlay_start_0:
0x88: {  	s2 =	sld [smem:$0x3FD9]  }
0x89: {  	s3 =	sld [smem:$0x3FFE];
	_ =	sdelay $0x1  }
0x8a: {  	s1 =	srdreg.scid  }
0x8b: {  	s0 =	sand.u32 $0x1, s1  }
0x8c: {  	s16 =	sshll.u32 s0, $0xA;
	s2 =	sadd.s32 s3, s2  }
0x8d: {  	s2 =	sadd.s32 s2, s16  }
0x8e: {  	[smem:$0x3FBE] =	sst s2  }
0x8f: {  	_ = 	snop  }
0x90: {  	(tm) =	ssettm $0x1  }
0x91: {  	s17 =	sld [smem:$0x3FFB];
	_ =	sdelay $0x3  }
0x92: {  	_ =	strace s17  }
0x93: {  	s2 =	sld [smem:$0x3FFC];
	_ =	sdelay $0x3  }
0x94: {  	_ =	strace s2  }
0x95: {  	s2 =	sld [smem:$0x3FFD];
	_ =	sdelay $0x3  }
0x96: {  	_ =	strace s2  }
0x97: {  	_ =	strace $0x8FFFFFFF  }
0x98: {  	s18 =	sld [smem:$0x3FDB];
	_ =	sdelay $0x1  }
0x99: {  	s19 =	simm.s32 $_scs_section_size  }
0x9a: {  	s4 =	simm.s32 $_size__tile_overlayer_lowered;
	s5 =	simm.s32 $_tile_overlayer_lowered  }
0x9b: {  	s22 =	simm.s32 $0x1BFF;
	s21 =	sshll.u32 s5, $0x1;
	s2 =	sadd.s32 s19, s18  }
0x9c: {  	s6 =	simm.s32 $0x0;
	s20 =	sshll.u32 s4, $0x1;
	s4 =	sadd.s32 s21, s2  }
0x9d: {  	[timem:s6], [sflag:s22] =	dma.local [hbm:s4], s20  }
0x9e: {  	_ =	swait.ge [sflag:s22], s20  }
0x9f: {  	s3 =	ssub.s32 $0x0, s20;
	[sflag:s22] =	ssyncset.done $0x0  }
0xa0: {  	[sflag:s22] =	ssyncadd.s32 s3;
	_ =	sdelay $0x1  }
0xa1: {  	s23 =	simm.s32 $0x1B8B  }
0xa2: {  	_ =	swait.ge [sflag:s23], $0x1  }
0xa3: {  	[sflag:s23] =	ssyncset.done $0x0  }
0xa4: {  	s25 =	simm.s32 $0x1B8E;
	s24 =	sld [smem:$0x3FFE];
	[sflag:s23] =	ssyncadd.s32 $0xFFFFFFFF  }
0xa5: {  	s26 =	simm.s32 $execute0_lowered;
	[smem:$0x3FD2] =	sst s25  }
0xa6: {  	s4 =	sshll.u32 s26, $0x1;
	_ =	strace $0x80000049;
	[dreg:$0x1] =	wrdreg $0xFFFFFFFF  }
0xa7: {  	s28 =	simm.s32 $_size_execute0_lowered;
	s2 =	sadd.s32 s2, s4;
	[dreg:$0x0] =	wrdreg $0x0  }
0xa8: {  	s4 =	sshll.u32 s28, $0x1;
	[dreg:$0x2] =	wrdreg s2  }
0xa9: {  	[dreg:$0x3] =	wrdreg s4  }
0xaa: {  	[dreg:$0x4] =	wrdreg $0xC0  }
0xab: {  	_ =	task [dreg:s6], $0x5FFFF  }
0xac: {  	[dreg:$0x1] =	wrdreg $0xFFFFFFFF  }
0xad: {  	[dreg:$0x0] =	wrdreg $0x60  }
0xae: {  	[dreg:$0x2] =	wrdreg s24  }
0xaf: {  	[dreg:$0x3] =	wrdreg $0x0  }
0xb0: {  	[dreg:$0x4] =	wrdreg $0x9  }
0xb1: {  	_ =	task.clear_ibuf [dreg:s6], $0x5FFFF;
	_ =	strace $0x90000049  }
0xb2: {  	s29 =	simm.s32 $0x9;
	_ =	strace $0x8000004B  }
0xb3: {  	_ =	swait.ge [sflag:s29], $0x1  }
0xb4: {  	[sflag:s29] =	ssyncadd.s32 $0xFFFFFFFF  }
0xb5: {  	_ =	strace $0x9000004B  }
0xb6: {  	_ =	sfence  }
0xb7: {  	s30 =	sld [smem:$0x0];
	_ =	sdelay $0x2  }
0xb8: {  	s31 =	sshll.u32 s1, $0xD;
	s1 =	sshrl.u32 s1, $0x2  }
0xb9: {  	s3 =	sand.u32 $0x4000, s31;
	s1 =	sadd.s32 s1, s30  }
0xba: {  	s0 =	sor.u32 s3, s0;
	s1 =	sshll.u32 s1, $0x11  }
0xbb: {  	s0 =	sor.u32 s1, s0  }
0xbc: {  	s0 =	sadd.s32 $0x8F2B, s0  }
0xbd: {  	[sflag:s0] =	ssyncadd.remote.s32 $0x1  }
0xbe: {  	_ =	sfence.sel $0xFFFF  }
0xbf: {  	[dreg:$0x0] =	wrdreg $0xFFFFFFFF;
	(pc) =	sbr.abs _section_cstart, $3  }
0xc0: {  	[dreg:$0x1] =	wrdreg $0xFFFFFFFF  }
0xc1: {  	_ =	task.clear_ibuf [dreg:s6], $0x2FFFF;
	_ =	strace $0x9FFFFFFF  }
0xc2: {  	(tm) =	ssettm $0x7FFFFFFF  }
0xc3: {  	_ =	shalt  }
tec
execute0_lowered:
.L_overlay_start_1:
0x0: {  	(tag) =	ssettag $0x1  }
0x1: {  	s5 =	rddreg [dreg:$0x0]  }
0x2: {  	s2 =	rddreg [dreg:$0x1]  }
0x3: {  	s0 =	rddreg [dreg:$0x2];
	s3 =	simm.s32 $0x0;
	s1 =	stileid.u32  }
0x4: {  	s4 =	srdreg.scid;
	s20 =	simm.s32 $0x14000;
	s21 =	simm.s32 $0x14080  }
0x5: {  	s22 =	simm.s32 $0x80;
	[smem:$0x7FF] =	sst s3;
	s6 =	smul.u32 $0x500, s1  }
0x6: {  	s7 =	sand.u32 $0x1, s4;
	s9 =	smul.u32 $0x280, s1;
	s4 =	sadd.s32 $0x7800, s5  }
0x7: {  	s10 =	smul.u32 $0x50000, s1;
	s14 =	sadd.s32 $0xAC800, s5;
	_ =	strace $0x8000004A  }
0x8: {  	s8 =	ssub.s32 $0x2, s7;
	s23 =	smul.u32 $0x2800, s7;
	s17 =	sadd.s32 s6, s5  }
0x9: {  	s24 =	sshrl.u32 s8, $0x1;
	s25 =	sshrl.u32 s10, $0x2;
	s26 =	sadd.s32 $0x80, s9  }
0xa: {  	s12 =	sadd.s32 $0x100, s9;
	s13 =	sadd.s32 $0x180, s9;
	s16 =	sadd.s32 $0x200, s9  }
0xb: {  	s15 =	ssub.s32 s8, s24;
	s5 =	sadd.s32 s25, s2;
	s28 =	sshll.u32 s26, $0x7  }
0xc: {  	s29 =	sshll.u32 s12, $0x7;
	s30 =	sshll.u32 s13, $0x7;
	s9 =	sadd.s32 s9, s23  }
0xd: {  	s11 =	sshll.u32 s16, $0x7;
	s19 =	sadd.s32 s23, s26;
	s12 =	sadd.s32 s23, s12  }
0xe: {  	s13 =	sadd.s32 s23, s13;
	s16 =	sadd.s32 s23, s16;
	v0 =	vmov s23;
	s23 =	simm.s32 $0x14100  }
0xf: {  	s24 =	simm.s32 $0x1;
	s25 =	simm.s32 $0x0;
	s6 =	sadd.s32 s28, s2  }
0x10: {  	s7 =	sadd.s32 s29, s2;
	s8 =	sadd.s32 s30, s2;
	s18 =	sshll.u32 s9, $0x4  }
0x11: {  	s9 =	sadd.s32 s11, s2;
	s31 =	sshll.u32 s19, $0x4;
	s12 =	sshll.u32 s12, $0x4  }
0x12: {  	s13 =	sshll.u32 s13, $0x4;
	s16 =	sshll.u32 s16, $0x4;
	s15 =	smax.u32 s15, $0x1  }
0x13: {  	s19 =	simm.s32 $0x2;
	s10 =	sadd.s32 s14, s18;
	s11 =	sadd.s32 s14, s31  }
0x14: {  	s12 =	sadd.s32 s14, s12;
	s13 =	sadd.s32 s14, s13;
	s14 =	sadd.s32 s14, s16  }
0x15: {  	v1 =	vimm.f32 $0.0e+00;
	s16 =	sadd.s32 $0x2800, s17;
	s17 =	sadd.s32 $0x57800, s17;
	s18 =	simm.s32 $0x18100  }
.LBB2_1:
0x16: {  	s26 =	simm.s32 $0x0;
	s28 =	simm.s32 $0x200  }
.LBB2_2:
0x17: {  	p0 =	sne.s32 s28, $0xFE00;
	[tilespmem:s26+$0x18170] =	vst v1  }
0x18: {  	[tilespmem:s26+$0x18100] =	vst v1  }
0x19: {  	[tilespmem:s26+$0x18110] =	vst v1  }
.Ltmp0:
0x1a: {  	[tilespmem:s26+$0x18120] =	vst v1;
	(pc) =	sbr.rel @p0 .LBB2_2-.Ltmp0, $4  }
0x1b: {  	[tilespmem:s26+$0x18130] =	vst v1  }
0x1c: {  	[tilespmem:s26+$0x18140] =	vst v1  }
0x1d: {  	[tilespmem:s26+$0x18150] =	vst v1  }
0x1e: {  	[tilespmem:s26+$0x18160] =	vst v1;
	s26 =	sshra.s32 s28, $0x2;
	s28 =	sadd.s32 $0x200, s28  }
0x1f: {  	[tilespmem:s26+$0x18170] =	vst v1  }
0x20: {  	[tilespmem:s26+$0x18100] =	vst v1  }
0x21: {  	[tilespmem:s26+$0x18110] =	vst v1  }
0x22: {  	[tilespmem:s26+$0x18120] =	vst v1  }
0x23: {  	[tilespmem:s26+$0x18130] =	vst v1  }
0x24: {  	[tilespmem:s26+$0x18140] =	vst v1  }
0x25: {  	[tilespmem:s26+$0x18150] =	vst v1  }
0x26: {  	[tilespmem:s26+$0x18160] =	vst v1  }
0x27: {  	[spmem:s5] =	stream.linear.scatter [tilespmem:s18], [sflag:$0x2], $0x4000, $0x38;
	[tilespmem:$0x1C100] =	vst v63  }
0x28: {  	_ =	swait.ge [sflag:s19], $0x4000  }
0x29: {  	[sflag:s19] =	ssyncset.done $0x0  }
0x2a: {  	[sflag:s19] =	ssyncadd.s32 $0xFFFFC000  }
0x2b: {  	[spmem:s6] =	stream.linear.scatter [tilespmem:s18], [sflag:$0x2], $0x4000, $0x38;
	[tilespmem:$0x1C100] =	vst v63  }
0x2c: {  	_ =	swait.ge [sflag:s19], $0x4000  }
0x2d: {  	[sflag:s19] =	ssyncset.done $0x0  }
0x2e: {  	[sflag:s19] =	ssyncadd.s32 $0xFFFFC000  }
0x2f: {  	[spmem:s7] =	stream.linear.scatter [tilespmem:s18], [sflag:$0x2], $0x4000, $0x38;
	[tilespmem:$0x1C100] =	vst v63  }
0x30: {  	_ =	swait.ge [sflag:s19], $0x4000  }
0x31: {  	[sflag:s19] =	ssyncset.done $0x0  }
0x32: {  	[sflag:s19] =	ssyncadd.s32 $0xFFFFC000  }
0x33: {  	[spmem:s8] =	stream.linear.scatter [tilespmem:s18], [sflag:$0x2], $0x4000, $0x38;
	[tilespmem:$0x1C100] =	vst v63  }
0x34: {  	_ =	swait.ge [sflag:s19], $0x4000  }
0x35: {  	[sflag:s19] =	ssyncset.done $0x0  }
0x36: {  	[sflag:s19] =	ssyncadd.s32 $0xFFFFC000  }
0x37: {  	[spmem:s9] =	stream.linear.scatter [tilespmem:s18], [sflag:$0x2], $0x4000, $0x38;
	[tilespmem:$0x1C100] =	vst v63  }
0x38: {  	_ =	swait.ge [sflag:s19], $0x4000  }
0x39: {  	[sflag:s19] =	ssyncset.done $0x0  }
0x3a: {  	[sflag:s19] =	ssyncadd.s32 $0xFFFFC000  }
0x3b: {  	s30 =	sadd.s32 $0x0, s17;
	[bflag:$0x0] =	sbarrier.arrive $0xFFFF  }
0x3c: {  	[tilespmem:s20], [sflag:$0x2] =	stream.linear.gather [hbm4b:s30+s3], $0x80, $0x38;
	[tilespmem:$0x1C100] =	vst v63  }
0x3d: {  	_ =	swait.ge [sflag:s19], $0x80  }
0x3e: {  	[sflag:s19] =	ssyncset.done $0x0  }
0x3f: {  	s31 =	sadd.s32 $0x0, s16;
	[sflag:s19] =	ssyncadd.s32 $0xFFFFFF80  }
0x40: {  	[tilespmem:s21], [sflag:$0x2] =	stream.linear.gather [hbm4b:s31+s3], $0x80, $0x38;
	[tilespmem:$0x1C100] =	vst v63  }
0x41: {  	_ =	swait.ge [sflag:s19], $0x80  }
0x42: {  	[sflag:s19] =	ssyncset.done $0x0  }
0x43: {  	[sflag:s19] =	ssyncadd.s32 $0xFFFFFF80  }
0x44: {  	v2 =	vld [tilespmem:$0x14070]  }
0x45: {  	v3 =	vld [tilespmem:$0x14030]  }
0x46: {  	v6 =	vld [tilespmem:$0x14020]  }
0x47: {  	v4 =	vld [tilespmem:$0x14050]  }
0x48: {  	v5 =	vld [tilespmem:$0x14060]  }
0x49: {  	v7 =	vld [tilespmem:$0x14010];
	v2 =	vadd.s32 v0, v2  }
0x4a: {  	v8 =	vld [tilespmem:$0x14040];
	v3 =	vadd.s32 v0, v3;
	[tilespmem:$0x14070] =	vst v2  }
0x4b: {  	v63 =	vadd.s32 v0, v6;
	v2 =	vld [tilespmem:$0x14000];
	[tilespmem:$0x14030] =	vst v3  }
0x4c: {  	v3 =	vadd.s32 v0, v4;
	[tilespmem:$0x14020] =	vst v63  }
0x4d: {  	[tilespmem:$0x14050] =	vst v3;
	v3 =	vadd.s32 v0, v5  }
0x4e: {  	[tilespmem:$0x14060] =	vst v3;
	v3 =	vadd.s32 v0, v7  }
0x4f: {  	[tilespmem:$0x14010] =	vst v3;
	v3 =	vadd.s32 v0, v8  }
0x50: {  	[tilespmem:$0x14040] =	vst v3;
	v2 =	vadd.s32 v0, v2  }
0x51: {  	s26 =	simm.s32 $0x10;
	[tilespmem:$0x14000] =	vst v2  }
.LBB2_4:
0x52: {  	[tilespmem:s23], [sflag:$0x1] =	stream.indirect.gather [hbm4b:s4+s22], $0x80, s20, s22, $0xb8;
	[tilespmem:$0x1C100] =	vst v63  }
0x53: {  	s28 =	smov.u32 s26  }
0x54: {  	p0 =	sne.s32 s26, $0x4F0;
	s26 =	sadd.s32 $0x10, s26;
	_ =	swait.ge [sflag:s24], $0x4000  }
0x55: {  	[sflag:s24] =	ssyncset.done $0x0  }
0x56: {  	[sflag:s24] =	ssyncadd.s32 $0xFFFFC000  }
0x57: {  	[spmem:s2] =	stream.indirect.scatter.add.f32 [tilespmem:s23], [sflag:$0x2], $0x80, s21, s22, $0xb8;
	[tilespmem:$0x1C100] =	vst v63  }
0x58: {  	_ =	swait.ge [sflag:s19], $0x4000  }
0x59: {  	[sflag:s19] =	ssyncset.done $0x0  }
0x5a: {  	s29 =	sadd.s32 s28, s17;
	[sflag:s19] =	ssyncadd.s32 $0xFFFFC000  }
0x5b: {  	[tilespmem:s20], [sflag:$0x2] =	stream.linear.gather [hbm4b:s29+s3], $0x80, $0x38;
	[tilespmem:$0x1C100] =	vst v63  }
0x5c: {  	_ =	swait.ge [sflag:s19], $0x80  }
0x5d: {  	[sflag:s19] =	ssyncset.done $0x0  }
0x5e: {  	s28 =	sadd.s32 s28, s16;
	[sflag:s19] =	ssyncadd.s32 $0xFFFFFF80  }
0x5f: {  	[tilespmem:s21], [sflag:$0x2] =	stream.linear.gather [hbm4b:s28+s3], $0x80, $0x38;
	[tilespmem:$0x1C100] =	vst v63  }
0x60: {  	_ =	swait.ge [sflag:s19], $0x80  }
0x61: {  	[sflag:s19] =	ssyncset.done $0x0  }
0x62: {  	[sflag:s19] =	ssyncadd.s32 $0xFFFFFF80  }
0x63: {  	v2 =	vld [tilespmem:$0x14070]  }
0x64: {  	v3 =	vld [tilespmem:$0x14030]  }
0x65: {  	v4 =	vld [tilespmem:$0x14050]  }
0x66: {  	v5 =	vld [tilespmem:$0x14060]  }
0x67: {  	v6 =	vld [tilespmem:$0x14020]  }
0x68: {  	v7 =	vld [tilespmem:$0x14010];
	v2 =	vadd.s32 v0, v2  }
0x69: {  	v3 =	vadd.s32 v0, v3;
	v8 =	vld [tilespmem:$0x14040];
	[tilespmem:$0x14070] =	vst v2  }
0x6a: {  	v2 =	vld [tilespmem:$0x14000];
	[tilespmem:$0x14030] =	vst v3;
	v3 =	vadd.s32 v0, v4  }
0x6b: {  	[tilespmem:$0x14050] =	vst v3;
	v3 =	vadd.s32 v0, v5  }
.Ltmp1:
0x6c: {  	v4 =	vadd.s32 v0, v6;
	[tilespmem:$0x14060] =	vst v3;
	(pc) =	sbr.rel @p0 .LBB2_4-.Ltmp1, $4  }
0x6d: {  	v3 =	vadd.s32 v0, v7;
	[tilespmem:$0x14020] =	vst v4  }
0x6e: {  	[tilespmem:$0x14010] =	vst v3;
	v3 =	vadd.s32 v0, v8  }
0x6f: {  	v2 =	vadd.s32 v0, v2;
	[tilespmem:$0x14040] =	vst v3  }
0x70: {  	[tilespmem:$0x14000] =	vst v2  }
0x71: {  	[tilespmem:s23], [sflag:$0x1] =	stream.indirect.gather [hbm4b:s4+s22], $0x80, s20, s22, $0xb8;
	[tilespmem:$0x1C100] =	vst v63  }
0x72: {  	_ =	swait.ge [sflag:s24], $0x4000  }
0x73: {  	[sflag:s24] =	ssyncset.done $0x0  }
0x74: {  	[sflag:s24] =	ssyncadd.s32 $0xFFFFC000  }
0x75: {  	[spmem:s2] =	stream.indirect.scatter.add.f32 [tilespmem:s23], [sflag:$0x2], $0x80, s21, s22, $0xb8;
	[tilespmem:$0x1C100] =	vst v63  }
0x76: {  	_ =	swait.ge [sflag:s19], $0x4000  }
0x77: {  	[sflag:s19] =	ssyncset.done $0x0  }
0x78: {  	s26 =	sshll.u32 s1, $0x6;
	[sflag:s19] =	ssyncadd.s32 $0xFFFFC000  }
0x79: {  	s28 =	sshrl.u32 s5, $0x3;
	s26 =	sor.u32 $0x1C02, s26;
	[bflag:$0x0] =	sbarrier.arrive $0xFFFF  }
0x7a: {  	[hbm:s10], [sflag:s26] =	dma.local [spmem:s28], $0x800  }
0x7b: {  	_ =	swait.ge [sflag:s19], $0x800  }
0x7c: {  	[sflag:s19] =	ssyncset.done $0x0  }
0x7d: {  	s31 =	sshrl.u32 s6, $0x3;
	[sflag:s19] =	ssyncadd.s32 $0xFFFFF800  }
0x7e: {  	[hbm:s11], [sflag:s26] =	dma.local [spmem:s31], $0x800  }
0x7f: {  	_ =	swait.ge [sflag:s19], $0x800  }
0x80: {  	[sflag:s19] =	ssyncset.done $0x0  }
0x81: {  	s29 =	sshrl.u32 s7, $0x3;
	[sflag:s19] =	ssyncadd.s32 $0xFFFFF800  }
0x82: {  	[hbm:s12], [sflag:s26] =	dma.local [spmem:s29], $0x800  }
0x83: {  	_ =	swait.ge [sflag:s19], $0x800  }
0x84: {  	[sflag:s19] =	ssyncset.done $0x0  }
0x85: {  	s30 =	sshrl.u32 s8, $0x3;
	[sflag:s19] =	ssyncadd.s32 $0xFFFFF800  }
0x86: {  	[hbm:s13], [sflag:s26] =	dma.local [spmem:s30], $0x800  }
0x87: {  	s25 =	sadd.s32 $0x1, s25;
	_ =	swait.ge [sflag:s19], $0x800  }
0x88: {  	p0 =	sne.s32 s25, s15;
	[sflag:s19] =	ssyncset.done $0x0  }
.Ltmp2:
0x89: {  	s31 =	sshrl.u32 s9, $0x3;
	[sflag:s19] =	ssyncadd.s32 $0xFFFFF800;
	(pc) =	sbr.rel @p0 .LBB2_1-.Ltmp2, $4  }
0x8a: {  	[hbm:s14], [sflag:s26] =	dma.local [spmem:s31], $0x800  }
0x8b: {  	_ =	swait.ge [sflag:s19], $0x800  }
0x8c: {  	[sflag:s19] =	ssyncset.done $0x0  }
0x8d: {  	[sflag:s19] =	ssyncadd.s32 $0xFFFFF800  }
0x8e: {  	_ =	sfence.sel $0x180000  }
0x8f: {  	[bflag:$0x0] =	sbarrier.arrive $0xFFFF  }
0x90: {  	p0 =	sne.s32 s1, $0x0;
	_ =	strace $0x9000004A  }
0x91: {  	s0 =	sadd.s32 @!p0 $0x100000, s0;
	[bflag:$0x2] =	sbarrier.arrive $0xFFFF  }
0x92: {  	[sflag:s0] =	ssyncadd.tile.s32 @!p0 $0x1;
	_ =	shalt  }
.Lfunc_end2:
_tile_overlayer_lowered:
.L_overlay_start_2:
0x93: {  	(tag) =	ssettag $0x2  }
0x94: {  	s0 =	rddreg [dreg:$0x0];
	s2 =	stileid.u32  }
0x95: {  	s1 =	rddreg [dreg:$0x1];
	p0 =	sne.s32 s2, $0x0  }
0x96: {  	s3 =	rddreg [dreg:$0x2];
	[bflag:$0x3] =	sbarrier.arrive $0xFFFF;
	s2 =	simm.s32 @!p0 $0x1C02  }
0x97: {  	[timem:s3], [sflag:s2] =	dma.local @!p0 [hbm:s0], s1  }
0x98: {  	s0 =	simm.s32 @!p0 $0x2  }
0x99: {  	_ =	swait.ge @!p0 [sflag:s0], s1  }
0x9a: {  	s1 =	ssub.s32 @!p0 $0x0, s1;
	[sflag:s0] =	ssyncset.done @!p0 $0x0  }
0x9b: {  	[sflag:s0] =	ssyncadd.s32 @!p0 s1  }
0x9c: {  	[bflag:$0x3] =	sbarrier.arrive $0xFFFF  }
0x9d: {  	_ =	shalt  }

// kernel: kernel.14.cloned.1.call-start
scs
__scs_entry_jumppad:
0x0: {  	(pc) =	sbr.rel $0x88, $3  }
0x1: {  	(tag) =	ssettag $0x0;
	lr =	simm.s32 $0x1  }
0x2: {  	[smem:$0x3F97] =	sst lr;
	_ =	strace $0xD0000000  }
0x3: {  	_ = 	snop  }
0x4: {  	_ = 	snop  }
0x5: {  	_ = 	snop  }
0x6: {  	_ = 	snop  }
0x7: {  	_ = 	snop  }
__scs_overlays_trampoline_lowered:
0x8: {  	[smem:$0x3FA6] =	sst s0  }
0x9: {  	[smem:$0x3FA7] =	sst s1  }
0xa: {  	[smem:$0x3FA8] =	sst s2  }
0xb: {  	[smem:$0x3FA9] =	sst s3  }
0xc: {  	[smem:$0x3FAA] =	sst s4  }
0xd: {  	[smem:$0x3FAB] =	sst s5  }
0xe: {  	[smem:$0x3FAC] =	sst s6  }
0xf: {  	[smem:$0x3FAD] =	sst s7  }
0x10: {  	[smem:$0x3FAE] =	sst s8  }
0x11: {  	[smem:$0x3FAF] =	sst s9;
	s0 =	simm.s32 @!p0 $0x0  }
0x12: {  	s1 =	sld [smem:$0x3F95];
	s0 =	simm.s32 @p0 $0x1  }
0x13: {  	[smem:$0x3FB0] =	sst s0;
	s0 =	simm.s32 @!p1 $0x0  }
0x14: {  	s2 =	sld [smem:$0x3F94];
	s0 =	simm.s32 @p1 $0x1  }
0x15: {  	[smem:$0x3FB1] =	sst s0;
	s0 =	simm.s32 @!p2 $0x0  }
0x16: {  	s3 =	sld [smem:$0x3FDB];
	s0 =	simm.s32 @p2 $0x1  }
0x17: {  	s4 =	simm.s32 $0x1BF5;
	[smem:$0x3FB3] =	sst s0  }
0x18: {  	s0 =	sld [smem:$0x3F96];
	_ =	swait.ge [sflag:s4], $0x0  }
0x19: {  	s7 =	sld [smem:$0x3F97]  }
0x1a: {  	s8 =	sadd.s32 $0xFFFFE003, lr  }
0x1b: {  	s9 =	sadd.s32 $0xFFFFFEF7, lr;
	s5 =	simm.s32 $0xFFFFFFFF;
	p2 =	slt.u32 s8, $0xFFFFF086  }
0x1c: {  	p1 =	slt.u32 s9, $0xF7A;
	s5 =	simm.s32 @!p2 $0x0  }
0x1d: {  	s5 =	simm.s32 @p1 $0x1;
	p0 =	seq.s32 s7, s2  }
0x1e: {  	s7 =	smul.u32 @!p0 $0xF7A, s2;
	p2 =	seq.s32 @!p0 s5, $0x0  }
0x1f: {  	s9 =	smul.u32 $0xF7A, s1;
	s8 =	simm.s32 @!p0 $0x1BF5;
	p2 =	por !p2, p0  }
0x20: {  	[sflag:s8] =	ssyncset.s32 @!p0 $0xFFFFF086;
	s6 =	sadd.s32 @!p0 s3, s7;
	s7 =	simm.s32 @!p0 $0x108  }
0x21: {  	s3 =	sadd.s32 s3, s9;
	s6 =	sadd.s32 @!p0 $0x88, s6;
	s7 =	simm.s32 @p2 $0x1082  }
0x22: {  	[simem:s7], [sflag:s8] =	dma.local @!p0 [hbm:s6], $0xF7A  }
0x23: {  	s9 =	sor.u32 $0xD0000000, s2;
	s6 =	simm.s32 $0x108;
	_ =	swait.ge @!p0 [sflag:s8], $0x0  }
0x24: {  	s3 =	sadd.s32 $0x88, s3;
	s6 =	simm.s32 @!p1 $0x1082;
	[sflag:s4] =	ssyncset.s32 $0xFFFFF086  }
0x25: {  	[simem:s6], [sflag:s4] =	dma.local [hbm:s3], $0xF7A  }
0x26: {  	[smem:$0x3F97] =	sst s1;
	(tag) =	ssettag s2;
	_ =	strace s9  }
0x27: {  	s1 =	sld [smem:$0x3FA7]  }
0x28: {  	s2 =	sld [smem:$0x3FA8]  }
0x29: {  	s4 =	sld [smem:$0x3FAA]  }
0x2a: {  	p0 =	seq.s32 s5, $0x0;
	s5 =	sld [smem:$0x3FAB]  }
0x2b: {  	s6 =	sld [smem:$0x3FAC]  }
0x2c: {  	s7 =	sld [smem:$0x3FAD]  }
0x2d: {  	s3 =	simm.s32 $0x108;
	s8 =	sld [smem:$0x3FAE]  }
0x2e: {  	s3 =	simm.s32 @!p0 $0x1082;
	s9 =	sld [smem:$0x3FAF]  }
0x2f: {  	lr =	sadd.s32 s0, s3;
	s0 =	sld [smem:$0x3FA6]  }
0x30: {  	s3 =	sld [smem:$0x3FA9]  }
0x31: {  	[smem:$0x3FB2] =	sst s10  }
0x32: {  	s10 =	sld [smem:$0x3FB0];
	_ =	sdelay $0x3  }
0x33: {  	p0 =	seq.s32 s10, $0x1;
	s10 =	sld [smem:$0x3FB2];
	_ =	sdelay $0x3  }
0x34: {  	[smem:$0x3FB2] =	sst s10  }
0x35: {  	s10 =	sld [smem:$0x3FB1];
	_ =	sdelay $0x3  }
0x36: {  	p1 =	seq.s32 s10, $0x1;
	s10 =	sld [smem:$0x3FB2];
	_ =	sdelay $0x3  }
0x37: {  	[smem:$0x3FB2] =	sst s10  }
0x38: {  	s10 =	sld [smem:$0x3FB3]  }
0x39: {  	_ = 	snop;
	(pc) =	sbr.ind lr, $3  }
0x3a: {  	_ = 	snop  }
0x3b: {  	_ = 	snop  }
0x3c: {  	p2 =	seq.s32 s10, $0x1;
	s10 =	sld [smem:$0x3FB2]  }
0x3d: {  	_ =	shalt  }
0x3e: {  	_ =	shalt  }
0x3f: {  	_ =	shalt  }
0x40: {  	_ =	shalt  }
0x41: {  	_ =	shalt  }
0x42: {  	_ =	shalt  }
0x43: {  	_ =	shalt  }
0x44: {  	_ =	shalt  }
0x45: {  	_ =	shalt  }
0x46: {  	_ =	shalt  }
0x47: {  	_ =	shalt  }
0x48: {  	_ =	shalt  }
0x49: {  	_ =	shalt  }
0x4a: {  	_ =	shalt  }
0x4b: {  	_ =	shalt  }
0x4c: {  	_ =	shalt  }
0x4d: {  	_ =	shalt  }
0x4e: {  	_ =	shalt  }
0x4f: {  	_ =	shalt  }
0x50: {  	_ =	shalt  }
0x51: {  	_ =	shalt  }
0x52: {  	_ =	shalt  }
0x53: {  	_ =	shalt  }
0x54: {  	_ =	shalt  }
0x55: {  	_ =	shalt  }
0x56: {  	_ =	shalt  }
0x57: {  	_ =	shalt  }
0x58: {  	_ =	shalt  }
0x59: {  	_ =	shalt  }
0x5a: {  	_ =	shalt  }
0x5b: {  	_ =	shalt  }
0x5c: {  	_ =	shalt  }
0x5d: {  	_ =	shalt  }
0x5e: {  	_ =	shalt  }
0x5f: {  	_ =	shalt  }
0x60: {  	_ =	shalt  }
0x61: {  	_ =	shalt  }
0x62: {  	_ =	shalt  }
0x63: {  	_ =	shalt  }
0x64: {  	_ =	shalt  }
0x65: {  	_ =	shalt  }
0x66: {  	_ =	shalt  }
0x67: {  	_ =	shalt  }
0x68: {  	_ =	shalt  }
0x69: {  	_ =	shalt  }
0x6a: {  	_ =	shalt  }
0x6b: {  	_ =	shalt  }
0x6c: {  	_ =	shalt  }
0x6d: {  	_ =	shalt  }
0x6e: {  	_ =	shalt  }
0x6f: {  	_ =	shalt  }
0x70: {  	_ =	shalt  }
0x71: {  	_ =	shalt  }
0x72: {  	_ =	shalt  }
0x73: {  	_ =	shalt  }
0x74: {  	_ =	shalt  }
0x75: {  	_ =	shalt  }
0x76: {  	_ =	shalt  }
0x77: {  	_ =	shalt  }
0x78: {  	_ =	shalt  }
0x79: {  	_ =	shalt  }
0x7a: {  	_ =	shalt  }
0x7b: {  	_ =	shalt  }
0x7c: {  	_ =	shalt  }
0x7d: {  	_ =	shalt  }
0x7e: {  	_ =	shalt  }
0x7f: {  	_ =	shalt  }
0x80: {  	_ =	shalt  }
0x81: {  	_ =	shalt  }
0x82: {  	_ =	shalt  }
0x83: {  	_ =	shalt  }
0x84: {  	_ =	shalt  }
0x85: {  	_ =	shalt  }
0x86: {  	_ =	shalt  }
0x87: {  	_ =	shalt  }
.Lfunc_end0:
.L_simem_size_0:
called_computation.2_lowered:
.L_overlay_start_0:
0x88: {  	s2 =	sld [smem:$0x3FD9]  }
0x89: {  	s3 =	sld [smem:$0x3FFE];
	_ =	sdelay $0x1  }
0x8a: {  	s1 =	srdreg.scid  }
0x8b: {  	s0 =	sand.u32 $0x1, s1  }
0x8c: {  	s16 =	sshll.u32 s0, $0xA;
	s2 =	sadd.s32 s3, s2  }
0x8d: {  	s2 =	sadd.s32 s2, s16  }
0x8e: {  	[smem:$0x3FBE] =	sst s2  }
0x8f: {  	_ = 	snop  }
0x90: {  	(tm) =	ssettm $0x1  }
0x91: {  	s17 =	sld [smem:$0x3FFB];
	_ =	sdelay $0x3  }
0x92: {  	_ =	strace s17  }
0x93: {  	s2 =	sld [smem:$0x3FFC];
	_ =	sdelay $0x3  }
0x94: {  	_ =	strace s2  }
0x95: {  	s2 =	sld [smem:$0x3FFD];
	_ =	sdelay $0x3  }
0x96: {  	_ =	strace s2  }
0x97: {  	_ =	strace $0x8FFFFFFF  }
0x98: {  	s18 =	sld [smem:$0x3FDB];
	_ =	sdelay $0x1  }
0x99: {  	s19 =	simm.s32 $_scs_section_size  }
0x9a: {  	s4 =	simm.s32 $_size__tile_overlayer_lowered;
	s5 =	simm.s32 $_tile_overlayer_lowered  }
0x9b: {  	s22 =	simm.s32 $0x1BFF;
	s21 =	sshll.u32 s5, $0x1;
	s2 =	sadd.s32 s19, s18  }
0x9c: {  	s6 =	simm.s32 $0x0;
	s20 =	sshll.u32 s4, $0x1;
	s4 =	sadd.s32 s21, s2  }
0x9d: {  	[timem:s6], [sflag:s22] =	dma.local [hbm:s4], s20  }
0x9e: {  	_ =	swait.ge [sflag:s22], s20  }
0x9f: {  	s3 =	ssub.s32 $0x0, s20;
	[sflag:s22] =	ssyncset.done $0x0  }
0xa0: {  	[sflag:s22] =	ssyncadd.s32 s3;
	_ =	sdelay $0x1  }
0xa1: {  	s23 =	simm.s32 $0x1B8B  }
0xa2: {  	_ =	swait.ge [sflag:s23], $0x1  }
0xa3: {  	[sflag:s23] =	ssyncset.done $0x0  }
0xa4: {  	s25 =	simm.s32 $0x1B8E;
	s24 =	sld [smem:$0x3FFE];
	[sflag:s23] =	ssyncadd.s32 $0xFFFFFFFF  }
0xa5: {  	s26 =	simm.s32 $execute0_lowered;
	[smem:$0x3FD2] =	sst s25  }
0xa6: {  	s4 =	sshll.u32 s26, $0x1;
	_ =	strace $0x8000004C;
	[dreg:$0x1] =	wrdreg $0xFFFFFFFF  }
0xa7: {  	s28 =	simm.s32 $_size_execute0_lowered;
	s2 =	sadd.s32 s2, s4;
	[dreg:$0x0] =	wrdreg $0x0  }
0xa8: {  	s4 =	sshll.u32 s28, $0x1;
	[dreg:$0x2] =	wrdreg s2  }
0xa9: {  	[dreg:$0x3] =	wrdreg s4  }
0xaa: {  	[dreg:$0x4] =	wrdreg $0xC0  }
0xab: {  	_ =	task [dreg:s6], $0x5FFFF  }
0xac: {  	[dreg:$0x1] =	wrdreg $0xFFFFFFFF  }
0xad: {  	[dreg:$0x0] =	wrdreg $0x60  }
0xae: {  	[dreg:$0x2] =	wrdreg s24  }
0xaf: {  	[dreg:$0x3] =	wrdreg $0x0  }
0xb0: {  	[dreg:$0x4] =	wrdreg $0x9  }
0xb1: {  	_ =	task.clear_ibuf [dreg:s6], $0x5FFFF;
	_ =	strace $0x9000004C  }
0xb2: {  	s29 =	simm.s32 $0x9;
	_ =	strace $0x8000004E  }
0xb3: {  	_ =	swait.ge [sflag:s29], $0x1  }
0xb4: {  	[sflag:s29] =	ssyncadd.s32 $0xFFFFFFFF  }
0xb5: {  	_ =	strace $0x9000004E  }
0xb6: {  	_ =	sfence  }
0xb7: {  	s30 =	sld [smem:$0x0];
	_ =	sdelay $0x2  }
0xb8: {  	s31 =	sshll.u32 s1, $0xD;
	s1 =	sshrl.u32 s1, $0x2  }
0xb9: {  	s3 =	sand.u32 $0x4000, s31;
	s1 =	sadd.s32 s1, s30  }
0xba: {  	s0 =	sor.u32 s3, s0;
	s1 =	sshll.u32 s1, $0x11  }
0xbb: {  	s0 =	sor.u32 s1, s0  }
0xbc: {  	s0 =	sadd.s32 $0x8F2B, s0  }
0xbd: {  	[sflag:s0] =	ssyncadd.remote.s32 $0x1  }
0xbe: {  	_ =	sfence.sel $0xFFFF  }
0xbf: {  	[dreg:$0x0] =	wrdreg $0xFFFFFFFF;
	(pc) =	sbr.abs _section_cstart, $3  }
0xc0: {  	[dreg:$0x1] =	wrdreg $0xFFFFFFFF  }
0xc1: {  	_ =	task.clear_ibuf [dreg:s6], $0x2FFFF;
	_ =	strace $0x9FFFFFFF  }
0xc2: {  	(tm) =	ssettm $0x7FFFFFFF  }
0xc3: {  	_ =	shalt  }
tec
execute0_lowered:
.L_overlay_start_1:
0x0: {  	(tag) =	ssettag $0x1  }
0x1: {  	s0 =	rddreg [dreg:$0x0]  }
0x2: {  	s2 =	rddreg [dreg:$0x1];
	s3 =	simm.s32 $0x0  }
0x3: {  	s6 =	stileid.u32;
	s5 =	srdreg.scid;
	s28 =	simm.s32 $0x80  }
0x4: {  	s31 =	simm.s32 $0x0;
	[smem:$0x7FF] =	sst s3;
	s1 =	smul.u32 $0x500, s6  }
0x5: {  	s4 =	sadd.s32 $0xAC800, s0;
	s7 =	sand.u32 $0x1, s5;
	s10 =	smul.u32 $0x280, s6  }
0x6: {  	s6 =	smul.u32 $0x50000, s6;
	_ =	strace $0x8000004D;
	s5 =	ssub.s32 $0x2, s7  }
0x7: {  	s29 =	smul.u32 $0x5000, s7;
	s1 =	sadd.s32 s1, s0;
	s0 =	sadd.s32 $0x1EC800, s0  }
0x8: {  	s8 =	sshrl.u32 s5, $0x1;
	s11 =	sadd.s32 $0x80, s10;
	s21 =	sshrl.u32 s6, $0x2  }
0x9: {  	s13 =	sadd.s32 $0x100, s10;
	s14 =	sadd.s32 $0x180, s10;
	s17 =	sadd.s32 $0x200, s10  }
0xa: {  	s12 =	ssub.s32 s5, s8;
	s22 =	sshll.u32 s11, $0x7;
	s5 =	sadd.s32 s21, s2  }
0xb: {  	s23 =	sshll.u32 s13, $0x7;
	s24 =	sshll.u32 s14, $0x7;
	s9 =	sshll.u32 s17, $0x7  }
0xc: {  	s15 =	sadd.s32 s10, s29;
	s16 =	sadd.s32 s29, s11;
	s26 =	sadd.s32 s29, s13  }
0xd: {  	s19 =	sadd.s32 s29, s14;
	s30 =	sadd.s32 $0x2800, s29;
	s21 =	sadd.s32 s29, s17  }
0xe: {  	v0 =	vmov s29;
	s29 =	simm.s32 $0x14100;
	s6 =	sadd.s32 s22, s2;
	s7 =	sadd.s32 s23, s2  }
0xf: {  	s8 =	sadd.s32 s24, s2;
	s9 =	sadd.s32 s9, s2;
	s15 =	sshll.u32 s15, $0x4  }
0x10: {  	s25 =	sshll.u32 s16, $0x4;
	s18 =	sshll.u32 s26, $0x4;
	s20 =	sshll.u32 s19, $0x4  }
0x11: {  	s10 =	sadd.s32 s10, s30;
	s11 =	sadd.s32 s11, s30;
	s23 =	sadd.s32 s13, s30  }
0x12: {  	s24 =	sadd.s32 s14, s30;
	s15 =	sadd.s32 s0, s15;
	s10 =	sshll.u32 s10, $0x4  }
0x13: {  	s22 =	sshll.u32 s11, $0x4;
	s11 =	sshll.u32 s24, $0x4;
	s24 =	simm.s32 $0x2  }
0x14: {  	[dreg:$0x3] =	wrdreg s15;
	s15 =	sadd.s32 s0, s25;
	s10 =	sadd.s32 s0, s10  }
0x15: {  	v1 =	vmov s30;
	s25 =	sadd.s32 s17, s30;
	s30 =	simm.s32 $0x1;
	[dreg:$0x4] =	wrdreg s15  }
0x16: {  	s15 =	sadd.s32 s0, s18;
	[dreg:$0x8] =	wrdreg s10;
	s10 =	sadd.s32 s0, s22  }
0x17: {  	s18 =	sadd.s32 s0, s11;
	s26 =	sshll.u32 s25, $0x4;
	s22 =	sadd.s32 $0x57800, s1  }
0x18: {  	s25 =	simm.s32 $0x14000;
	[dreg:$0x5] =	wrdreg s15;
	s15 =	sadd.s32 s0, s20  }
0x19: {  	[dreg:$0x9] =	wrdreg s10;
	s10 =	sshll.u32 s23, $0x4;
	s19 =	sadd.s32 s0, s26  }
0x1a: {  	s20 =	smax.u32 s12, $0x1;
	[dreg:$0x6] =	wrdreg s15;
	s15 =	sshll.u32 s21, $0x4  }
0x1b: {  	s23 =	simm.s32 $0x18100;
	s26 =	simm.s32 $0x14080;
	s15 =	sadd.s32 s0, s15  }
0x1c: {  	v2 =	vimm.f32 $0.0e+00;
	s17 =	sadd.s32 s0, s10;
	s21 =	sadd.s32 $0x2800, s1;
	[dreg:$0x7] =	wrdreg s15  }
.LBB2_1:
0x1d: {  	s0 =	simm.s32 $0x0;
	s1 =	simm.s32 $0x200  }
.LBB2_2:
0x1e: {  	p0 =	sne.s32 s1, $0xFE00;
	[tilespmem:s0+$0x18170] =	vst v2  }
0x1f: {  	[tilespmem:s0+$0x18100] =	vst v2  }
0x20: {  	[tilespmem:s0+$0x18110] =	vst v2  }
.Ltmp0:
0x21: {  	[tilespmem:s0+$0x18120] =	vst v2;
	(pc) =	sbr.rel @p0 .LBB2_2-.Ltmp0, $4  }
0x22: {  	[tilespmem:s0+$0x18130] =	vst v2  }
0x23: {  	[tilespmem:s0+$0x18140] =	vst v2  }
0x24: {  	[tilespmem:s0+$0x18150] =	vst v2  }
0x25: {  	[tilespmem:s0+$0x18160] =	vst v2;
	s0 =	sshra.s32 s1, $0x2;
	s1 =	sadd.s32 $0x200, s1  }
0x26: {  	[tilespmem:s0+$0x18170] =	vst v2  }
0x27: {  	[tilespmem:s0+$0x18100] =	vst v2  }
0x28: {  	[tilespmem:s0+$0x18110] =	vst v2  }
0x29: {  	[tilespmem:s0+$0x18120] =	vst v2  }
0x2a: {  	[tilespmem:s0+$0x18130] =	vst v2  }
0x2b: {  	[tilespmem:s0+$0x18140] =	vst v2  }
0x2c: {  	[tilespmem:s0+$0x18150] =	vst v2  }
0x2d: {  	[tilespmem:s0+$0x18160] =	vst v2  }
0x2e: {  	[spmem:s5] =	stream.linear.scatter [tilespmem:s23], [sflag:$0x2], $0x4000, $0x38;
	[tilespmem:$0x1C100] =	vst v63  }
0x2f: {  	_ =	swait.ge [sflag:s24], $0x4000  }
0x30: {  	[sflag:s24] =	ssyncset.done $0x0  }
0x31: {  	[sflag:s24] =	ssyncadd.s32 $0xFFFFC000  }
0x32: {  	[spmem:s6] =	stream.linear.scatter [tilespmem:s23], [sflag:$0x2], $0x4000, $0x38;
	[tilespmem:$0x1C100] =	vst v63  }
0x33: {  	_ =	swait.ge [sflag:s24], $0x4000  }
0x34: {  	[sflag:s24] =	ssyncset.done $0x0  }
0x35: {  	[sflag:s24] =	ssyncadd.s32 $0xFFFFC000  }
0x36: {  	[spmem:s7] =	stream.linear.scatter [tilespmem:s23], [sflag:$0x2], $0x4000, $0x38;
	[tilespmem:$0x1C100] =	vst v63  }
0x37: {  	_ =	swait.ge [sflag:s24], $0x4000  }
0x38: {  	[sflag:s24] =	ssyncset.done $0x0  }
0x39: {  	[sflag:s24] =	ssyncadd.s32 $0xFFFFC000  }
0x3a: {  	[spmem:s8] =	stream.linear.scatter [tilespmem:s23], [sflag:$0x2], $0x4000, $0x38;
	[tilespmem:$0x1C100] =	vst v63  }
0x3b: {  	_ =	swait.ge [sflag:s24], $0x4000  }
0x3c: {  	[sflag:s24] =	ssyncset.done $0x0  }
0x3d: {  	[sflag:s24] =	ssyncadd.s32 $0xFFFFC000  }
0x3e: {  	[spmem:s9] =	stream.linear.scatter [tilespmem:s23], [sflag:$0x2], $0x4000, $0x38;
	[tilespmem:$0x1C100] =	vst v63  }
0x3f: {  	_ =	swait.ge [sflag:s24], $0x4000  }
0x40: {  	[sflag:s24] =	ssyncset.done $0x0  }
0x41: {  	[sflag:s24] =	ssyncadd.s32 $0xFFFFC000  }
0x42: {  	s15 =	sadd.s32 $0x0, s22;
	[bflag:$0x0] =	sbarrier.arrive $0xFFFF  }
0x43: {  	[tilespmem:s25], [sflag:$0x2] =	stream.linear.gather [hbm4b:s15+s3], $0x80, $0x38;
	[tilespmem:$0x1C100] =	vst v63  }
0x44: {  	_ =	swait.ge [sflag:s24], $0x80  }
0x45: {  	[sflag:s24] =	ssyncset.done $0x0  }
0x46: {  	s16 =	sadd.s32 $0x0, s21;
	[sflag:s24] =	ssyncadd.s32 $0xFFFFFF80  }
0x47: {  	[tilespmem:s26], [sflag:$0x2] =	stream.linear.gather [hbm4b:s16+s3], $0x80, $0x38;
	[tilespmem:$0x1C100] =	vst v63  }
0x48: {  	_ =	swait.ge [sflag:s24], $0x80  }
0x49: {  	[sflag:s24] =	ssyncset.done $0x0  }
0x4a: {  	[sflag:s24] =	ssyncadd.s32 $0xFFFFFF80  }
0x4b: {  	v3 =	vld [tilespmem:$0x14070]  }
0x4c: {  	v4 =	vld [tilespmem:$0x14030]  }
0x4d: {  	v5 =	vld [tilespmem:$0x14050]  }
0x4e: {  	v6 =	vld [tilespmem:$0x14060]  }
0x4f: {  	v7 =	vld [tilespmem:$0x14020]  }
0x50: {  	v8 =	vld [tilespmem:$0x14010];
	v3 =	vadd.s32 v0, v3  }
0x51: {  	v9 =	vld [tilespmem:$0x14040];
	v4 =	vadd.s32 v0, v4;
	[tilespmem:$0x14070] =	vst v3  }
0x52: {  	v59 =	vadd.s32 v0, v5;
	v3 =	vld [tilespmem:$0x14000];
	[tilespmem:$0x14030] =	vst v4  }
0x53: {  	v60 =	vadd.s32 v0, v6;
	[tilespmem:$0x14050] =	vst v59  }
0x54: {  	v61 =	vadd.s32 v0, v7;
	[tilespmem:$0x14060] =	vst v60  }
0x55: {  	v62 =	vadd.s32 v0, v8;
	[tilespmem:$0x14020] =	vst v61  }
0x56: {  	v63 =	vadd.s32 v0, v9;
	[tilespmem:$0x14010] =	vst v62  }
0x57: {  	[tilespmem:$0x14040] =	vst v63;
	v3 =	vadd.s32 v0, v3  }
0x58: {  	s0 =	simm.s32 $0x10;
	[tilespmem:$0x14000] =	vst v3  }
.LBB2_4:
0x59: {  	[tilespmem:s29], [sflag:$0x1] =	stream.indirect.gather [hbm4b:s4+s28], $0x80, s25, s28, $0xb8;
	[tilespmem:$0x1C100] =	vst v63  }
0x5a: {  	s1 =	smov.u32 s0  }
0x5b: {  	p0 =	sne.s32 s0, $0x4F0;
	s0 =	sadd.s32 $0x10, s0;
	_ =	swait.ge [sflag:s30], $0x4000  }
0x5c: {  	[sflag:s30] =	ssyncset.done $0x0  }
0x5d: {  	[sflag:s30] =	ssyncadd.s32 $0xFFFFC000  }
0x5e: {  	[spmem:s2] =	stream.indirect.scatter.add.f32 [tilespmem:s29], [sflag:$0x2], $0x80, s26, s28, $0xb8;
	[tilespmem:$0x1C100] =	vst v63  }
0x5f: {  	_ =	swait.ge [sflag:s24], $0x4000  }
0x60: {  	[sflag:s24] =	ssyncset.done $0x0  }
0x61: {  	s10 =	sadd.s32 s1, s22;
	[sflag:s24] =	ssyncadd.s32 $0xFFFFC000  }
0x62: {  	[tilespmem:s25], [sflag:$0x2] =	stream.linear.gather [hbm4b:s10+s3], $0x80, $0x38;
	[tilespmem:$0x1C100] =	vst v63  }
0x63: {  	_ =	swait.ge [sflag:s24], $0x80  }
0x64: {  	[sflag:s24] =	ssyncset.done $0x0  }
0x65: {  	s1 =	sadd.s32 s1, s21;
	[sflag:s24] =	ssyncadd.s32 $0xFFFFFF80  }
0x66: {  	[tilespmem:s26], [sflag:$0x2] =	stream.linear.gather [hbm4b:s1+s3], $0x80, $0x38;
	[tilespmem:$0x1C100] =	vst v63  }
0x67: {  	_ =	swait.ge [sflag:s24], $0x80  }
0x68: {  	[sflag:s24] =	ssyncset.done $0x0  }
0x69: {  	[sflag:s24] =	ssyncadd.s32 $0xFFFFFF80  }
0x6a: {  	v3 =	vld [tilespmem:$0x14070]  }
0x6b: {  	v4 =	vld [tilespmem:$0x14030]  }
0x6c: {  	v5 =	vld [tilespmem:$0x14050]  }
0x6d: {  	v6 =	vld [tilespmem:$0x14060]  }
0x6e: {  	v7 =	vld [tilespmem:$0x14020]  }
0x6f: {  	v8 =	vld [tilespmem:$0x14010];
	v3 =	vadd.s32 v0, v3  }
0x70: {  	v4 =	vadd.s32 v0, v4;
	v9 =	vld [tilespmem:$0x14040];
	[tilespmem:$0x14070] =	vst v3  }
0x71: {  	v3 =	vld [tilespmem:$0x14000];
	[tilespmem:$0x14030] =	vst v4;
	v4 =	vadd.s32 v0, v5  }
0x72: {  	[tilespmem:$0x14050] =	vst v4;
	v4 =	vadd.s32 v0, v6  }
.Ltmp1:
0x73: {  	v5 =	vadd.s32 v0, v7;
	[tilespmem:$0x14060] =	vst v4;
	(pc) =	sbr.rel @p0 .LBB2_4-.Ltmp1, $4  }
0x74: {  	v4 =	vadd.s32 v0, v8;
	[tilespmem:$0x14020] =	vst v5  }
0x75: {  	[tilespmem:$0x14010] =	vst v4;
	v4 =	vadd.s32 v0, v9  }
0x76: {  	v3 =	vadd.s32 v0, v3;
	[tilespmem:$0x14040] =	vst v4  }
0x77: {  	[tilespmem:$0x14000] =	vst v3  }
0x78: {  	[tilespmem:s29], [sflag:$0x1] =	stream.indirect.gather [hbm4b:s4+s28], $0x80, s25, s28, $0xb8;
	[tilespmem:$0x1C100] =	vst v63  }
0x79: {  	_ =	swait.ge [sflag:s30], $0x4000  }
0x7a: {  	[sflag:s30] =	ssyncset.done $0x0  }
0x7b: {  	[sflag:s30] =	ssyncadd.s32 $0xFFFFC000  }
0x7c: {  	[spmem:s2] =	stream.indirect.scatter.add.f32 [tilespmem:s29], [sflag:$0x2], $0x80, s26, s28, $0xb8;
	[tilespmem:$0x1C100] =	vst v63  }
0x7d: {  	_ =	swait.ge [sflag:s24], $0x4000  }
0x7e: {  	[sflag:s24] =	ssyncset.done $0x0  }
0x7f: {  	s0 =	stileid.u32;
	[sflag:s24] =	ssyncadd.s32 $0xFFFFC000  }
0x80: {  	s0 =	sshll.u32 s0, $0x6;
	[bflag:$0x0] =	sbarrier.arrive $0xFFFF  }
0x81: {  	s1 =	sshrl.u32 s5, $0x3;
	s0 =	sor.u32 $0x1C02, s0;
	s10 =	rddreg [dreg:$0x3]  }
0x82: {  	[hbm:s10], [sflag:s0] =	dma.local [spmem:s1], $0x800  }
0x83: {  	_ =	swait.ge [sflag:s24], $0x800  }
0x84: {  	[sflag:s24] =	ssyncset.done $0x0  }
0x85: {  	s10 =	sshrl.u32 s6, $0x3;
	s11 =	rddreg [dreg:$0x4];
	[sflag:s24] =	ssyncadd.s32 $0xFFFFF800  }
0x86: {  	[hbm:s11], [sflag:s0] =	dma.local [spmem:s10], $0x800  }
0x87: {  	_ =	swait.ge [sflag:s24], $0x800  }
0x88: {  	[sflag:s24] =	ssyncset.done $0x0  }
0x89: {  	s11 =	sshrl.u32 s7, $0x3;
	s12 =	rddreg [dreg:$0x5];
	[sflag:s24] =	ssyncadd.s32 $0xFFFFF800  }
0x8a: {  	[hbm:s12], [sflag:s0] =	dma.local [spmem:s11], $0x800  }
0x8b: {  	_ =	swait.ge [sflag:s24], $0x800  }
0x8c: {  	[sflag:s24] =	ssyncset.done $0x0  }
0x8d: {  	s12 =	sshrl.u32 s8, $0x3;
	s13 =	rddreg [dreg:$0x6];
	[sflag:s24] =	ssyncadd.s32 $0xFFFFF800  }
0x8e: {  	[hbm:s13], [sflag:s0] =	dma.local [spmem:s12], $0x800  }
0x8f: {  	_ =	swait.ge [sflag:s24], $0x800  }
0x90: {  	[sflag:s24] =	ssyncset.done $0x0  }
0x91: {  	s13 =	sshrl.u32 s9, $0x3;
	s14 =	rddreg [dreg:$0x7];
	[sflag:s24] =	ssyncadd.s32 $0xFFFFF800  }
0x92: {  	[hbm:s14], [sflag:s0] =	dma.local [spmem:s13], $0x800  }
0x93: {  	_ =	swait.ge [sflag:s24], $0x800  }
0x94: {  	[sflag:s24] =	ssyncset.done $0x0  }
0x95: {  	[sflag:s24] =	ssyncadd.s32 $0xFFFFF800  }
0x96: {  	[spmem:s5] =	stream.linear.scatter [tilespmem:s23], [sflag:$0x2], $0x4000, $0x38;
	[tilespmem:$0x1C100] =	vst v63  }
0x97: {  	_ =	swait.ge [sflag:s24], $0x4000  }
0x98: {  	[sflag:s24] =	ssyncset.done $0x0  }
0x99: {  	[sflag:s24] =	ssyncadd.s32 $0xFFFFC000  }
0x9a: {  	[spmem:s6] =	stream.linear.scatter [tilespmem:s23], [sflag:$0x2], $0x4000, $0x38;
	[tilespmem:$0x1C100] =	vst v63  }
0x9b: {  	_ =	swait.ge [sflag:s24], $0x4000  }
0x9c: {  	[sflag:s24] =	ssyncset.done $0x0  }
0x9d: {  	[sflag:s24] =	ssyncadd.s32 $0xFFFFC000  }
0x9e: {  	[spmem:s7] =	stream.linear.scatter [tilespmem:s23], [sflag:$0x2], $0x4000, $0x38;
	[tilespmem:$0x1C100] =	vst v63  }
0x9f: {  	_ =	swait.ge [sflag:s24], $0x4000  }
0xa0: {  	[sflag:s24] =	ssyncset.done $0x0  }
0xa1: {  	[sflag:s24] =	ssyncadd.s32 $0xFFFFC000  }
0xa2: {  	[spmem:s8] =	stream.linear.scatter [tilespmem:s23], [sflag:$0x2], $0x4000, $0x38;
	[tilespmem:$0x1C100] =	vst v63  }
0xa3: {  	_ =	swait.ge [sflag:s24], $0x4000  }
0xa4: {  	[sflag:s24] =	ssyncset.done $0x0  }
0xa5: {  	[sflag:s24] =	ssyncadd.s32 $0xFFFFC000  }
0xa6: {  	[spmem:s9] =	stream.linear.scatter [tilespmem:s23], [sflag:$0x2], $0x4000, $0x38;
	[tilespmem:$0x1C100] =	vst v63  }
0xa7: {  	_ =	swait.ge [sflag:s24], $0x4000  }
0xa8: {  	[sflag:s24] =	ssyncset.done $0x0  }
0xa9: {  	[sflag:s24] =	ssyncadd.s32 $0xFFFFC000  }
0xaa: {  	s15 =	sadd.s32 $0x0, s22;
	[bflag:$0x0] =	sbarrier.arrive $0xFFFF  }
0xab: {  	[tilespmem:s25], [sflag:$0x2] =	stream.linear.gather [hbm4b:s15+s3], $0x80, $0x38;
	[tilespmem:$0x1C100] =	vst v63  }
0xac: {  	_ =	swait.ge [sflag:s24], $0x80  }
0xad: {  	[sflag:s24] =	ssyncset.done $0x0  }
0xae: {  	s16 =	sadd.s32 $0x0, s21;
	[sflag:s24] =	ssyncadd.s32 $0xFFFFFF80  }
0xaf: {  	[tilespmem:s26], [sflag:$0x2] =	stream.linear.gather [hbm4b:s16+s3], $0x80, $0x38;
	[tilespmem:$0x1C100] =	vst v63  }
0xb0: {  	_ =	swait.ge [sflag:s24], $0x80  }
0xb1: {  	[sflag:s24] =	ssyncset.done $0x0  }
0xb2: {  	[sflag:s24] =	ssyncadd.s32 $0xFFFFFF80  }
0xb3: {  	v3 =	vld [tilespmem:$0x14070]  }
0xb4: {  	v4 =	vld [tilespmem:$0x14030]  }
0xb5: {  	v5 =	vld [tilespmem:$0x14050]  }
0xb6: {  	v6 =	vld [tilespmem:$0x14060]  }
0xb7: {  	v7 =	vld [tilespmem:$0x14020]  }
0xb8: {  	v8 =	vld [tilespmem:$0x14010];
	v3 =	vadd.s32 v1, v3  }
0xb9: {  	v9 =	vld [tilespmem:$0x14040];
	v4 =	vadd.s32 v1, v4;
	[tilespmem:$0x14070] =	vst v3  }
0xba: {  	v59 =	vadd.s32 v1, v5;
	v3 =	vld [tilespmem:$0x14000];
	[tilespmem:$0x14030] =	vst v4  }
0xbb: {  	v60 =	vadd.s32 v1, v6;
	[tilespmem:$0x14050] =	vst v59  }
0xbc: {  	v61 =	vadd.s32 v1, v7;
	[tilespmem:$0x14060] =	vst v60  }
0xbd: {  	v62 =	vadd.s32 v1, v8;
	[tilespmem:$0x14020] =	vst v61  }
0xbe: {  	v63 =	vadd.s32 v1, v9;
	[tilespmem:$0x14010] =	vst v62  }
0xbf: {  	[tilespmem:$0x14040] =	vst v63;
	v3 =	vadd.s32 v1, v3  }
0xc0: {  	s14 =	simm.s32 $0x10;
	[tilespmem:$0x14000] =	vst v3  }
.LBB2_6:
0xc1: {  	[tilespmem:s29], [sflag:$0x1] =	stream.indirect.gather [hbm4b:s4+s28], $0x80, s25, s28, $0xb8;
	[tilespmem:$0x1C100] =	vst v63  }
0xc2: {  	s15 =	smov.u32 s14  }
0xc3: {  	p0 =	sne.s32 s14, $0x4F0;
	s14 =	sadd.s32 $0x10, s14;
	_ =	swait.ge [sflag:s30], $0x4000  }
0xc4: {  	[sflag:s30] =	ssyncset.done $0x0  }
0xc5: {  	[sflag:s30] =	ssyncadd.s32 $0xFFFFC000  }
0xc6: {  	[spmem:s2] =	stream.indirect.scatter.add.f32 [tilespmem:s29], [sflag:$0x2], $0x80, s26, s28, $0xb8;
	[tilespmem:$0x1C100] =	vst v63  }
0xc7: {  	_ =	swait.ge [sflag:s24], $0x4000  }
0xc8: {  	[sflag:s24] =	ssyncset.done $0x0  }
0xc9: {  	s16 =	sadd.s32 s15, s22;
	[sflag:s24] =	ssyncadd.s32 $0xFFFFC000  }
0xca: {  	[tilespmem:s25], [sflag:$0x2] =	stream.linear.gather [hbm4b:s16+s3], $0x80, $0x38;
	[tilespmem:$0x1C100] =	vst v63  }
0xcb: {  	_ =	swait.ge [sflag:s24], $0x80  }
0xcc: {  	[sflag:s24] =	ssyncset.done $0x0  }
0xcd: {  	s15 =	sadd.s32 s15, s21;
	[sflag:s24] =	ssyncadd.s32 $0xFFFFFF80  }
0xce: {  	[tilespmem:s26], [sflag:$0x2] =	stream.linear.gather [hbm4b:s15+s3], $0x80, $0x38;
	[tilespmem:$0x1C100] =	vst v63  }
0xcf: {  	_ =	swait.ge [sflag:s24], $0x80  }
0xd0: {  	[sflag:s24] =	ssyncset.done $0x0  }
0xd1: {  	[sflag:s24] =	ssyncadd.s32 $0xFFFFFF80  }
0xd2: {  	v3 =	vld [tilespmem:$0x14070]  }
0xd3: {  	v4 =	vld [tilespmem:$0x14030]  }
0xd4: {  	v5 =	vld [tilespmem:$0x14050]  }
0xd5: {  	v6 =	vld [tilespmem:$0x14060]  }
0xd6: {  	v7 =	vld [tilespmem:$0x14020]  }
0xd7: {  	v8 =	vld [tilespmem:$0x14010];
	v3 =	vadd.s32 v1, v3  }
0xd8: {  	v4 =	vadd.s32 v1, v4;
	v9 =	vld [tilespmem:$0x14040];
	[tilespmem:$0x14070] =	vst v3  }
0xd9: {  	v3 =	vld [tilespmem:$0x14000];
	[tilespmem:$0x14030] =	vst v4;
	v4 =	vadd.s32 v1, v5  }
0xda: {  	[tilespmem:$0x14050] =	vst v4;
	v4 =	vadd.s32 v1, v6  }
.Ltmp2:
0xdb: {  	v5 =	vadd.s32 v1, v7;
	[tilespmem:$0x14060] =	vst v4;
	(pc) =	sbr.rel @p0 .LBB2_6-.Ltmp2, $4  }
0xdc: {  	v4 =	vadd.s32 v1, v8;
	[tilespmem:$0x14020] =	vst v5  }
0xdd: {  	[tilespmem:$0x14010] =	vst v4;
	v4 =	vadd.s32 v1, v9  }
0xde: {  	v3 =	vadd.s32 v1, v3;
	[tilespmem:$0x14040] =	vst v4  }
0xdf: {  	[tilespmem:$0x14000] =	vst v3  }
0xe0: {  	[tilespmem:s29], [sflag:$0x1] =	stream.indirect.gather [hbm4b:s4+s28], $0x80, s25, s28, $0xb8;
	[tilespmem:$0x1C100] =	vst v63  }
0xe1: {  	_ =	swait.ge [sflag:s30], $0x4000  }
0xe2: {  	[sflag:s30] =	ssyncset.done $0x0  }
0xe3: {  	[sflag:s30] =	ssyncadd.s32 $0xFFFFC000  }
0xe4: {  	[spmem:s2] =	stream.indirect.scatter.add.f32 [tilespmem:s29], [sflag:$0x2], $0x80, s26, s28, $0xb8;
	[tilespmem:$0x1C100] =	vst v63  }
0xe5: {  	_ =	swait.ge [sflag:s24], $0x4000  }
0xe6: {  	[sflag:s24] =	ssyncset.done $0x0  }
0xe7: {  	[sflag:s24] =	ssyncadd.s32 $0xFFFFC000  }
0xe8: {  	[bflag:$0x0] =	sbarrier.arrive $0xFFFF  }
0xe9: {  	s14 =	rddreg [dreg:$0x8]  }
0xea: {  	[hbm:s14], [sflag:s0] =	dma.local [spmem:s1], $0x800  }
0xeb: {  	_ =	swait.ge [sflag:s24], $0x800  }
0xec: {  	[sflag:s24] =	ssyncset.done $0x0  }
0xed: {  	s16 =	rddreg [dreg:$0x9];
	[sflag:s24] =	ssyncadd.s32 $0xFFFFF800  }
0xee: {  	[hbm:s16], [sflag:s0] =	dma.local [spmem:s10], $0x800  }
0xef: {  	_ =	swait.ge [sflag:s24], $0x800  }
0xf0: {  	[sflag:s24] =	ssyncset.done $0x0  }
0xf1: {  	[sflag:s24] =	ssyncadd.s32 $0xFFFFF800  }
0xf2: {  	[hbm:s17], [sflag:s0] =	dma.local [spmem:s11], $0x800  }
0xf3: {  	_ =	swait.ge [sflag:s24], $0x800  }
0xf4: {  	[sflag:s24] =	ssyncset.done $0x0  }
0xf5: {  	[sflag:s24] =	ssyncadd.s32 $0xFFFFF800  }
0xf6: {  	[hbm:s18], [sflag:s0] =	dma.local [spmem:s12], $0x800  }
0xf7: {  	s31 =	sadd.s32 $0x1, s31;
	_ =	swait.ge [sflag:s24], $0x800  }
0xf8: {  	p0 =	sne.s32 s31, s20;
	[sflag:s24] =	ssyncset.done $0x0  }
.Ltmp3:
0xf9: {  	[sflag:s24] =	ssyncadd.s32 $0xFFFFF800;
	(pc) =	sbr.rel @p0 .LBB2_1-.Ltmp3, $4  }
0xfa: {  	[hbm:s19], [sflag:s0] =	dma.local [spmem:s13], $0x800  }
0xfb: {  	_ =	swait.ge [sflag:s24], $0x800  }
0xfc: {  	[sflag:s24] =	ssyncset.done $0x0  }
0xfd: {  	[sflag:s24] =	ssyncadd.s32 $0xFFFFF800  }
0xfe: {  	_ =	sfence.sel $0x180000  }
0xff: {  	[bflag:$0x0] =	sbarrier.arrive $0xFFFF  }
0x100: {  	_ =	strace $0x9000004D  }
0x101: {  	s0 =	stileid.u32;
	[bflag:$0x2] =	sbarrier.arrive $0xFFFF  }
0x102: {  	p0 =	sne.s32 s0, $0x0;
	s0 =	rddreg [dreg:$0x2]  }
0x103: {  	s0 =	sadd.s32 @!p0 $0x100000, s0  }
0x104: {  	[sflag:s0] =	ssyncadd.tile.s32 @!p0 $0x1;
	_ =	shalt  }
.Lfunc_end2:
_tile_overlayer_lowered:
.L_overlay_start_2:
0x105: {  	(tag) =	ssettag $0x2  }
0x106: {  	s0 =	rddreg [dreg:$0x0];
	s2 =	stileid.u32  }
0x107: {  	s1 =	rddreg [dreg:$0x1];
	p0 =	sne.s32 s2, $0x0  }
0x108: {  	s3 =	rddreg [dreg:$0x2];
	[bflag:$0x3] =	sbarrier.arrive $0xFFFF;
	s2 =	simm.s32 @!p0 $0x1C02  }
0x109: {  	[timem:s3], [sflag:s2] =	dma.local @!p0 [hbm:s0], s1  }
0x10a: {  	s0 =	simm.s32 @!p0 $0x2  }
0x10b: {  	_ =	swait.ge @!p0 [sflag:s0], s1  }
0x10c: {  	s1 =	ssub.s32 @!p0 $0x0, s1;
	[sflag:s0] =	ssyncset.done @!p0 $0x0  }
0x10d: {  	[sflag:s0] =	ssyncadd.s32 @!p0 s1  }
0x10e: {  	[bflag:$0x3] =	sbarrier.arrive $0xFFFF  }
0x10f: {  	_ =	shalt  }

// kernel: kernel.8.cloned.1.call-start
scs
__scs_entry_jumppad:
0x0: {  	(pc) =	sbr.rel $0x88, $3  }
0x1: {  	(tag) =	ssettag $0x0;
	lr =	simm.s32 $0x1  }
0x2: {  	[smem:$0x3F97] =	sst lr;
	_ =	strace $0xD0000000  }
0x3: {  	_ = 	snop  }
0x4: {  	_ = 	snop  }
0x5: {  	_ = 	snop  }
0x6: {  	_ = 	snop  }
0x7: {  	_ = 	snop  }
__scs_overlays_trampoline_lowered:
0x8: {  	[smem:$0x3FA6] =	sst s0  }
0x9: {  	[smem:$0x3FA7] =	sst s1  }
0xa: {  	[smem:$0x3FA8] =	sst s2  }
0xb: {  	[smem:$0x3FA9] =	sst s3  }
0xc: {  	[smem:$0x3FAA] =	sst s4  }
0xd: {  	[smem:$0x3FAB] =	sst s5  }
0xe: {  	[smem:$0x3FAC] =	sst s6  }
0xf: {  	[smem:$0x3FAD] =	sst s7  }
0x10: {  	[smem:$0x3FAE] =	sst s8  }
0x11: {  	[smem:$0x3FAF] =	sst s9;
	s0 =	simm.s32 @!p0 $0x0  }
0x12: {  	s1 =	sld [smem:$0x3F95];
	s0 =	simm.s32 @p0 $0x1  }
0x13: {  	[smem:$0x3FB0] =	sst s0;
	s0 =	simm.s32 @!p1 $0x0  }
0x14: {  	s2 =	sld [smem:$0x3F94];
	s0 =	simm.s32 @p1 $0x1  }
0x15: {  	[smem:$0x3FB1] =	sst s0;
	s0 =	simm.s32 @!p2 $0x0  }
0x16: {  	s3 =	sld [smem:$0x3FDB];
	s0 =	simm.s32 @p2 $0x1  }
0x17: {  	s4 =	simm.s32 $0x1BF5;
	[smem:$0x3FB3] =	sst s0  }
0x18: {  	s0 =	sld [smem:$0x3F96];
	_ =	swait.ge [sflag:s4], $0x0  }
0x19: {  	s7 =	sld [smem:$0x3F97]  }
0x1a: {  	s8 =	sadd.s32 $0xFFFFE003, lr  }
0x1b: {  	s9 =	sadd.s32 $0xFFFFFEF7, lr;
	s5 =	simm.s32 $0xFFFFFFFF;
	p2 =	slt.u32 s8, $0xFFFFF086  }
0x1c: {  	p1 =	slt.u32 s9, $0xF7A;
	s5 =	simm.s32 @!p2 $0x0  }
0x1d: {  	s5 =	simm.s32 @p1 $0x1;
	p0 =	seq.s32 s7, s2  }
0x1e: {  	s7 =	smul.u32 @!p0 $0xF7A, s2;
	p2 =	seq.s32 @!p0 s5, $0x0  }
0x1f: {  	s9 =	smul.u32 $0xF7A, s1;
	s8 =	simm.s32 @!p0 $0x1BF5;
	p2 =	por !p2, p0  }
0x20: {  	[sflag:s8] =	ssyncset.s32 @!p0 $0xFFFFF086;
	s6 =	sadd.s32 @!p0 s3, s7;
	s7 =	simm.s32 @!p0 $0x108  }
0x21: {  	s3 =	sadd.s32 s3, s9;
	s6 =	sadd.s32 @!p0 $0x88, s6;
	s7 =	simm.s32 @p2 $0x1082  }
0x22: {  	[simem:s7], [sflag:s8] =	dma.local @!p0 [hbm:s6], $0xF7A  }
0x23: {  	s9 =	sor.u32 $0xD0000000, s2;
	s6 =	simm.s32 $0x108;
	_ =	swait.ge @!p0 [sflag:s8], $0x0  }
0x24: {  	s3 =	sadd.s32 $0x88, s3;
	s6 =	simm.s32 @!p1 $0x1082;
	[sflag:s4] =	ssyncset.s32 $0xFFFFF086  }
0x25: {  	[simem:s6], [sflag:s4] =	dma.local [hbm:s3], $0xF7A  }
0x26: {  	[smem:$0x3F97] =	sst s1;
	(tag) =	ssettag s2;
	_ =	strace s9  }
0x27: {  	s1 =	sld [smem:$0x3FA7]  }
0x28: {  	s2 =	sld [smem:$0x3FA8]  }
0x29: {  	s4 =	sld [smem:$0x3FAA]  }
0x2a: {  	p0 =	seq.s32 s5, $0x0;
	s5 =	sld [smem:$0x3FAB]  }
0x2b: {  	s6 =	sld [smem:$0x3FAC]  }
0x2c: {  	s7 =	sld [smem:$0x3FAD]  }
0x2d: {  	s3 =	simm.s32 $0x108;
	s8 =	sld [smem:$0x3FAE]  }
0x2e: {  	s3 =	simm.s32 @!p0 $0x1082;
	s9 =	sld [smem:$0x3FAF]  }
0x2f: {  	lr =	sadd.s32 s0, s3;
	s0 =	sld [smem:$0x3FA6]  }
0x30: {  	s3 =	sld [smem:$0x3FA9]  }
0x31: {  	[smem:$0x3FB2] =	sst s10  }
0x32: {  	s10 =	sld [smem:$0x3FB0];
	_ =	sdelay $0x3  }
0x33: {  	p0 =	seq.s32 s10, $0x1;
	s10 =	sld [smem:$0x3FB2];
	_ =	sdelay $0x3  }
0x34: {  	[smem:$0x3FB2] =	sst s10  }
0x35: {  	s10 =	sld [smem:$0x3FB1];
	_ =	sdelay $0x3  }
0x36: {  	p1 =	seq.s32 s10, $0x1;
	s10 =	sld [smem:$0x3FB2];
	_ =	sdelay $0x3  }
0x37: {  	[smem:$0x3FB2] =	sst s10  }
0x38: {  	s10 =	sld [smem:$0x3FB3]  }
0x39: {  	_ = 	snop;
	(pc) =	sbr.ind lr, $3  }
0x3a: {  	_ = 	snop  }
0x3b: {  	_ = 	snop  }
0x3c: {  	p2 =	seq.s32 s10, $0x1;
	s10 =	sld [smem:$0x3FB2]  }
0x3d: {  	_ =	shalt  }
0x3e: {  	_ =	shalt  }
0x3f: {  	_ =	shalt  }
0x40: {  	_ =	shalt  }
0x41: {  	_ =	shalt  }
0x42: {  	_ =	shalt  }
0x43: {  	_ =	shalt  }
0x44: {  	_ =	shalt  }
0x45: {  	_ =	shalt  }
0x46: {  	_ =	shalt  }
0x47: {  	_ =	shalt  }
0x48: {  	_ =	shalt  }
0x49: {  	_ =	shalt  }
0x4a: {  	_ =	shalt  }
0x4b: {  	_ =	shalt  }
0x4c: {  	_ =	shalt  }
0x4d: {  	_ =	shalt  }
0x4e: {  	_ =	shalt  }
0x4f: {  	_ =	shalt  }
0x50: {  	_ =	shalt  }
0x51: {  	_ =	shalt  }
0x52: {  	_ =	shalt  }
0x53: {  	_ =	shalt  }
0x54: {  	_ =	shalt  }
0x55: {  	_ =	shalt  }
0x56: {  	_ =	shalt  }
0x57: {  	_ =	shalt  }
0x58: {  	_ =	shalt  }
0x59: {  	_ =	shalt  }
0x5a: {  	_ =	shalt  }
0x5b: {  	_ =	shalt  }
0x5c: {  	_ =	shalt  }
0x5d: {  	_ =	shalt  }
0x5e: {  	_ =	shalt  }
0x5f: {  	_ =	shalt  }
0x60: {  	_ =	shalt  }
0x61: {  	_ =	shalt  }
0x62: {  	_ =	shalt  }
0x63: {  	_ =	shalt  }
0x64: {  	_ =	shalt  }
0x65: {  	_ =	shalt  }
0x66: {  	_ =	shalt  }
0x67: {  	_ =	shalt  }
0x68: {  	_ =	shalt  }
0x69: {  	_ =	shalt  }
0x6a: {  	_ =	shalt  }
0x6b: {  	_ =	shalt  }
0x6c: {  	_ =	shalt  }
0x6d: {  	_ =	shalt  }
0x6e: {  	_ =	shalt  }
0x6f: {  	_ =	shalt  }
0x70: {  	_ =	shalt  }
0x71: {  	_ =	shalt  }
0x72: {  	_ =	shalt  }
0x73: {  	_ =	shalt  }
0x74: {  	_ =	shalt  }
0x75: {  	_ =	shalt  }
0x76: {  	_ =	shalt  }
0x77: {  	_ =	shalt  }
0x78: {  	_ =	shalt  }
0x79: {  	_ =	shalt  }
0x7a: {  	_ =	shalt  }
0x7b: {  	_ =	shalt  }
0x7c: {  	_ =	shalt  }
0x7d: {  	_ =	shalt  }
0x7e: {  	_ =	shalt  }
0x7f: {  	_ =	shalt  }
0x80: {  	_ =	shalt  }
0x81: {  	_ =	shalt  }
0x82: {  	_ =	shalt  }
0x83: {  	_ =	shalt  }
0x84: {  	_ =	shalt  }
0x85: {  	_ =	shalt  }
0x86: {  	_ =	shalt  }
0x87: {  	_ =	shalt  }
.Lfunc_end0:
.L_simem_size_0:
called_computation_lowered:
.L_overlay_start_0:
0x88: {  	s2 =	sld [smem:$0x3FD9]  }
0x89: {  	s3 =	sld [smem:$0x3FFE];
	_ =	sdelay $0x1  }
0x8a: {  	s1 =	srdreg.scid  }
0x8b: {  	s0 =	sand.u32 $0x1, s1  }
0x8c: {  	s16 =	sshll.u32 s0, $0xA;
	s2 =	sadd.s32 s3, s2  }
0x8d: {  	s2 =	sadd.s32 s2, s16  }
0x8e: {  	[smem:$0x3FBE] =	sst s2  }
0x8f: {  	_ = 	snop  }
0x90: {  	(tm) =	ssettm $0x1  }
0x91: {  	s17 =	sld [smem:$0x3FFB];
	_ =	sdelay $0x3  }
0x92: {  	_ =	strace s17  }
0x93: {  	s2 =	sld [smem:$0x3FFC];
	_ =	sdelay $0x3  }
0x94: {  	_ =	strace s2  }
0x95: {  	s2 =	sld [smem:$0x3FFD];
	_ =	sdelay $0x3  }
0x96: {  	_ =	strace s2  }
0x97: {  	_ =	strace $0x8FFFFFFF  }
0x98: {  	s18 =	sld [smem:$0x3FDB];
	_ =	sdelay $0x1  }
0x99: {  	s19 =	simm.s32 $_scs_section_size  }
0x9a: {  	s4 =	simm.s32 $_size__tile_overlayer_lowered;
	s5 =	simm.s32 $_tile_overlayer_lowered  }
0x9b: {  	s22 =	simm.s32 $0x1BFF;
	s21 =	sshll.u32 s5, $0x1;
	s2 =	sadd.s32 s19, s18  }
0x9c: {  	s6 =	simm.s32 $0x0;
	s20 =	sshll.u32 s4, $0x1;
	s4 =	sadd.s32 s21, s2  }
0x9d: {  	[timem:s6], [sflag:s22] =	dma.local [hbm:s4], s20  }
0x9e: {  	_ =	swait.ge [sflag:s22], s20  }
0x9f: {  	s3 =	ssub.s32 $0x0, s20;
	[sflag:s22] =	ssyncset.done $0x0  }
0xa0: {  	[sflag:s22] =	ssyncadd.s32 s3;
	_ =	sdelay $0x1  }
0xa1: {  	s23 =	simm.s32 $0x1B8B  }
0xa2: {  	_ =	swait.ge [sflag:s23], $0x1  }
0xa3: {  	[sflag:s23] =	ssyncset.done $0x0  }
0xa4: {  	s25 =	simm.s32 $0x1B8E;
	s24 =	sld [smem:$0x3FFE];
	[sflag:s23] =	ssyncadd.s32 $0xFFFFFFFF  }
0xa5: {  	s26 =	simm.s32 $execute0_lowered;
	[smem:$0x3FD2] =	sst s25  }
0xa6: {  	s4 =	sshll.u32 s26, $0x1;
	_ =	strace $0x80000046;
	[dreg:$0x1] =	wrdreg $0xFFFFFFFF  }
0xa7: {  	s28 =	simm.s32 $_size_execute0_lowered;
	s2 =	sadd.s32 s2, s4;
	[dreg:$0x0] =	wrdreg $0x0  }
0xa8: {  	s4 =	sshll.u32 s28, $0x1;
	[dreg:$0x2] =	wrdreg s2  }
0xa9: {  	[dreg:$0x3] =	wrdreg s4  }
0xaa: {  	[dreg:$0x4] =	wrdreg $0xC0  }
0xab: {  	_ =	task [dreg:s6], $0x5FFFF  }
0xac: {  	[dreg:$0x1] =	wrdreg $0xFFFFFFFF  }
0xad: {  	[dreg:$0x0] =	wrdreg $0x60  }
0xae: {  	[dreg:$0x2] =	wrdreg s24  }
0xaf: {  	[dreg:$0x3] =	wrdreg $0x0  }
0xb0: {  	[dreg:$0x4] =	wrdreg $0x9  }
0xb1: {  	_ =	task.clear_ibuf [dreg:s6], $0x5FFFF;
	_ =	strace $0x90000046  }
0xb2: {  	s29 =	simm.s32 $0x9;
	_ =	strace $0x80000048  }
0xb3: {  	_ =	swait.ge [sflag:s29], $0x1  }
0xb4: {  	[sflag:s29] =	ssyncadd.s32 $0xFFFFFFFF  }
0xb5: {  	_ =	strace $0x90000048  }
0xb6: {  	_ =	sfence  }
0xb7: {  	s30 =	sld [smem:$0x0];
	_ =	sdelay $0x2  }
0xb8: {  	s31 =	sshll.u32 s1, $0xD;
	s1 =	sshrl.u32 s1, $0x2  }
0xb9: {  	s3 =	sand.u32 $0x4000, s31;
	s1 =	sadd.s32 s1, s30  }
0xba: {  	s0 =	sor.u32 s3, s0;
	s1 =	sshll.u32 s1, $0x11  }
0xbb: {  	s0 =	sor.u32 s1, s0  }
0xbc: {  	s0 =	sadd.s32 $0x8F2B, s0  }
0xbd: {  	[sflag:s0] =	ssyncadd.remote.s32 $0x1  }
0xbe: {  	_ =	sfence.sel $0xFFFF  }
0xbf: {  	[dreg:$0x0] =	wrdreg $0xFFFFFFFF;
	(pc) =	sbr.abs _section_cstart, $3  }
0xc0: {  	[dreg:$0x1] =	wrdreg $0xFFFFFFFF  }
0xc1: {  	_ =	task.clear_ibuf [dreg:s6], $0x2FFFF;
	_ =	strace $0x9FFFFFFF  }
0xc2: {  	(tm) =	ssettm $0x7FFFFFFF  }
0xc3: {  	_ =	shalt  }
tec
execute0_lowered:
.L_overlay_start_1:
0x0: {  	(tag) =	ssettag $0x1  }
0x1: {  	s4 =	rddreg [dreg:$0x0]  }
0x2: {  	s2 =	rddreg [dreg:$0x1]  }
0x3: {  	s0 =	rddreg [dreg:$0x2];
	s1 =	stileid.u32  }
0x4: {  	s3 =	simm.s32 $0x0;
	s6 =	srdreg.scid;
	s5 =	smul.u32 $0x500, s1  }
0x5: {  	[smem:$0x7FF] =	sst s3;
	s8 =	smul.u32 $0x280, s1  }
0x6: {  	s11 =	sand.u32 $0x1, s6;
	s20 =	smul.u32 $0x50000, s1;
	s14 =	sadd.s32 $0x7800, s4  }
0x7: {  	_ =	strace $0x80000047;
	s21 =	ssub.s32 $0x2, s11;
	s17 =	smul.u32 $0x2800, s11  }
0x8: {  	s28 =	smul.u32 $0x280, s11;
	s13 =	sadd.s32 s5, s4;
	s22 =	sshrl.u32 s21, $0x1  }
0x9: {  	s6 =	sshrl.u32 s20, $0x2;
	s9 =	sadd.s32 $0x80, s8;
	s12 =	sadd.s32 $0x100, s8  }
0xa: {  	s16 =	sadd.s32 $0x180, s8;
	s18 =	sadd.s32 $0x200, s8;
	s20 =	simm.s32 $0x2880  }
0xb: {  	s15 =	ssub.s32 s21, s22;
	s4 =	sadd.s32 s6, s2;
	s23 =	sshll.u32 s9, $0x7  }
0xc: {  	s24 =	sshll.u32 s12, $0x7;
	s7 =	sshll.u32 s16, $0x7;
	s10 =	sshll.u32 s18, $0x7  }
0xd: {  	s19 =	sadd.s32 s8, s17;
	s9 =	sadd.s32 s17, s9;
	s12 =	sadd.s32 s17, s12  }
0xe: {  	s16 =	sadd.s32 s17, s16;
	s30 =	sadd.s32 s17, s18;
	s31 =	sadd.s32 s28, s13  }
0xf: {  	s17 =	simm.s32 $0x1;
	s18 =	simm.s32 $0x2800;
	s21 =	simm.s32 $0x0  }
0x10: {  	s5 =	sadd.s32 s23, s2;
	s6 =	sadd.s32 s24, s2;
	s7 =	sadd.s32 s7, s2  }
0x11: {  	s8 =	sadd.s32 s10, s2;
	s25 =	sshll.u32 s19, $0x4;
	s26 =	sshll.u32 s9, $0x4  }
0x12: {  	s12 =	sshll.u32 s12, $0x4;
	s29 =	sshll.u32 s16, $0x4;
	s16 =	sshll.u32 s30, $0x4  }
0x13: {  	s19 =	simm.s32 $0x80;
	s9 =	sadd.s32 s14, s25;
	s10 =	sadd.s32 s14, s26  }
0x14: {  	s11 =	sadd.s32 s14, s12;
	s12 =	sadd.s32 s14, s29;
	s13 =	sadd.s32 s14, s16  }
0x15: {  	v0 =	vimm.f32 $1.000000000e+00;
	v1 =	vimm.f32 $0.0e+00;
	s14 =	smax.u32 s15, $0x1;
	s15 =	sadd.s32 $0x2800, s31;
	s16 =	simm.s32 $0x6880  }
.LBB2_1:
0x16: {  	s22 =	simm.s32 $0x200;
	s23 =	simm.s32 $0x0  }
.LBB2_2:
0x17: {  	p0 =	sne.s32 s22, $0xFE00;
	[tilespmem:s23+$0x2880] =	vst v0;
	s24 =	smov.u32 s22;
	s22 =	sadd.s32 $0x200, s22  }
.Ltmp0:
0x18: {  	[tilespmem:s23+$0x6880] =	vst v1;
	(pc) =	sbr.rel @p0 .LBB2_2-.Ltmp0, $2  }
0x19: {  	_ =	sdelay $0x2  }
0x1a: {  	s23 =	sshra.s32 s24, $0x2  }
0x1b: {  	[tilespmem:s23+$0x2880] =	vst v0  }
0x1c: {  	[tilespmem:s23+$0x6880] =	vst v1  }
0x1d: {  	[spmem:s4] =	stream.linear.scatter [tilespmem:s16], [sflag:$0x1], $0x4000, $0x38;
	[tilespmem:$0xA880] =	vst v63  }
0x1e: {  	_ =	swait.ge [sflag:s17], $0x4000  }
0x1f: {  	[sflag:s17] =	ssyncset.done $0x0  }
0x20: {  	[sflag:s17] =	ssyncadd.s32 $0xFFFFC000  }
0x21: {  	[spmem:s5] =	stream.linear.scatter [tilespmem:s16], [sflag:$0x1], $0x4000, $0x38;
	[tilespmem:$0xA880] =	vst v63  }
0x22: {  	_ =	swait.ge [sflag:s17], $0x4000  }
0x23: {  	[sflag:s17] =	ssyncset.done $0x0  }
0x24: {  	[sflag:s17] =	ssyncadd.s32 $0xFFFFC000  }
0x25: {  	[spmem:s6] =	stream.linear.scatter [tilespmem:s16], [sflag:$0x1], $0x4000, $0x38;
	[tilespmem:$0xA880] =	vst v63  }
0x26: {  	_ =	swait.ge [sflag:s17], $0x4000  }
0x27: {  	[sflag:s17] =	ssyncset.done $0x0  }
0x28: {  	[sflag:s17] =	ssyncadd.s32 $0xFFFFC000  }
0x29: {  	[spmem:s7] =	stream.linear.scatter [tilespmem:s16], [sflag:$0x1], $0x4000, $0x38;
	[tilespmem:$0xA880] =	vst v63  }
0x2a: {  	_ =	swait.ge [sflag:s17], $0x4000  }
0x2b: {  	[sflag:s17] =	ssyncset.done $0x0  }
0x2c: {  	[sflag:s17] =	ssyncadd.s32 $0xFFFFC000  }
0x2d: {  	[spmem:s8] =	stream.linear.scatter [tilespmem:s16], [sflag:$0x1], $0x4000, $0x38;
	[tilespmem:$0xA880] =	vst v63  }
0x2e: {  	_ =	swait.ge [sflag:s17], $0x4000  }
0x2f: {  	[sflag:s17] =	ssyncset.done $0x0  }
0x30: {  	[sflag:s17] =	ssyncadd.s32 $0xFFFFC000  }
0x31: {  	s22 =	sadd.s32 $0x0, s15;
	[bflag:$0x0] =	sbarrier.arrive $0xFFFF  }
0x32: {  	[tilespmem:s18], [sflag:$0x1] =	stream.linear.gather [hbm4b:s22+s3], $0x80, $0x38;
	[tilespmem:$0xA880] =	vst v63  }
0x33: {  	_ =	swait.ge [sflag:s17], $0x80  }
0x34: {  	[sflag:s17] =	ssyncset.done $0x0  }
0x35: {  	[sflag:s17] =	ssyncadd.s32 $0xFFFFFF80  }
0x36: {  	[spmem:s2] =	stream.indirect.scatter.add.f32 [tilespmem:s20], [sflag:$0x1], $0x10, s18, s19, $0xb8;
	[tilespmem:$0xA880] =	vst v63  }
0x37: {  	_ =	swait.ge [sflag:s17], $0x800  }
0x38: {  	s23 =	simm.s32 $0x20;
	s22 =	simm.s32 $0x10;
	[sflag:s17] =	ssyncset.done $0x0  }
.LBB2_4:
0x39: {  	s24 =	sadd.s32 s22, s15  }
0x3a: {  	[sflag:s17] =	ssyncadd.s32 $0xFFFFF800;
	s22 =	smov.u32 s23;
	s25 =	sadd.s32 $0x10, s23  }
0x3b: {  	[tilespmem:s18], [sflag:$0x1] =	stream.linear.gather [hbm4b:s24+s3], $0x80, $0x38;
	[tilespmem:$0xA880] =	vst v63  }
0x3c: {  	p0 =	sne.s32 s23, $0x270;
	_ =	swait.ge [sflag:s17], $0x80  }
.Ltmp1:
0x3d: {  	[sflag:s17] =	ssyncset.done $0x0;
	(pc) =	sbr.rel @p0 .LBB2_4-.Ltmp1, $4  }
0x3e: {  	[sflag:s17] =	ssyncadd.s32 $0xFFFFFF80  }
0x3f: {  	[spmem:s2] =	stream.indirect.scatter.add.f32 [tilespmem:s20], [sflag:$0x1], $0x10, s18, s19, $0xb8;
	[tilespmem:$0xA880] =	vst v63  }
0x40: {  	_ =	swait.ge [sflag:s17], $0x800  }
0x41: {  	s23 =	smov.u32 s25;
	[sflag:s17] =	ssyncset.done $0x0  }
0x42: {  	s22 =	sadd.s32 s22, s15;
	[sflag:s17] =	ssyncadd.s32 $0xFFFFF800  }
0x43: {  	[tilespmem:s18], [sflag:$0x1] =	stream.linear.gather [hbm4b:s22+s3], $0x80, $0x38;
	[tilespmem:$0xA880] =	vst v63  }
0x44: {  	_ =	swait.ge [sflag:s17], $0x80  }
0x45: {  	[sflag:s17] =	ssyncset.done $0x0  }
0x46: {  	[sflag:s17] =	ssyncadd.s32 $0xFFFFFF80  }
0x47: {  	[spmem:s2] =	stream.indirect.scatter.add.f32 [tilespmem:s20], [sflag:$0x1], $0x10, s18, s19, $0xb8;
	[tilespmem:$0xA880] =	vst v63  }
0x48: {  	_ =	swait.ge [sflag:s17], $0x800  }
0x49: {  	[sflag:s17] =	ssyncset.done $0x0  }
0x4a: {  	s26 =	sshll.u32 s1, $0x6;
	[sflag:s17] =	ssyncadd.s32 $0xFFFFF800  }
0x4b: {  	s23 =	sshrl.u32 s4, $0x3;
	s22 =	sor.u32 $0x1C01, s26;
	[bflag:$0x0] =	sbarrier.arrive $0xFFFF  }
0x4c: {  	[hbm:s9], [sflag:s22] =	dma.local [spmem:s23], $0x800  }
0x4d: {  	_ =	swait.ge [sflag:s17], $0x800  }
0x4e: {  	[sflag:s17] =	ssyncset.done $0x0  }
0x4f: {  	s28 =	sshrl.u32 s5, $0x3;
	[sflag:s17] =	ssyncadd.s32 $0xFFFFF800  }
0x50: {  	[hbm:s10], [sflag:s22] =	dma.local [spmem:s28], $0x800  }
0x51: {  	_ =	swait.ge [sflag:s17], $0x800  }
0x52: {  	[sflag:s17] =	ssyncset.done $0x0  }
0x53: {  	s29 =	sshrl.u32 s6, $0x3;
	[sflag:s17] =	ssyncadd.s32 $0xFFFFF800  }
0x54: {  	[hbm:s11], [sflag:s22] =	dma.local [spmem:s29], $0x800  }
0x55: {  	_ =	swait.ge [sflag:s17], $0x800  }
0x56: {  	[sflag:s17] =	ssyncset.done $0x0  }
0x57: {  	s30 =	sshrl.u32 s7, $0x3;
	[sflag:s17] =	ssyncadd.s32 $0xFFFFF800  }
0x58: {  	[hbm:s12], [sflag:s22] =	dma.local [spmem:s30], $0x800  }
0x59: {  	s21 =	sadd.s32 $0x1, s21;
	_ =	swait.ge [sflag:s17], $0x800  }
0x5a: {  	p0 =	sne.s32 s21, s14;
	[sflag:s17] =	ssyncset.done $0x0  }
.Ltmp2:
0x5b: {  	s31 =	sshrl.u32 s8, $0x3;
	[sflag:s17] =	ssyncadd.s32 $0xFFFFF800;
	(pc) =	sbr.rel @p0 .LBB2_1-.Ltmp2, $4  }
0x5c: {  	[hbm:s13], [sflag:s22] =	dma.local [spmem:s31], $0x800  }
0x5d: {  	_ =	swait.ge [sflag:s17], $0x800  }
0x5e: {  	[sflag:s17] =	ssyncset.done $0x0  }
0x5f: {  	[sflag:s17] =	ssyncadd.s32 $0xFFFFF800  }
0x60: {  	_ =	sfence.sel $0x180000  }
0x61: {  	[bflag:$0x0] =	sbarrier.arrive $0xFFFF  }
0x62: {  	p0 =	sne.s32 s1, $0x0;
	_ =	strace $0x90000047  }
0x63: {  	s0 =	sadd.s32 @!p0 $0x100000, s0;
	[bflag:$0x2] =	sbarrier.arrive $0xFFFF  }
0x64: {  	[sflag:s0] =	ssyncadd.tile.s32 @!p0 $0x1;
	_ =	shalt  }
.Lfunc_end2:
_tile_overlayer_lowered:
.L_overlay_start_2:
0x65: {  	(tag) =	ssettag $0x2  }
0x66: {  	s0 =	rddreg [dreg:$0x0];
	s2 =	stileid.u32  }
0x67: {  	s1 =	rddreg [dreg:$0x1];
	p0 =	sne.s32 s2, $0x0  }
0x68: {  	s3 =	rddreg [dreg:$0x2];
	[bflag:$0x3] =	sbarrier.arrive $0xFFFF;
	s2 =	simm.s32 @!p0 $0x1C01  }
0x69: {  	[timem:s3], [sflag:s2] =	dma.local @!p0 [hbm:s0], s1  }
0x6a: {  	s0 =	simm.s32 @!p0 $0x1  }
0x6b: {  	_ =	swait.ge @!p0 [sflag:s0], s1  }
0x6c: {  	s1 =	ssub.s32 @!p0 $0x0, s1;
	[sflag:s0] =	ssyncset.done @!p0 $0x0  }
0x6d: {  	[sflag:s0] =	ssyncadd.s32 @!p0 s1  }
0x6e: {  	[bflag:$0x3] =	sbarrier.arrive $0xFFFF  }
0x6f: {  	_ =	shalt  }

</sc_bundles>
